<compile_context>
chip_gen: v7x
topology: tpu7x:2x2x1
jax: 0.10.2.dev20260603
libtpu: 0.0.44.dev20260713+nightly
codegen_flags: <defaults>
</compile_context>

<pallas_src>
import functools

import jax
import jax.numpy as jnp
from jax import lax
from jax.experimental import pallas as pl
from jax.experimental.pallas import tpu as pltpu
from jax.experimental.pallas import tpu_sc as plsc

_NC = 2
_NS = 16
_NW = _NC * _NS
_CHUNK = 128
_WB = 448
_D = 16
_K = 2


def _head_body(x_ref, w_ref, o_ref):
    res = jnp.dot(x_ref[...], w_ref[...], preferred_element_type=jnp.float32)
    o_ref[0] = res[:, :_D]
    o_ref[1] = res[:, _D:]


def _head(x, w, block_rows=2000):
    n, k = x.shape
    return pl.pallas_call(
        _head_body,
        grid=(n // block_rows,),
        in_specs=[
            pl.BlockSpec((block_rows, k), lambda i: (i, 0)),
            pl.BlockSpec((k, 2 * _D), lambda i: (0, 0)),
        ],
        out_specs=pl.BlockSpec((2, block_rows, _D), lambda i: (0, i, 0)),
        out_shape=jax.ShapeDtypeStruct((2, n, _D), jnp.float32),
    )(x, w)


def _mid_body(lo0_ref, lo1_ref, hi0_ref, hi1_ref, y0_ref, y1_ref,
              b1l_ref, b1h_ref, w2l_ref, w2h_ref, b2_ref, w3_ref, z_ref):
    h_lo = jnp.maximum(y0_ref[0] + lo0_ref[0] + lo1_ref[0] + b1l_ref[...], 0.0)
    h_hi = jnp.maximum(y1_ref[0] + hi0_ref[0] + hi1_ref[0] + b1h_ref[...], 0.0)
    t = (jnp.dot(h_lo, w2l_ref[...], preferred_element_type=jnp.float32)
         + jnp.dot(h_hi, w2h_ref[...], preferred_element_type=jnp.float32))
    h = jnp.maximum(t + b2_ref[...], 0.0)
    z_ref[...] = jnp.dot(h, w3_ref[...], preferred_element_type=jnp.float32)


def _mid(parts_lo, parts_hi, y2, b1, w2, b2, w3, block_rows=2000):
    n = y2.shape[1]
    m = w3.shape[1]
    part_spec0 = pl.BlockSpec((1, block_rows, _D), lambda i: (0, i, 0))
    part_spec1 = pl.BlockSpec((1, block_rows, _D), lambda i: (1, i, 0))
    return pl.pallas_call(
        _mid_body,
        grid=(n // block_rows,),
        in_specs=[
            part_spec0, part_spec1, part_spec0, part_spec1,
            part_spec0, part_spec1,
            pl.BlockSpec((1, _D), lambda i: (0, 0)),
            pl.BlockSpec((1, _D), lambda i: (0, 0)),
            pl.BlockSpec((_D, 2 * _D), lambda i: (0, 0)),
            pl.BlockSpec((_D, 2 * _D), lambda i: (0, 0)),
            pl.BlockSpec((1, 2 * _D), lambda i: (0, 0)),
            pl.BlockSpec((2 * _D, m), lambda i: (0, 0)),
        ],
        out_specs=pl.BlockSpec((block_rows, m), lambda i: (i, 0)),
        out_shape=jax.ShapeDtypeStruct((n, m), jnp.float32),
    )(parts_lo, parts_lo, parts_hi, parts_hi, y2, y2,
      b1[:, :_D], b1[:, _D:], w2[:_D, :], w2[_D:, :], b2, w3)


def _out_body(q0_ref, q1_ref, z_ref, b3_ref, w4_ref, b4_ref, o_ref):
    h = z_ref[...] + q0_ref[0] + q1_ref[0] + b3_ref[...]
    h = jnp.maximum(h, 0.0)
    o_ref[...] = jnp.dot(h, w4_ref[...],
                         preferred_element_type=jnp.float32) + b4_ref[...]


def _final(parts, z, b3, w4, b4, block_rows=2000):
    n, d = z.shape
    m = w4.shape[1]
    return pl.pallas_call(
        _out_body,
        grid=(n // block_rows,),
        in_specs=[
            pl.BlockSpec((1, block_rows, d), lambda i: (0, i, 0)),
            pl.BlockSpec((1, block_rows, d), lambda i: (1, i, 0)),
            pl.BlockSpec((block_rows, d), lambda i: (i, 0)),
            pl.BlockSpec((1, d), lambda i: (0, 0)),
            pl.BlockSpec((d, m), lambda i: (0, 0)),
            pl.BlockSpec((1, m), lambda i: (0, 0)),
        ],
        out_specs=pl.BlockSpec((block_rows, m), lambda i: (i, 0)),
        out_shape=jax.ShapeDtypeStruct((n, m), jnp.float32),
    )(parts, parts, z, b3, w4, b4)


@functools.lru_cache(maxsize=None)
def _make_agg(n_acc, rows_per_tile, n_wb, c1):
    mesh = plsc.VectorSubcoreMesh(core_axis_name="c", subcore_axis_name="s")

    @functools.partial(
        pl.kernel,
        out_type=jax.ShapeDtypeStruct((_NC, n_acc, _D), jnp.float32),
        mesh=mesh,
        compiler_params=pltpu.CompilerParams(use_tc_tiling_on_sc=False),
        scratch_types=[
            pltpu.VMEM((c1, _CHUNK), jnp.int32),
            pltpu.VMEM((c1, _CHUNK), jnp.int32),
            pltpu.VMEM((4, _K, _CHUNK, _D), jnp.float32),
            pltpu.VMEM((_WB, _D), jnp.float32),
            pltpu.VMEM_SHARED((n_acc, _D), jnp.float32),
            pltpu.SemaphoreType.DMA((4,)),
            pltpu.SemaphoreType.DMA((4,)),
        ],
    )
    def agg(y_hbm, src_hbm, dst_hbm, out_hbm, src_v, dst_v, bufs_v, wb_v,
            acc_sh, gsem, ssem):
        c = lax.axis_index("c")
        s = lax.axis_index("s")
        wid = s * _NC + c
        base = s * rows_per_tile
        ng = c1 // _K

        zero16 = jnp.zeros((16,), jnp.float32)

        def zero_body(i, carry):
            wb_v[i, pl.ds(0, 16)] = zero16
            return carry

        idx_cp1 = pltpu.async_copy(src_hbm.at[wid], src_v, gsem.at[0])
        idx_cp2 = pltpu.async_copy(dst_hbm.at[wid], dst_v, gsem.at[1])

        lax.fori_loop(0, _WB, zero_body, 0)
        for k in range(n_wb):
            pltpu.sync_copy(wb_v, acc_sh.at[pl.ds(base + k * _WB, _WB)])

        idx_cp1.wait()
        idx_cp2.wait()
        plsc.subcore_barrier()

        def fire_gather(g, p):
            for b in range(_K):
                pltpu.async_copy(y_hbm.at[src_v.at[g * _K + b]],
                                 bufs_v.at[p, b], gsem.at[p])

        def drain_gather(g, p):
            for b in range(_K):
                pltpu.make_async_copy(y_hbm.at[src_v.at[g * _K + b]],
                                      bufs_v.at[p, b], gsem.at[p]).wait()

        def fire_scatter(g, p):
            for b in range(_K):
                pltpu.async_copy(bufs_v.at[p, b],
                                 acc_sh.at[dst_v.at[g * _K + b]],
                                 ssem.at[p], add=True)

        def drain_scatter(g, p):
            for b in range(_K):
                pltpu.make_async_copy(bufs_v.at[p, b],
                                      acc_sh.at[dst_v.at[g * _K + b]],
                                      ssem.at[p]).wait()

        fire_gather(0, 0)
        fire_gather(1, 1)

        def block(g, carry):
            p = lax.rem(g, 4)
            p2 = lax.rem(g + 2, 4)
            drain_gather(g, p)
            fire_scatter(g, p)

            @pl.when(g >= 2)
            def _():
                drain_scatter(g - 2, p2)

            @pl.when(g + 2 < ng)
            def _():
                fire_gather(g + 2, p2)

            return carry

        lax.fori_loop(0, ng, block, 0)
        drain_scatter(ng - 2, (ng - 2) % 4)
        drain_scatter(ng - 1, (ng - 1) % 4)
        plsc.subcore_barrier()

        pltpu.sync_copy(acc_sh.at[pl.ds(base, rows_per_tile)],
                        out_hbm.at[c, pl.ds(base, rows_per_tile)])

    return agg


def kernel(x, edge_index, w1, b1, w2, b2, w3, b3, w4, b4):
    n = x.shape[0]
    e = edge_index.shape[1]
    ei = edge_index.astype(jnp.int32)

    c1 = -(-e // (_NW * _CHUNK))
    c1 = -(-c1 // _K) * _K
    e_pad = _NW * c1 * _CHUNK
    rows_per_tile = -(-n // (_NS * _WB)) * _WB
    n_wb = rows_per_tile // _WB
    n_acc = _NS * rows_per_tile

    src = jnp.concatenate(
        [ei[0], jnp.zeros((e_pad - e,), jnp.int32)]).reshape(_NW, c1, _CHUNK)
    dst = jnp.concatenate(
        [ei[1], jnp.full((e_pad - e,), n, jnp.int32)]).reshape(_NW, c1, _CHUNK)

    agg = _make_agg(n_acc, rows_per_tile, n_wb, c1)

    y2 = _head(x, w1)
    parts_lo = agg(y2[0], src, dst)
    parts_hi = agg(y2[1], src, dst)
    z = _mid(parts_lo, parts_hi, y2, b1.reshape(1, -1), w2,
             b2.reshape(1, -1), w3)
    parts2 = agg(z, src, dst)
    return _final(parts2, z, b3.reshape(1, -1), w4, b4.reshape(1, -1))

# --- scband reference (transcript-rebuilt; emitter-appended) ---
"""Pipeline reference for scband-graph-encoder-14413910245663 (READ-ONLY COPY).

The authoritative reference and input builder live on the scoring server;
editing this copy changes nothing except your own understanding.
"""

import jax, jax.numpy as jnp
import numpy as np

N = 50000
E = 800000

def setup_inputs(seed: int = 0) -> dict:
    key = jax.random.key(seed)
    ks = jax.random.split(key, 12)
    x = jax.random.normal(ks[0], (N, 64), dtype=jnp.float32)
    edge_index = jax.random.randint(ks[1], (2, E), 0, N, dtype=jnp.int64)
    def glorot(k, shape):
        fan_in, fan_out = shape
        lim = (6.0 / (fan_in + fan_out)) ** 0.5
        return jax.random.uniform(k, shape, dtype=jnp.float32, minval=-lim, maxval=lim)
    w1 = glorot(ks[2], (64, 32)); b1 = jnp.zeros((32,), jnp.float32)
    w2 = glorot(ks[3], (32, 32)); b2 = jnp.zeros((32,), jnp.float32)
    w3 = glorot(ks[4], (32, 16)); b3 = jnp.zeros((16,), jnp.float32)
    w4 = glorot(ks[5], (16, 16)); b4 = jnp.zeros((16,), jnp.float32)
    return {"x": x, "edge_index": edge_index, "w1": w1, "b1": b1, "w2": w2, "b2": b2, "w3": w3, "b3": b3, "w4": w4, "b4": b4}

def _gin_conv(x, edge_index, wA, bA, wB, bB):
    # GINConv with eps=0: out = MLP((1+eps)*x + sum_{j->i} x_j)
    src = edge_index[0]
    dst = edge_index[1]
    msgs = jnp.take(x, src, axis=0)
    agg = jnp.zeros_like(x).at[dst].add(msgs)
    h = x + agg
    h = jnp.maximum(h @ wA + bA, 0.0)
    h = h @ wB + bB
    return h

def reference(x, edge_index, w1, b1, w2, b2, w3, b3, w4, b4):
    h = _gin_conv(x, edge_index, w1, b1, w2, b2)
    h = jnp.maximum(h, 0.0)
    h = _gin_conv(h, edge_index, w3, b3, w4, b4)
    return h

if __name__ == "__main__":
    import jax
    _d = setup_inputs()
    print(jax.jit(kernel)(*tuple(_d.values())))

</pallas_src>

<mosaic_0001>
#map = affine_map<(d0, d1) -> (0, 0)>
#map1 = affine_map<(d0, d1) -> (0, 0, 0)>
module attributes {stable_mosaic.version = 14 : i64} {
  func.func @agg(%arg0: i32, %arg1: i32, %arg2: memref<50000x16xf32, #tpu.memory_space<hbm>>, %arg3: memref<32x196x128xi32, #tpu.memory_space<hbm>>, %arg4: memref<32x196x128xi32, #tpu.memory_space<hbm>>, %arg5: memref<2x50176x16xf32, #tpu.memory_space<hbm>>, %arg6: memref<196x128xi32, #tpu.memory_space<vmem>>, %arg7: memref<196x128xi32, #tpu.memory_space<vmem>>, %arg8: memref<4x2x128x16xf32, #tpu.memory_space<vmem>>, %arg9: memref<448x16xf32, #tpu.memory_space<vmem>>, %arg10: memref<50176x16xf32, #tpu.memory_space<vmem_shared>>, %arg11: memref<4x!tpu.dma_semaphore, #tpu.memory_space<semaphore_mem>>, %arg12: memref<4x!tpu.dma_semaphore, #tpu.memory_space<semaphore_mem>>) attributes {dimension_semantics = [#tpu.dimension_semantics<core_parallel>, #tpu.dimension_semantics<subcore_parallel>], iteration_bounds = array<i64: 2, 16>, scalar_prefetch = 0 : i64, scratch_operands = 7 : i64, tpu.core_type = #tpu.core_type<sc_vector_subcore>, window_params = [{transform_indices = #map}, {transform_indices = #map1}, {transform_indices = #map1}, {transform_indices = #map1}]} {
    %mul3A = arith.constant 2 : i32
    %mul3A_0 = arith.muli %arg1, %mul3A : i32
    %add3A = arith.addi %mul3A_0, %arg0 : i32
    %mul3A_1 = arith.constant 3136 : i32
    %mul3A_2 = arith.muli %arg1, %mul3A_1 : i32
    %broadcast_in_dim3A = arith.constant 0.000000e+00 : f32
    %broadcast_in_dim3A_3 = vector.broadcast %broadcast_in_dim3A : f32 to vector<16xf32>
    %dma_start3A = arith.constant 0 : i32
    %dma_start3A_4 = arith.constant 0 : i32
    %dma_start3A_5 = arith.constant 0 : i32
    %dma_start3A_6 = tpu.memref_slice %arg3[%add3A, %dma_start3A_4, %dma_start3A_5] : memref<32x196x128xi32, #tpu.memory_space<hbm>> -> memref<1x196x128xi32, #tpu.memory_space<hbm>>
    %dma_start3A_7 = tpu.memref_squeeze %dma_start3A_6 : memref<1x196x128xi32, #tpu.memory_space<hbm>> -> memref<196x128xi32, #tpu.memory_space<hbm>>
    %dma_start3A_8 = tpu.memref_slice %arg11[%dma_start3A] : memref<4x!tpu.dma_semaphore, #tpu.memory_space<semaphore_mem>> -> memref<1x!tpu.dma_semaphore, #tpu.memory_space<semaphore_mem>>
    %dma_start3A_9 = tpu.memref_squeeze %dma_start3A_8 : memref<1x!tpu.dma_semaphore, #tpu.memory_space<semaphore_mem>> -> memref<!tpu.dma_semaphore, #tpu.memory_space<semaphore_mem>>
    %dma_start3A_10 = arith.constant 0 : i32
    %dma_start3A_11 = arith.constant 0 : i32
    %dma_start3A_12 = tpu.memref_slice %arg3[%add3A, %dma_start3A_10, %dma_start3A_11] : memref<32x196x128xi32, #tpu.memory_space<hbm>> -> memref<1x196x128xi32, #tpu.memory_space<hbm>>
    %dma_start3A_13 = tpu.memref_squeeze %dma_start3A_12 : memref<1x196x128xi32, #tpu.memory_space<hbm>> -> memref<196x128xi32, #tpu.memory_space<hbm>>
    tpu.enqueue_dma source(%dma_start3A_13 : memref<196x128xi32, #tpu.memory_space<hbm>>) target(%arg6 : memref<196x128xi32, #tpu.memory_space<vmem>>) target_semaphore(%dma_start3A_9 : memref<!tpu.dma_semaphore, #tpu.memory_space<semaphore_mem>>)
    %dma_start3A_14 = arith.constant 1 : i32
    %dma_start3A_15 = arith.constant 0 : i32
    %dma_start3A_16 = arith.constant 0 : i32
    %dma_start3A_17 = tpu.memref_slice %arg4[%add3A, %dma_start3A_15, %dma_start3A_16] : memref<32x196x128xi32, #tpu.memory_space<hbm>> -> memref<1x196x128xi32, #tpu.memory_space<hbm>>
    %dma_start3A_18 = tpu.memref_squeeze %dma_start3A_17 : memref<1x196x128xi32, #tpu.memory_space<hbm>> -> memref<196x128xi32, #tpu.memory_space<hbm>>
    %dma_start3A_19 = tpu.memref_slice %arg11[%dma_start3A_14] : memref<4x!tpu.dma_semaphore, #tpu.memory_space<semaphore_mem>> -> memref<1x!tpu.dma_semaphore, #tpu.memory_space<semaphore_mem>>
    %dma_start3A_20 = tpu.memref_squeeze %dma_start3A_19 : memref<1x!tpu.dma_semaphore, #tpu.memory_space<semaphore_mem>> -> memref<!tpu.dma_semaphore, #tpu.memory_space<semaphore_mem>>
    %dma_start3A_21 = arith.constant 0 : i32
    %dma_start3A_22 = arith.constant 0 : i32
    %dma_start3A_23 = tpu.memref_slice %arg4[%add3A, %dma_start3A_21, %dma_start3A_22] : memref<32x196x128xi32, #tpu.memory_space<hbm>> -> memref<1x196x128xi32, #tpu.memory_space<hbm>>
    %dma_start3A_24 = tpu.memref_squeeze %dma_start3A_23 : memref<1x196x128xi32, #tpu.memory_space<hbm>> -> memref<196x128xi32, #tpu.memory_space<hbm>>
    tpu.enqueue_dma source(%dma_start3A_24 : memref<196x128xi32, #tpu.memory_space<hbm>>) target(%arg7 : memref<196x128xi32, #tpu.memory_space<vmem>>) target_semaphore(%dma_start3A_20 : memref<!tpu.dma_semaphore, #tpu.memory_space<semaphore_mem>>)
    %scan3A = arith.constant 0 : i32
    %scan3A_25 = arith.constant 0 : i32
    %scan3A_26 = arith.constant 448 : i32
    %scan3A_27 = arith.addi %scan3A_25, %scan3A_26 : i32
    %scan3A_28 = arith.constant 1 : i32
    scf.for %scan3A_200 = %scan3A_25 to %scan3A_27 step %scan3A_28  : i32 {
      %swap3A = arith.index_cast %scan3A_200 : i32 to index
      %swap3A_201 = arith.constant 0 : index
      %swap3A_202 = tpu.vector_load %arg9[%swap3A, %swap3A_201] {strides = array<i32>} : memref<448x16xf32, #tpu.memory_space<vmem>>, vector<1x16xf32>,
      %swap3A_203 = vector.shape_cast %swap3A_202 : vector<1x16xf32> to vector<16xf32>
      %swap3A_204 = vector.shape_cast %broadcast_in_dim3A_3 : vector<16xf32> to vector<1x16xf32>
      tpu.vector_store %arg9[%swap3A, %swap3A_201], %swap3A_204 {strides = array<i32>} : memref<448x16xf32, #tpu.memory_space<vmem>>, vector<1x16xf32>,
    }
    %scan3A_29 = arith.constant 448 : i32
    %add3A_30 = arith.constant 0 : i32
    %add3A_31 = arith.addi %mul3A_2, %add3A_30 : i32
    "tpu.region"() ({
      %run_scoped3A = tpu.sem_alloc : memref<!tpu.dma_semaphore, #tpu.memory_space<semaphore_mem>>
      %dma_start3A_200 = arith.constant 0 : i32
      %dma_start3A_201 = tpu.memref_slice %arg10[%add3A_31, %dma_start3A_200] : memref<50176x16xf32, #tpu.memory_space<vmem_shared>> -> memref<448x16xf32, #tpu.memory_space<vmem_shared>>
      %dma_start3A_202 = arith.constant 0 : i32
      %dma_start3A_203 = tpu.memref_slice %arg10[%add3A_31, %dma_start3A_202] : memref<50176x16xf32, #tpu.memory_space<vmem_shared>> -> memref<448x16xf32, #tpu.memory_space<vmem_shared>>
      tpu.enqueue_dma source(%arg9 : memref<448x16xf32, #tpu.memory_space<vmem>>) target(%dma_start3A_203 : memref<448x16xf32, #tpu.memory_space<vmem_shared>>) target_semaphore(%run_scoped3A : memref<!tpu.dma_semaphore, #tpu.memory_space<semaphore_mem>>)
      %dma_wait3A_204 = arith.constant 0 : i32
      %dma_wait3A_205 = tpu.memref_slice %arg10[%add3A_31, %dma_wait3A_204] : memref<50176x16xf32, #tpu.memory_space<vmem_shared>> -> memref<448x16xf32, #tpu.memory_space<vmem_shared>>
      %dma_wait3A_206 = arith.constant 0 : i32
      %dma_wait3A_207 = tpu.memref_slice %arg10[%add3A_31, %dma_wait3A_206] : memref<50176x16xf32, #tpu.memory_space<vmem_shared>> -> memref<448x16xf32, #tpu.memory_space<vmem_shared>>
      tpu.wait_dma2 semaphore(%run_scoped3A : memref<!tpu.dma_semaphore, #tpu.memory_space<semaphore_mem>>) src(%arg9 : memref<448x16xf32, #tpu.memory_space<vmem>>) dst(%dma_wait3A_207 : memref<448x16xf32, #tpu.memory_space<vmem_shared>>)
      tpu.yield
    }) : () -> ()
    %add3A_32 = arith.constant 448 : i32
    %add3A_33 = arith.addi %mul3A_2, %add3A_32 : i32
    "tpu.region"() ({
      %run_scoped3A = tpu.sem_alloc : memref<!tpu.dma_semaphore, #tpu.memory_space<semaphore_mem>>
      %dma_start3A_200 = arith.constant 0 : i32
      %dma_start3A_201 = tpu.memref_slice %arg10[%add3A_33, %dma_start3A_200] : memref<50176x16xf32, #tpu.memory_space<vmem_shared>> -> memref<448x16xf32, #tpu.memory_space<vmem_shared>>
      %dma_start3A_202 = arith.constant 0 : i32
      %dma_start3A_203 = tpu.memref_slice %arg10[%add3A_33, %dma_start3A_202] : memref<50176x16xf32, #tpu.memory_space<vmem_shared>> -> memref<448x16xf32, #tpu.memory_space<vmem_shared>>
      tpu.enqueue_dma source(%arg9 : memref<448x16xf32, #tpu.memory_space<vmem>>) target(%dma_start3A_203 : memref<448x16xf32, #tpu.memory_space<vmem_shared>>) target_semaphore(%run_scoped3A : memref<!tpu.dma_semaphore, #tpu.memory_space<semaphore_mem>>)
      %dma_wait3A_204 = arith.constant 0 : i32
      %dma_wait3A_205 = tpu.memref_slice %arg10[%add3A_33, %dma_wait3A_204] : memref<50176x16xf32, #tpu.memory_space<vmem_shared>> -> memref<448x16xf32, #tpu.memory_space<vmem_shared>>
      %dma_wait3A_206 = arith.constant 0 : i32
      %dma_wait3A_207 = tpu.memref_slice %arg10[%add3A_33, %dma_wait3A_206] : memref<50176x16xf32, #tpu.memory_space<vmem_shared>> -> memref<448x16xf32, #tpu.memory_space<vmem_shared>>
      tpu.wait_dma2 semaphore(%run_scoped3A : memref<!tpu.dma_semaphore, #tpu.memory_space<semaphore_mem>>) src(%arg9 : memref<448x16xf32, #tpu.memory_space<vmem>>) dst(%dma_wait3A_207 : memref<448x16xf32, #tpu.memory_space<vmem_shared>>)
      tpu.yield
    }) : () -> ()
    %add3A_34 = arith.constant 896 : i32
    %add3A_35 = arith.addi %mul3A_2, %add3A_34 : i32
    "tpu.region"() ({
      %run_scoped3A = tpu.sem_alloc : memref<!tpu.dma_semaphore, #tpu.memory_space<semaphore_mem>>
      %dma_start3A_200 = arith.constant 0 : i32
      %dma_start3A_201 = tpu.memref_slice %arg10[%add3A_35, %dma_start3A_200] : memref<50176x16xf32, #tpu.memory_space<vmem_shared>> -> memref<448x16xf32, #tpu.memory_space<vmem_shared>>
      %dma_start3A_202 = arith.constant 0 : i32
      %dma_start3A_203 = tpu.memref_slice %arg10[%add3A_35, %dma_start3A_202] : memref<50176x16xf32, #tpu.memory_space<vmem_shared>> -> memref<448x16xf32, #tpu.memory_space<vmem_shared>>
      tpu.enqueue_dma source(%arg9 : memref<448x16xf32, #tpu.memory_space<vmem>>) target(%dma_start3A_203 : memref<448x16xf32, #tpu.memory_space<vmem_shared>>) target_semaphore(%run_scoped3A : memref<!tpu.dma_semaphore, #tpu.memory_space<semaphore_mem>>)
      %dma_wait3A_204 = arith.constant 0 : i32
      %dma_wait3A_205 = tpu.memref_slice %arg10[%add3A_35, %dma_wait3A_204] : memref<50176x16xf32, #tpu.memory_space<vmem_shared>> -> memref<448x16xf32, #tpu.memory_space<vmem_shared>>
      %dma_wait3A_206 = arith.constant 0 : i32
      %dma_wait3A_207 = tpu.memref_slice %arg10[%add3A_35, %dma_wait3A_206] : memref<50176x16xf32, #tpu.memory_space<vmem_shared>> -> memref<448x16xf32, #tpu.memory_space<vmem_shared>>
      tpu.wait_dma2 semaphore(%run_scoped3A : memref<!tpu.dma_semaphore, #tpu.memory_space<semaphore_mem>>) src(%arg9 : memref<448x16xf32, #tpu.memory_space<vmem>>) dst(%dma_wait3A_207 : memref<448x16xf32, #tpu.memory_space<vmem_shared>>)
      tpu.yield
    }) : () -> ()
    %add3A_36 = arith.constant 1344 : i32
    %add3A_37 = arith.addi %mul3A_2, %add3A_36 : i32
    "tpu.region"() ({
      %run_scoped3A = tpu.sem_alloc : memref<!tpu.dma_semaphore, #tpu.memory_space<semaphore_mem>>
      %dma_start3A_200 = arith.constant 0 : i32
      %dma_start3A_201 = tpu.memref_slice %arg10[%add3A_37, %dma_start3A_200] : memref<50176x16xf32, #tpu.memory_space<vmem_shared>> -> memref<448x16xf32, #tpu.memory_space<vmem_shared>>
      %dma_start3A_202 = arith.constant 0 : i32
      %dma_start3A_203 = tpu.memref_slice %arg10[%add3A_37, %dma_start3A_202] : memref<50176x16xf32, #tpu.memory_space<vmem_shared>> -> memref<448x16xf32, #tpu.memory_space<vmem_shared>>
      tpu.enqueue_dma source(%arg9 : memref<448x16xf32, #tpu.memory_space<vmem>>) target(%dma_start3A_203 : memref<448x16xf32, #tpu.memory_space<vmem_shared>>) target_semaphore(%run_scoped3A : memref<!tpu.dma_semaphore, #tpu.memory_space<semaphore_mem>>)
      %dma_wait3A_204 = arith.constant 0 : i32
      %dma_wait3A_205 = tpu.memref_slice %arg10[%add3A_37, %dma_wait3A_204] : memref<50176x16xf32, #tpu.memory_space<vmem_shared>> -> memref<448x16xf32, #tpu.memory_space<vmem_shared>>
      %dma_wait3A_206 = arith.constant 0 : i32
      %dma_wait3A_207 = tpu.memref_slice %arg10[%add3A_37, %dma_wait3A_206] : memref<50176x16xf32, #tpu.memory_space<vmem_shared>> -> memref<448x16xf32, #tpu.memory_space<vmem_shared>>
      tpu.wait_dma2 semaphore(%run_scoped3A : memref<!tpu.dma_semaphore, #tpu.memory_space<semaphore_mem>>) src(%arg9 : memref<448x16xf32, #tpu.memory_space<vmem>>) dst(%dma_wait3A_207 : memref<448x16xf32, #tpu.memory_space<vmem_shared>>)
      tpu.yield
    }) : () -> ()
    %add3A_38 = arith.constant 1792 : i32
    %add3A_39 = arith.addi %mul3A_2, %add3A_38 : i32
    "tpu.region"() ({
      %run_scoped3A = tpu.sem_alloc : memref<!tpu.dma_semaphore, #tpu.memory_space<semaphore_mem>>
      %dma_start3A_200 = arith.constant 0 : i32
      %dma_start3A_201 = tpu.memref_slice %arg10[%add3A_39, %dma_start3A_200] : memref<50176x16xf32, #tpu.memory_space<vmem_shared>> -> memref<448x16xf32, #tpu.memory_space<vmem_shared>>
      %dma_start3A_202 = arith.constant 0 : i32
      %dma_start3A_203 = tpu.memref_slice %arg10[%add3A_39, %dma_start3A_202] : memref<50176x16xf32, #tpu.memory_space<vmem_shared>> -> memref<448x16xf32, #tpu.memory_space<vmem_shared>>
      tpu.enqueue_dma source(%arg9 : memref<448x16xf32, #tpu.memory_space<vmem>>) target(%dma_start3A_203 : memref<448x16xf32, #tpu.memory_space<vmem_shared>>) target_semaphore(%run_scoped3A : memref<!tpu.dma_semaphore, #tpu.memory_space<semaphore_mem>>)
      %dma_wait3A_204 = arith.constant 0 : i32
      %dma_wait3A_205 = tpu.memref_slice %arg10[%add3A_39, %dma_wait3A_204] : memref<50176x16xf32, #tpu.memory_space<vmem_shared>> -> memref<448x16xf32, #tpu.memory_space<vmem_shared>>
      %dma_wait3A_206 = arith.constant 0 : i32
      %dma_wait3A_207 = tpu.memref_slice %arg10[%add3A_39, %dma_wait3A_206] : memref<50176x16xf32, #tpu.memory_space<vmem_shared>> -> memref<448x16xf32, #tpu.memory_space<vmem_shared>>
      tpu.wait_dma2 semaphore(%run_scoped3A : memref<!tpu.dma_semaphore, #tpu.memory_space<semaphore_mem>>) src(%arg9 : memref<448x16xf32, #tpu.memory_space<vmem>>) dst(%dma_wait3A_207 : memref<448x16xf32, #tpu.memory_space<vmem_shared>>)
      tpu.yield
    }) : () -> ()
    %add3A_40 = arith.constant 2240 : i32
    %add3A_41 = arith.addi %mul3A_2, %add3A_40 : i32
    "tpu.region"() ({
      %run_scoped3A = tpu.sem_alloc : memref<!tpu.dma_semaphore, #tpu.memory_space<semaphore_mem>>
      %dma_start3A_200 = arith.constant 0 : i32
      %dma_start3A_201 = tpu.memref_slice %arg10[%add3A_41, %dma_start3A_200] : memref<50176x16xf32, #tpu.memory_space<vmem_shared>> -> memref<448x16xf32, #tpu.memory_space<vmem_shared>>
      %dma_start3A_202 = arith.constant 0 : i32
      %dma_start3A_203 = tpu.memref_slice %arg10[%add3A_41, %dma_start3A_202] : memref<50176x16xf32, #tpu.memory_space<vmem_shared>> -> memref<448x16xf32, #tpu.memory_space<vmem_shared>>
      tpu.enqueue_dma source(%arg9 : memref<448x16xf32, #tpu.memory_space<vmem>>) target(%dma_start3A_203 : memref<448x16xf32, #tpu.memory_space<vmem_shared>>) target_semaphore(%run_scoped3A : memref<!tpu.dma_semaphore, #tpu.memory_space<semaphore_mem>>)
      %dma_wait3A_204 = arith.constant 0 : i32
      %dma_wait3A_205 = tpu.memref_slice %arg10[%add3A_41, %dma_wait3A_204] : memref<50176x16xf32, #tpu.memory_space<vmem_shared>> -> memref<448x16xf32, #tpu.memory_space<vmem_shared>>
      %dma_wait3A_206 = arith.constant 0 : i32
      %dma_wait3A_207 = tpu.memref_slice %arg10[%add3A_41, %dma_wait3A_206] : memref<50176x16xf32, #tpu.memory_space<vmem_shared>> -> memref<448x16xf32, #tpu.memory_space<vmem_shared>>
      tpu.wait_dma2 semaphore(%run_scoped3A : memref<!tpu.dma_semaphore, #tpu.memory_space<semaphore_mem>>) src(%arg9 : memref<448x16xf32, #tpu.memory_space<vmem>>) dst(%dma_wait3A_207 : memref<448x16xf32, #tpu.memory_space<vmem_shared>>)
      tpu.yield
    }) : () -> ()
    %add3A_42 = arith.constant 2688 : i32
    %add3A_43 = arith.addi %mul3A_2, %add3A_42 : i32
    "tpu.region"() ({
      %run_scoped3A = tpu.sem_alloc : memref<!tpu.dma_semaphore, #tpu.memory_space<semaphore_mem>>
      %dma_start3A_200 = arith.constant 0 : i32
      %dma_start3A_201 = tpu.memref_slice %arg10[%add3A_43, %dma_start3A_200] : memref<50176x16xf32, #tpu.memory_space<vmem_shared>> -> memref<448x16xf32, #tpu.memory_space<vmem_shared>>
      %dma_start3A_202 = arith.constant 0 : i32
      %dma_start3A_203 = tpu.memref_slice %arg10[%add3A_43, %dma_start3A_202] : memref<50176x16xf32, #tpu.memory_space<vmem_shared>> -> memref<448x16xf32, #tpu.memory_space<vmem_shared>>
      tpu.enqueue_dma source(%arg9 : memref<448x16xf32, #tpu.memory_space<vmem>>) target(%dma_start3A_203 : memref<448x16xf32, #tpu.memory_space<vmem_shared>>) target_semaphore(%run_scoped3A : memref<!tpu.dma_semaphore, #tpu.memory_space<semaphore_mem>>)
      %dma_wait3A_204 = arith.constant 0 : i32
      %dma_wait3A_205 = tpu.memref_slice %arg10[%add3A_43, %dma_wait3A_204] : memref<50176x16xf32, #tpu.memory_space<vmem_shared>> -> memref<448x16xf32, #tpu.memory_space<vmem_shared>>
      %dma_wait3A_206 = arith.constant 0 : i32
      %dma_wait3A_207 = tpu.memref_slice %arg10[%add3A_43, %dma_wait3A_206] : memref<50176x16xf32, #tpu.memory_space<vmem_shared>> -> memref<448x16xf32, #tpu.memory_space<vmem_shared>>
      tpu.wait_dma2 semaphore(%run_scoped3A : memref<!tpu.dma_semaphore, #tpu.memory_space<semaphore_mem>>) src(%arg9 : memref<448x16xf32, #tpu.memory_space<vmem>>) dst(%dma_wait3A_207 : memref<448x16xf32, #tpu.memory_space<vmem_shared>>)
      tpu.yield
    }) : () -> ()
    %dma_wait3A = arith.constant 0 : i32
    %dma_wait3A_44 = arith.constant 0 : i32
    %dma_wait3A_45 = arith.constant 0 : i32
    %dma_wait3A_46 = tpu.memref_slice %arg3[%add3A, %dma_wait3A_44, %dma_wait3A_45] : memref<32x196x128xi32, #tpu.memory_space<hbm>> -> memref<1x196x128xi32, #tpu.memory_space<hbm>>
    %dma_wait3A_47 = tpu.memref_squeeze %dma_wait3A_46 : memref<1x196x128xi32, #tpu.memory_space<hbm>> -> memref<196x128xi32, #tpu.memory_space<hbm>>
    %dma_wait3A_48 = tpu.memref_slice %arg11[%dma_wait3A] : memref<4x!tpu.dma_semaphore, #tpu.memory_space<semaphore_mem>> -> memref<1x!tpu.dma_semaphore, #tpu.memory_space<semaphore_mem>>
    %dma_wait3A_49 = tpu.memref_squeeze %dma_wait3A_48 : memref<1x!tpu.dma_semaphore, #tpu.memory_space<semaphore_mem>> -> memref<!tpu.dma_semaphore, #tpu.memory_space<semaphore_mem>>
    %dma_wait3A_50 = arith.constant 0 : i32
    %dma_wait3A_51 = arith.constant 0 : i32
    %dma_wait3A_52 = tpu.memref_slice %arg3[%add3A, %dma_wait3A_50, %dma_wait3A_51] : memref<32x196x128xi32, #tpu.memory_space<hbm>> -> memref<1x196x128xi32, #tpu.memory_space<hbm>>
    %dma_wait3A_53 = tpu.memref_squeeze %dma_wait3A_52 : memref<1x196x128xi32, #tpu.memory_space<hbm>> -> memref<196x128xi32, #tpu.memory_space<hbm>>
    tpu.wait_dma2 semaphore(%dma_wait3A_49 : memref<!tpu.dma_semaphore, #tpu.memory_space<semaphore_mem>>) src(%dma_wait3A_53 : memref<196x128xi32, #tpu.memory_space<hbm>>) dst(%arg6 : memref<196x128xi32, #tpu.memory_space<vmem>>)
    %dma_wait3A_54 = arith.constant 1 : i32
    %dma_wait3A_55 = arith.constant 0 : i32
    %dma_wait3A_56 = arith.constant 0 : i32
    %dma_wait3A_57 = tpu.memref_slice %arg4[%add3A, %dma_wait3A_55, %dma_wait3A_56] : memref<32x196x128xi32, #tpu.memory_space<hbm>> -> memref<1x196x128xi32, #tpu.memory_space<hbm>>
    %dma_wait3A_58 = tpu.memref_squeeze %dma_wait3A_57 : memref<1x196x128xi32, #tpu.memory_space<hbm>> -> memref<196x128xi32, #tpu.memory_space<hbm>>
    %dma_wait3A_59 = tpu.memref_slice %arg11[%dma_wait3A_54] : memref<4x!tpu.dma_semaphore, #tpu.memory_space<semaphore_mem>> -> memref<1x!tpu.dma_semaphore, #tpu.memory_space<semaphore_mem>>
    %dma_wait3A_60 = tpu.memref_squeeze %dma_wait3A_59 : memref<1x!tpu.dma_semaphore, #tpu.memory_space<semaphore_mem>> -> memref<!tpu.dma_semaphore, #tpu.memory_space<semaphore_mem>>
    %dma_wait3A_61 = arith.constant 0 : i32
    %dma_wait3A_62 = arith.constant 0 : i32
    %dma_wait3A_63 = tpu.memref_slice %arg4[%add3A, %dma_wait3A_61, %dma_wait3A_62] : memref<32x196x128xi32, #tpu.memory_space<hbm>> -> memref<1x196x128xi32, #tpu.memory_space<hbm>>
    %dma_wait3A_64 = tpu.memref_squeeze %dma_wait3A_63 : memref<1x196x128xi32, #tpu.memory_space<hbm>> -> memref<196x128xi32, #tpu.memory_space<hbm>>
    tpu.wait_dma2 semaphore(%dma_wait3A_60 : memref<!tpu.dma_semaphore, #tpu.memory_space<semaphore_mem>>) src(%dma_wait3A_64 : memref<196x128xi32, #tpu.memory_space<hbm>>) dst(%arg7 : memref<196x128xi32, #tpu.memory_space<vmem>>)
    %barrier3A = arith.constant 0 : index
    tpu.barrier barrier_id(%barrier3A)
    %dma_start3A_65 = arith.constant 0 : i32
    %dma_start3A_66 = arith.constant 0 : i32
    %dma_start3A_67 = arith.constant 0 : i32
    %dma_start3A_68 = arith.constant 0 : i32
    %dma_start3A_69 = arith.constant 0 : i32
    %dma_start3A_70 = arith.constant 0 : i32
    %dma_start3A_71 = tpu.memref_slice %arg8[%dma_start3A_66, %dma_start3A_67, %dma_start3A_69, %dma_start3A_70] : memref<4x2x128x16xf32, #tpu.memory_space<vmem>> -> memref<1x1x128x16xf32, #tpu.memory_space<vmem>>
    %dma_start3A_72 = tpu.memref_squeeze %dma_start3A_71 : memref<1x1x128x16xf32, #tpu.memory_space<vmem>> -> memref<128x16xf32, #tpu.memory_space<vmem>>
    %dma_start3A_73 = arith.constant 0 : i32
    %dma_start3A_74 = tpu.memref_slice %arg6[%dma_start3A_65, %dma_start3A_73] : memref<196x128xi32, #tpu.memory_space<vmem>> -> memref<1x128xi32, #tpu.memory_space<vmem>>
    %dma_start3A_75 = tpu.memref_squeeze %dma_start3A_74 : memref<1x128xi32, #tpu.memory_space<vmem>> -> memref<128xi32, #tpu.memory_space<vmem>>
    %dma_start3A_76 = arith.constant 0 : i32
    %dma_start3A_77 = arith.constant 0 : i32
    %dma_start3A_78 = tpu.memref_slice %arg2[%dma_start3A_76, %dma_start3A_77] : memref<50000x16xf32, #tpu.memory_space<hbm>> -> memref<50000x16xf32, #tpu.memory_space<hbm>>
    %dma_start3A_79 = tpu.memref_slice %arg11[%dma_start3A_68] : memref<4x!tpu.dma_semaphore, #tpu.memory_space<semaphore_mem>> -> memref<1x!tpu.dma_semaphore, #tpu.memory_space<semaphore_mem>>
    %dma_start3A_80 = tpu.memref_squeeze %dma_start3A_79 : memref<1x!tpu.dma_semaphore, #tpu.memory_space<semaphore_mem>> -> memref<!tpu.dma_semaphore, #tpu.memory_space<semaphore_mem>>
    tpu.enqueue_indirect_dma source(%dma_start3A_78 : memref<50000x16xf32, #tpu.memory_space<hbm>>) target(%dma_start3A_72 : memref<128x16xf32, #tpu.memory_space<vmem>>) offsets(%dma_start3A_75 : memref<128xi32, #tpu.memory_space<vmem>>) semaphore(%dma_start3A_80 : memref<!tpu.dma_semaphore, #tpu.memory_space<semaphore_mem>>)
    %dma_start3A_81 = arith.constant 1 : i32
    %dma_start3A_82 = arith.constant 0 : i32
    %dma_start3A_83 = arith.constant 1 : i32
    %dma_start3A_84 = arith.constant 0 : i32
    %dma_start3A_85 = arith.constant 0 : i32
    %dma_start3A_86 = arith.constant 0 : i32
    %dma_start3A_87 = tpu.memref_slice %arg8[%dma_start3A_82, %dma_start3A_83, %dma_start3A_85, %dma_start3A_86] : memref<4x2x128x16xf32, #tpu.memory_space<vmem>> -> memref<1x1x128x16xf32, #tpu.memory_space<vmem>>
    %dma_start3A_88 = tpu.memref_squeeze %dma_start3A_87 : memref<1x1x128x16xf32, #tpu.memory_space<vmem>> -> memref<128x16xf32, #tpu.memory_space<vmem>>
    %dma_start3A_89 = arith.constant 0 : i32
    %dma_start3A_90 = tpu.memref_slice %arg6[%dma_start3A_81, %dma_start3A_89] : memref<196x128xi32, #tpu.memory_space<vmem>> -> memref<1x128xi32, #tpu.memory_space<vmem>>
    %dma_start3A_91 = tpu.memref_squeeze %dma_start3A_90 : memref<1x128xi32, #tpu.memory_space<vmem>> -> memref<128xi32, #tpu.memory_space<vmem>>
    %dma_start3A_92 = arith.constant 0 : i32
    %dma_start3A_93 = arith.constant 0 : i32
    %dma_start3A_94 = tpu.memref_slice %arg2[%dma_start3A_92, %dma_start3A_93] : memref<50000x16xf32, #tpu.memory_space<hbm>> -> memref<50000x16xf32, #tpu.memory_space<hbm>>
    %dma_start3A_95 = tpu.memref_slice %arg11[%dma_start3A_84] : memref<4x!tpu.dma_semaphore, #tpu.memory_space<semaphore_mem>> -> memref<1x!tpu.dma_semaphore, #tpu.memory_space<semaphore_mem>>
    %dma_start3A_96 = tpu.memref_squeeze %dma_start3A_95 : memref<1x!tpu.dma_semaphore, #tpu.memory_space<semaphore_mem>> -> memref<!tpu.dma_semaphore, #tpu.memory_space<semaphore_mem>>
    tpu.enqueue_indirect_dma source(%dma_start3A_94 : memref<50000x16xf32, #tpu.memory_space<hbm>>) target(%dma_start3A_88 : memref<128x16xf32, #tpu.memory_space<vmem>>) offsets(%dma_start3A_91 : memref<128xi32, #tpu.memory_space<vmem>>) semaphore(%dma_start3A_96 : memref<!tpu.dma_semaphore, #tpu.memory_space<semaphore_mem>>)
    %dma_start3A_97 = arith.constant 2 : i32
    %dma_start3A_98 = arith.constant 1 : i32
    %dma_start3A_99 = arith.constant 0 : i32
    %dma_start3A_100 = arith.constant 1 : i32
    %dma_start3A_101 = arith.constant 0 : i32
    %dma_start3A_102 = arith.constant 0 : i32
    %dma_start3A_103 = tpu.memref_slice %arg8[%dma_start3A_98, %dma_start3A_99, %dma_start3A_101, %dma_start3A_102] : memref<4x2x128x16xf32, #tpu.memory_space<vmem>> -> memref<1x1x128x16xf32, #tpu.memory_space<vmem>>
    %dma_start3A_104 = tpu.memref_squeeze %dma_start3A_103 : memref<1x1x128x16xf32, #tpu.memory_space<vmem>> -> memref<128x16xf32, #tpu.memory_space<vmem>>
    %dma_start3A_105 = arith.constant 0 : i32
    %dma_start3A_106 = tpu.memref_slice %arg6[%dma_start3A_97, %dma_start3A_105] : memref<196x128xi32, #tpu.memory_space<vmem>> -> memref<1x128xi32, #tpu.memory_space<vmem>>
    %dma_start3A_107 = tpu.memref_squeeze %dma_start3A_106 : memref<1x128xi32, #tpu.memory_space<vmem>> -> memref<128xi32, #tpu.memory_space<vmem>>
    %dma_start3A_108 = arith.constant 0 : i32
    %dma_start3A_109 = arith.constant 0 : i32
    %dma_start3A_110 = tpu.memref_slice %arg2[%dma_start3A_108, %dma_start3A_109] : memref<50000x16xf32, #tpu.memory_space<hbm>> -> memref<50000x16xf32, #tpu.memory_space<hbm>>
    %dma_start3A_111 = tpu.memref_slice %arg11[%dma_start3A_100] : memref<4x!tpu.dma_semaphore, #tpu.memory_space<semaphore_mem>> -> memref<1x!tpu.dma_semaphore, #tpu.memory_space<semaphore_mem>>
    %dma_start3A_112 = tpu.memref_squeeze %dma_start3A_111 : memref<1x!tpu.dma_semaphore, #tpu.memory_space<semaphore_mem>> -> memref<!tpu.dma_semaphore, #tpu.memory_space<semaphore_mem>>
    tpu.enqueue_indirect_dma source(%dma_start3A_110 : memref<50000x16xf32, #tpu.memory_space<hbm>>) target(%dma_start3A_104 : memref<128x16xf32, #tpu.memory_space<vmem>>) offsets(%dma_start3A_107 : memref<128xi32, #tpu.memory_space<vmem>>) semaphore(%dma_start3A_112 : memref<!tpu.dma_semaphore, #tpu.memory_space<semaphore_mem>>)
    %dma_start3A_113 = arith.constant 3 : i32
    %dma_start3A_114 = arith.constant 1 : i32
    %dma_start3A_115 = arith.constant 1 : i32
    %dma_start3A_116 = arith.constant 1 : i32
    %dma_start3A_117 = arith.constant 0 : i32
    %dma_start3A_118 = arith.constant 0 : i32
    %dma_start3A_119 = tpu.memref_slice %arg8[%dma_start3A_114, %dma_start3A_115, %dma_start3A_117, %dma_start3A_118] : memref<4x2x128x16xf32, #tpu.memory_space<vmem>> -> memref<1x1x128x16xf32, #tpu.memory_space<vmem>>
    %dma_start3A_120 = tpu.memref_squeeze %dma_start3A_119 : memref<1x1x128x16xf32, #tpu.memory_space<vmem>> -> memref<128x16xf32, #tpu.memory_space<vmem>>
    %dma_start3A_121 = arith.constant 0 : i32
    %dma_start3A_122 = tpu.memref_slice %arg6[%dma_start3A_113, %dma_start3A_121] : memref<196x128xi32, #tpu.memory_space<vmem>> -> memref<1x128xi32, #tpu.memory_space<vmem>>
    %dma_start3A_123 = tpu.memref_squeeze %dma_start3A_122 : memref<1x128xi32, #tpu.memory_space<vmem>> -> memref<128xi32, #tpu.memory_space<vmem>>
    %dma_start3A_124 = arith.constant 0 : i32
    %dma_start3A_125 = arith.constant 0 : i32
    %dma_start3A_126 = tpu.memref_slice %arg2[%dma_start3A_124, %dma_start3A_125] : memref<50000x16xf32, #tpu.memory_space<hbm>> -> memref<50000x16xf32, #tpu.memory_space<hbm>>
    %dma_start3A_127 = tpu.memref_slice %arg11[%dma_start3A_116] : memref<4x!tpu.dma_semaphore, #tpu.memory_space<semaphore_mem>> -> memref<1x!tpu.dma_semaphore, #tpu.memory_space<semaphore_mem>>
    %dma_start3A_128 = tpu.memref_squeeze %dma_start3A_127 : memref<1x!tpu.dma_semaphore, #tpu.memory_space<semaphore_mem>> -> memref<!tpu.dma_semaphore, #tpu.memory_space<semaphore_mem>>
    tpu.enqueue_indirect_dma source(%dma_start3A_126 : memref<50000x16xf32, #tpu.memory_space<hbm>>) target(%dma_start3A_120 : memref<128x16xf32, #tpu.memory_space<vmem>>) offsets(%dma_start3A_123 : memref<128xi32, #tpu.memory_space<vmem>>) semaphore(%dma_start3A_128 : memref<!tpu.dma_semaphore, #tpu.memory_space<semaphore_mem>>)
    %scan3A_129 = arith.constant 0 : i32
    %scan3A_130 = arith.constant 0 : i32
    %scan3A_131 = arith.constant 98 : i32
    %scan3A_132 = arith.addi %scan3A_130, %scan3A_131 : i32
    %scan3A_133 = arith.constant 1 : i32
    scf.for %scan3A_200 = %scan3A_130 to %scan3A_132 step %scan3A_133  : i32 {
      %rem3A = arith.constant 4 : i32
      %rem3A_201 = arith.remsi %scan3A_200, %rem3A : i32
      %add3A_202 = arith.constant 2 : i32
      %add3A_203 = arith.addi %scan3A_200, %add3A_202 : i32
      %rem3A_204 = arith.constant 4 : i32
      %rem3A_205 = arith.remsi %add3A_203, %rem3A_204 : i32
      %mul3A_206 = arith.constant 2 : i32
      %mul3A_207 = arith.muli %scan3A_200, %mul3A_206 : i32
      %add3A_208 = arith.constant 0 : i32
      %add3A_209 = arith.addi %mul3A_207, %add3A_208 : i32
      %dma_wait3A_210 = arith.constant 0 : i32
      %dma_wait3A_211 = arith.constant 0 : i32
      %dma_wait3A_212 = arith.constant 0 : i32
      %dma_wait3A_213 = tpu.memref_slice %arg8[%rem3A_201, %dma_wait3A_210, %dma_wait3A_211, %dma_wait3A_212] : memref<4x2x128x16xf32, #tpu.memory_space<vmem>> -> memref<1x1x128x16xf32, #tpu.memory_space<vmem>>
      %dma_wait3A_214 = tpu.memref_squeeze %dma_wait3A_213 : memref<1x1x128x16xf32, #tpu.memory_space<vmem>> -> memref<128x16xf32, #tpu.memory_space<vmem>>
      %dma_wait3A_215 = arith.constant 0 : i32
      %dma_wait3A_216 = tpu.memref_slice %arg6[%add3A_209, %dma_wait3A_215] : memref<196x128xi32, #tpu.memory_space<vmem>> -> memref<1x128xi32, #tpu.memory_space<vmem>>
      %dma_wait3A_217 = tpu.memref_squeeze %dma_wait3A_216 : memref<1x128xi32, #tpu.memory_space<vmem>> -> memref<128xi32, #tpu.memory_space<vmem>>
      %dma_wait3A_218 = arith.constant 0 : i32
      %dma_wait3A_219 = arith.constant 0 : i32
      %dma_wait3A_220 = tpu.memref_slice %arg2[%dma_wait3A_218, %dma_wait3A_219] : memref<50000x16xf32, #tpu.memory_space<hbm>> -> memref<50000x16xf32, #tpu.memory_space<hbm>>
      %dma_wait3A_221 = tpu.memref_slice %arg11[%rem3A_201] : memref<4x!tpu.dma_semaphore, #tpu.memory_space<semaphore_mem>> -> memref<1x!tpu.dma_semaphore, #tpu.memory_space<semaphore_mem>>
      %dma_wait3A_222 = tpu.memref_squeeze %dma_wait3A_221 : memref<1x!tpu.dma_semaphore, #tpu.memory_space<semaphore_mem>> -> memref<!tpu.dma_semaphore, #tpu.memory_space<semaphore_mem>>
      tpu.wait_indirect_dma semaphore(%dma_wait3A_222 : memref<!tpu.dma_semaphore, #tpu.memory_space<semaphore_mem>>) src(%dma_wait3A_220 : memref<50000x16xf32, #tpu.memory_space<hbm>>) dst(%dma_wait3A_214 : memref<128x16xf32, #tpu.memory_space<vmem>>)
      %mul3A_223 = arith.constant 2 : i32
      %mul3A_224 = arith.muli %scan3A_200, %mul3A_223 : i32
      %add3A_225 = arith.constant 1 : i32
      %add3A_226 = arith.addi %mul3A_224, %add3A_225 : i32
      %dma_wait3A_227 = arith.constant 1 : i32
      %dma_wait3A_228 = arith.constant 0 : i32
      %dma_wait3A_229 = arith.constant 0 : i32
      %dma_wait3A_230 = tpu.memref_slice %arg8[%rem3A_201, %dma_wait3A_227, %dma_wait3A_228, %dma_wait3A_229] : memref<4x2x128x16xf32, #tpu.memory_space<vmem>> -> memref<1x1x128x16xf32, #tpu.memory_space<vmem>>
      %dma_wait3A_231 = tpu.memref_squeeze %dma_wait3A_230 : memref<1x1x128x16xf32, #tpu.memory_space<vmem>> -> memref<128x16xf32, #tpu.memory_space<vmem>>
      %dma_wait3A_232 = arith.constant 0 : i32
      %dma_wait3A_233 = tpu.memref_slice %arg6[%add3A_226, %dma_wait3A_232] : memref<196x128xi32, #tpu.memory_space<vmem>> -> memref<1x128xi32, #tpu.memory_space<vmem>>
      %dma_wait3A_234 = tpu.memref_squeeze %dma_wait3A_233 : memref<1x128xi32, #tpu.memory_space<vmem>> -> memref<128xi32, #tpu.memory_space<vmem>>
      %dma_wait3A_235 = arith.constant 0 : i32
      %dma_wait3A_236 = arith.constant 0 : i32
      %dma_wait3A_237 = tpu.memref_slice %arg2[%dma_wait3A_235, %dma_wait3A_236] : memref<50000x16xf32, #tpu.memory_space<hbm>> -> memref<50000x16xf32, #tpu.memory_space<hbm>>
      %dma_wait3A_238 = tpu.memref_slice %arg11[%rem3A_201] : memref<4x!tpu.dma_semaphore, #tpu.memory_space<semaphore_mem>> -> memref<1x!tpu.dma_semaphore, #tpu.memory_space<semaphore_mem>>
      %dma_wait3A_239 = tpu.memref_squeeze %dma_wait3A_238 : memref<1x!tpu.dma_semaphore, #tpu.memory_space<semaphore_mem>> -> memref<!tpu.dma_semaphore, #tpu.memory_space<semaphore_mem>>
      tpu.wait_indirect_dma semaphore(%dma_wait3A_239 : memref<!tpu.dma_semaphore, #tpu.memory_space<semaphore_mem>>) src(%dma_wait3A_237 : memref<50000x16xf32, #tpu.memory_space<hbm>>) dst(%dma_wait3A_231 : memref<128x16xf32, #tpu.memory_space<vmem>>)
      %mul3A_240 = arith.constant 2 : i32
      %mul3A_241 = arith.muli %scan3A_200, %mul3A_240 : i32
      %add3A_242 = arith.constant 0 : i32
      %add3A_243 = arith.addi %mul3A_241, %add3A_242 : i32
      %dma_start3A_244 = arith.constant 0 : i32
      %dma_start3A_245 = arith.constant 0 : i32
      %dma_start3A_246 = arith.constant 0 : i32
      %dma_start3A_247 = tpu.memref_slice %arg8[%rem3A_201, %dma_start3A_244, %dma_start3A_245, %dma_start3A_246] : memref<4x2x128x16xf32, #tpu.memory_space<vmem>> -> memref<1x1x128x16xf32, #tpu.memory_space<vmem>>
      %dma_start3A_248 = tpu.memref_squeeze %dma_start3A_247 : memref<1x1x128x16xf32, #tpu.memory_space<vmem>> -> memref<128x16xf32, #tpu.memory_space<vmem>>
      %dma_start3A_249 = arith.constant 0 : i32
      %dma_start3A_250 = tpu.memref_slice %arg7[%add3A_243, %dma_start3A_249] : memref<196x128xi32, #tpu.memory_space<vmem>> -> memref<1x128xi32, #tpu.memory_space<vmem>>
      %dma_start3A_251 = tpu.memref_squeeze %dma_start3A_250 : memref<1x128xi32, #tpu.memory_space<vmem>> -> memref<128xi32, #tpu.memory_space<vmem>>
      %dma_start3A_252 = arith.constant 0 : i32
      %dma_start3A_253 = arith.constant 0 : i32
      %dma_start3A_254 = tpu.memref_slice %arg10[%dma_start3A_252, %dma_start3A_253] : memref<50176x16xf32, #tpu.memory_space<vmem_shared>> -> memref<50176x16xf32, #tpu.memory_space<vmem_shared>>
      %dma_start3A_255 = tpu.memref_slice %arg12[%rem3A_201] : memref<4x!tpu.dma_semaphore, #tpu.memory_space<semaphore_mem>> -> memref<1x!tpu.dma_semaphore, #tpu.memory_space<semaphore_mem>>
      %dma_start3A_256 = tpu.memref_squeeze %dma_start3A_255 : memref<1x!tpu.dma_semaphore, #tpu.memory_space<semaphore_mem>> -> memref<!tpu.dma_semaphore, #tpu.memory_space<semaphore_mem>>
      tpu.enqueue_indirect_dma source(%dma_start3A_248 : memref<128x16xf32, #tpu.memory_space<vmem>>) target(%dma_start3A_254 : memref<50176x16xf32, #tpu.memory_space<vmem_shared>>) offsets(%dma_start3A_251 : memref<128xi32, #tpu.memory_space<vmem>>) semaphore(%dma_start3A_256 : memref<!tpu.dma_semaphore, #tpu.memory_space<semaphore_mem>>) {add = true}
      %mul3A_257 = arith.constant 2 : i32
      %mul3A_258 = arith.muli %scan3A_200, %mul3A_257 : i32
      %add3A_259 = arith.constant 1 : i32
      %add3A_260 = arith.addi %mul3A_258, %add3A_259 : i32
      %dma_start3A_261 = arith.constant 1 : i32
      %dma_start3A_262 = arith.constant 0 : i32
      %dma_start3A_263 = arith.constant 0 : i32
      %dma_start3A_264 = tpu.memref_slice %arg8[%rem3A_201, %dma_start3A_261, %dma_start3A_262, %dma_start3A_263] : memref<4x2x128x16xf32, #tpu.memory_space<vmem>> -> memref<1x1x128x16xf32, #tpu.memory_space<vmem>>
      %dma_start3A_265 = tpu.memref_squeeze %dma_start3A_264 : memref<1x1x128x16xf32, #tpu.memory_space<vmem>> -> memref<128x16xf32, #tpu.memory_space<vmem>>
      %dma_start3A_266 = arith.constant 0 : i32
      %dma_start3A_267 = tpu.memref_slice %arg7[%add3A_260, %dma_start3A_266] : memref<196x128xi32, #tpu.memory_space<vmem>> -> memref<1x128xi32, #tpu.memory_space<vmem>>
      %dma_start3A_268 = tpu.memref_squeeze %dma_start3A_267 : memref<1x128xi32, #tpu.memory_space<vmem>> -> memref<128xi32, #tpu.memory_space<vmem>>
      %dma_start3A_269 = arith.constant 0 : i32
      %dma_start3A_270 = arith.constant 0 : i32
      %dma_start3A_271 = tpu.memref_slice %arg10[%dma_start3A_269, %dma_start3A_270] : memref<50176x16xf32, #tpu.memory_space<vmem_shared>> -> memref<50176x16xf32, #tpu.memory_space<vmem_shared>>
      %dma_start3A_272 = tpu.memref_slice %arg12[%rem3A_201] : memref<4x!tpu.dma_semaphore, #tpu.memory_space<semaphore_mem>> -> memref<1x!tpu.dma_semaphore, #tpu.memory_space<semaphore_mem>>
      %dma_start3A_273 = tpu.memref_squeeze %dma_start3A_272 : memref<1x!tpu.dma_semaphore, #tpu.memory_space<semaphore_mem>> -> memref<!tpu.dma_semaphore, #tpu.memory_space<semaphore_mem>>
      tpu.enqueue_indirect_dma source(%dma_start3A_265 : memref<128x16xf32, #tpu.memory_space<vmem>>) target(%dma_start3A_271 : memref<50176x16xf32, #tpu.memory_space<vmem_shared>>) offsets(%dma_start3A_268 : memref<128xi32, #tpu.memory_space<vmem>>) semaphore(%dma_start3A_273 : memref<!tpu.dma_semaphore, #tpu.memory_space<semaphore_mem>>) {add = true}
      %ge3A = arith.constant 2 : i32
      %ge3A_274 = arith.cmpi sge, %scan3A_200, %ge3A : i32
      %convert_element_type3A = arith.extui %ge3A_274 : i1 to i32
      %cond3A = arith.constant 0 : i32
      %cond3A_275 = arith.cmpi ne, %convert_element_type3A, %cond3A : i32
      scf.if %cond3A_275 {
        %sub3A = arith.constant 2 : i32
        %sub3A_282 = arith.subi %scan3A_200, %sub3A : i32
        %mul3A_283 = arith.constant 2 : i32
        %mul3A_284 = arith.muli %sub3A_282, %mul3A_283 : i32
        %add3A_285 = arith.constant 0 : i32
        %add3A_286 = arith.addi %mul3A_284, %add3A_285 : i32
        %dma_wait3A_287 = arith.constant 0 : i32
        %dma_wait3A_288 = arith.constant 0 : i32
        %dma_wait3A_289 = arith.constant 0 : i32
        %dma_wait3A_290 = tpu.memref_slice %arg8[%rem3A_205, %dma_wait3A_287, %dma_wait3A_288, %dma_wait3A_289] : memref<4x2x128x16xf32, #tpu.memory_space<vmem>> -> memref<1x1x128x16xf32, #tpu.memory_space<vmem>>
        %dma_wait3A_291 = tpu.memref_squeeze %dma_wait3A_290 : memref<1x1x128x16xf32, #tpu.memory_space<vmem>> -> memref<128x16xf32, #tpu.memory_space<vmem>>
        %dma_wait3A_292 = arith.constant 0 : i32
        %dma_wait3A_293 = tpu.memref_slice %arg7[%add3A_286, %dma_wait3A_292] : memref<196x128xi32, #tpu.memory_space<vmem>> -> memref<1x128xi32, #tpu.memory_space<vmem>>
        %dma_wait3A_294 = tpu.memref_squeeze %dma_wait3A_293 : memref<1x128xi32, #tpu.memory_space<vmem>> -> memref<128xi32, #tpu.memory_space<vmem>>
        %dma_wait3A_295 = arith.constant 0 : i32
        %dma_wait3A_296 = arith.constant 0 : i32
        %dma_wait3A_297 = tpu.memref_slice %arg10[%dma_wait3A_295, %dma_wait3A_296] : memref<50176x16xf32, #tpu.memory_space<vmem_shared>> -> memref<50176x16xf32, #tpu.memory_space<vmem_shared>>
        %dma_wait3A_298 = tpu.memref_slice %arg12[%rem3A_205] : memref<4x!tpu.dma_semaphore, #tpu.memory_space<semaphore_mem>> -> memref<1x!tpu.dma_semaphore, #tpu.memory_space<semaphore_mem>>
        %dma_wait3A_299 = tpu.memref_squeeze %dma_wait3A_298 : memref<1x!tpu.dma_semaphore, #tpu.memory_space<semaphore_mem>> -> memref<!tpu.dma_semaphore, #tpu.memory_space<semaphore_mem>>
        tpu.wait_indirect_dma semaphore(%dma_wait3A_299 : memref<!tpu.dma_semaphore, #tpu.memory_space<semaphore_mem>>) src(%dma_wait3A_291 : memref<128x16xf32, #tpu.memory_space<vmem>>) dst(%dma_wait3A_297 : memref<50176x16xf32, #tpu.memory_space<vmem_shared>>)
        %mul3A_300 = arith.constant 2 : i32
        %mul3A_301 = arith.muli %sub3A_282, %mul3A_300 : i32
        %add3A_302 = arith.constant 1 : i32
        %add3A_303 = arith.addi %mul3A_301, %add3A_302 : i32
        %dma_wait3A_304 = arith.constant 1 : i32
        %dma_wait3A_305 = arith.constant 0 : i32
        %dma_wait3A_306 = arith.constant 0 : i32
        %dma_wait3A_307 = tpu.memref_slice %arg8[%rem3A_205, %dma_wait3A_304, %dma_wait3A_305, %dma_wait3A_306] : memref<4x2x128x16xf32, #tpu.memory_space<vmem>> -> memref<1x1x128x16xf32, #tpu.memory_space<vmem>>
        %dma_wait3A_308 = tpu.memref_squeeze %dma_wait3A_307 : memref<1x1x128x16xf32, #tpu.memory_space<vmem>> -> memref<128x16xf32, #tpu.memory_space<vmem>>
        %dma_wait3A_309 = arith.constant 0 : i32
        %dma_wait3A_310 = tpu.memref_slice %arg7[%add3A_303, %dma_wait3A_309] : memref<196x128xi32, #tpu.memory_space<vmem>> -> memref<1x128xi32, #tpu.memory_space<vmem>>
        %dma_wait3A_311 = tpu.memref_squeeze %dma_wait3A_310 : memref<1x128xi32, #tpu.memory_space<vmem>> -> memref<128xi32, #tpu.memory_space<vmem>>
        %dma_wait3A_312 = arith.constant 0 : i32
        %dma_wait3A_313 = arith.constant 0 : i32
        %dma_wait3A_314 = tpu.memref_slice %arg10[%dma_wait3A_312, %dma_wait3A_313] : memref<50176x16xf32, #tpu.memory_space<vmem_shared>> -> memref<50176x16xf32, #tpu.memory_space<vmem_shared>>
        %dma_wait3A_315 = tpu.memref_slice %arg12[%rem3A_205] : memref<4x!tpu.dma_semaphore, #tpu.memory_space<semaphore_mem>> -> memref<1x!tpu.dma_semaphore, #tpu.memory_space<semaphore_mem>>
        %dma_wait3A_316 = tpu.memref_squeeze %dma_wait3A_315 : memref<1x!tpu.dma_semaphore, #tpu.memory_space<semaphore_mem>> -> memref<!tpu.dma_semaphore, #tpu.memory_space<semaphore_mem>>
        tpu.wait_indirect_dma semaphore(%dma_wait3A_316 : memref<!tpu.dma_semaphore, #tpu.memory_space<semaphore_mem>>) src(%dma_wait3A_308 : memref<128x16xf32, #tpu.memory_space<vmem>>) dst(%dma_wait3A_314 : memref<50176x16xf32, #tpu.memory_space<vmem_shared>>)
      } else {
      }
      %add3A_276 = arith.constant 2 : i32
      %add3A_277 = arith.addi %scan3A_200, %add3A_276 : i32
      %lt3A = arith.constant 98 : i32
      %lt3A_278 = arith.cmpi slt, %add3A_277, %lt3A : i32
      %convert_element_type3A_279 = arith.extui %lt3A_278 : i1 to i32
      %cond3A_280 = arith.constant 0 : i32
      %cond3A_281 = arith.cmpi ne, %convert_element_type3A_279, %cond3A_280 : i32
      scf.if %cond3A_281 {
        %add3A_282 = arith.constant 2 : i32
        %add3A_283 = arith.addi %scan3A_200, %add3A_282 : i32
        %mul3A_284 = arith.constant 2 : i32
        %mul3A_285 = arith.muli %add3A_283, %mul3A_284 : i32
        %add3A_286 = arith.constant 0 : i32
        %add3A_287 = arith.addi %mul3A_285, %add3A_286 : i32
        %dma_start3A_288 = arith.constant 0 : i32
        %dma_start3A_289 = arith.constant 0 : i32
        %dma_start3A_290 = arith.constant 0 : i32
        %dma_start3A_291 = tpu.memref_slice %arg8[%rem3A_205, %dma_start3A_288, %dma_start3A_289, %dma_start3A_290] : memref<4x2x128x16xf32, #tpu.memory_space<vmem>> -> memref<1x1x128x16xf32, #tpu.memory_space<vmem>>
        %dma_start3A_292 = tpu.memref_squeeze %dma_start3A_291 : memref<1x1x128x16xf32, #tpu.memory_space<vmem>> -> memref<128x16xf32, #tpu.memory_space<vmem>>
        %dma_start3A_293 = arith.constant 0 : i32
        %dma_start3A_294 = tpu.memref_slice %arg6[%add3A_287, %dma_start3A_293] : memref<196x128xi32, #tpu.memory_space<vmem>> -> memref<1x128xi32, #tpu.memory_space<vmem>>
        %dma_start3A_295 = tpu.memref_squeeze %dma_start3A_294 : memref<1x128xi32, #tpu.memory_space<vmem>> -> memref<128xi32, #tpu.memory_space<vmem>>
        %dma_start3A_296 = arith.constant 0 : i32
        %dma_start3A_297 = arith.constant 0 : i32
        %dma_start3A_298 = tpu.memref_slice %arg2[%dma_start3A_296, %dma_start3A_297] : memref<50000x16xf32, #tpu.memory_space<hbm>> -> memref<50000x16xf32, #tpu.memory_space<hbm>>
        %dma_start3A_299 = tpu.memref_slice %arg11[%rem3A_205] : memref<4x!tpu.dma_semaphore, #tpu.memory_space<semaphore_mem>> -> memref<1x!tpu.dma_semaphore, #tpu.memory_space<semaphore_mem>>
        %dma_start3A_300 = tpu.memref_squeeze %dma_start3A_299 : memref<1x!tpu.dma_semaphore, #tpu.memory_space<semaphore_mem>> -> memref<!tpu.dma_semaphore, #tpu.memory_space<semaphore_mem>>
        tpu.enqueue_indirect_dma source(%dma_start3A_298 : memref<50000x16xf32, #tpu.memory_space<hbm>>) target(%dma_start3A_292 : memref<128x16xf32, #tpu.memory_space<vmem>>) offsets(%dma_start3A_295 : memref<128xi32, #tpu.memory_space<vmem>>) semaphore(%dma_start3A_300 : memref<!tpu.dma_semaphore, #tpu.memory_space<semaphore_mem>>)
        %mul3A_301 = arith.constant 2 : i32
        %mul3A_302 = arith.muli %add3A_283, %mul3A_301 : i32
        %add3A_303 = arith.constant 1 : i32
        %add3A_304 = arith.addi %mul3A_302, %add3A_303 : i32
        %dma_start3A_305 = arith.constant 1 : i32
        %dma_start3A_306 = arith.constant 0 : i32
        %dma_start3A_307 = arith.constant 0 : i32
        %dma_start3A_308 = tpu.memref_slice %arg8[%rem3A_205, %dma_start3A_305, %dma_start3A_306, %dma_start3A_307] : memref<4x2x128x16xf32, #tpu.memory_space<vmem>> -> memref<1x1x128x16xf32, #tpu.memory_space<vmem>>
        %dma_start3A_309 = tpu.memref_squeeze %dma_start3A_308 : memref<1x1x128x16xf32, #tpu.memory_space<vmem>> -> memref<128x16xf32, #tpu.memory_space<vmem>>
        %dma_start3A_310 = arith.constant 0 : i32
        %dma_start3A_311 = tpu.memref_slice %arg6[%add3A_304, %dma_start3A_310] : memref<196x128xi32, #tpu.memory_space<vmem>> -> memref<1x128xi32, #tpu.memory_space<vmem>>
        %dma_start3A_312 = tpu.memref_squeeze %dma_start3A_311 : memref<1x128xi32, #tpu.memory_space<vmem>> -> memref<128xi32, #tpu.memory_space<vmem>>
        %dma_start3A_313 = arith.constant 0 : i32
        %dma_start3A_314 = arith.constant 0 : i32
        %dma_start3A_315 = tpu.memref_slice %arg2[%dma_start3A_313, %dma_start3A_314] : memref<50000x16xf32, #tpu.memory_space<hbm>> -> memref<50000x16xf32, #tpu.memory_space<hbm>>
        %dma_start3A_316 = tpu.memref_slice %arg11[%rem3A_205] : memref<4x!tpu.dma_semaphore, #tpu.memory_space<semaphore_mem>> -> memref<1x!tpu.dma_semaphore, #tpu.memory_space<semaphore_mem>>
        %dma_start3A_317 = tpu.memref_squeeze %dma_start3A_316 : memref<1x!tpu.dma_semaphore, #tpu.memory_space<semaphore_mem>> -> memref<!tpu.dma_semaphore, #tpu.memory_space<semaphore_mem>>
        tpu.enqueue_indirect_dma source(%dma_start3A_315 : memref<50000x16xf32, #tpu.memory_space<hbm>>) target(%dma_start3A_309 : memref<128x16xf32, #tpu.memory_space<vmem>>) offsets(%dma_start3A_312 : memref<128xi32, #tpu.memory_space<vmem>>) semaphore(%dma_start3A_317 : memref<!tpu.dma_semaphore, #tpu.memory_space<semaphore_mem>>)
      } else {
      }
    }
    %scan3A_134 = arith.constant 98 : i32
    %dma_wait3A_135 = arith.constant 0 : i32
    %dma_wait3A_136 = arith.constant 0 : i32
    %dma_wait3A_137 = arith.constant 192 : i32
    %dma_wait3A_138 = arith.constant 0 : i32
    %dma_wait3A_139 = arith.constant 0 : i32
    %dma_wait3A_140 = arith.constant 0 : i32
    %dma_wait3A_141 = tpu.memref_slice %arg8[%dma_wait3A_135, %dma_wait3A_136, %dma_wait3A_139, %dma_wait3A_140] : memref<4x2x128x16xf32, #tpu.memory_space<vmem>> -> memref<1x1x128x16xf32, #tpu.memory_space<vmem>>
    %dma_wait3A_142 = tpu.memref_squeeze %dma_wait3A_141 : memref<1x1x128x16xf32, #tpu.memory_space<vmem>> -> memref<128x16xf32, #tpu.memory_space<vmem>>
    %dma_wait3A_143 = arith.constant 0 : i32
    %dma_wait3A_144 = tpu.memref_slice %arg7[%dma_wait3A_137, %dma_wait3A_143] : memref<196x128xi32, #tpu.memory_space<vmem>> -> memref<1x128xi32, #tpu.memory_space<vmem>>
    %dma_wait3A_145 = tpu.memref_squeeze %dma_wait3A_144 : memref<1x128xi32, #tpu.memory_space<vmem>> -> memref<128xi32, #tpu.memory_space<vmem>>
    %dma_wait3A_146 = arith.constant 0 : i32
    %dma_wait3A_147 = arith.constant 0 : i32
    %dma_wait3A_148 = tpu.memref_slice %arg10[%dma_wait3A_146, %dma_wait3A_147] : memref<50176x16xf32, #tpu.memory_space<vmem_shared>> -> memref<50176x16xf32, #tpu.memory_space<vmem_shared>>
    %dma_wait3A_149 = tpu.memref_slice %arg12[%dma_wait3A_138] : memref<4x!tpu.dma_semaphore, #tpu.memory_space<semaphore_mem>> -> memref<1x!tpu.dma_semaphore, #tpu.memory_space<semaphore_mem>>
    %dma_wait3A_150 = tpu.memref_squeeze %dma_wait3A_149 : memref<1x!tpu.dma_semaphore, #tpu.memory_space<semaphore_mem>> -> memref<!tpu.dma_semaphore, #tpu.memory_space<semaphore_mem>>
    tpu.wait_indirect_dma semaphore(%dma_wait3A_150 : memref<!tpu.dma_semaphore, #tpu.memory_space<semaphore_mem>>) src(%dma_wait3A_142 : memref<128x16xf32, #tpu.memory_space<vmem>>) dst(%dma_wait3A_148 : memref<50176x16xf32, #tpu.memory_space<vmem_shared>>)
    %dma_wait3A_151 = arith.constant 0 : i32
    %dma_wait3A_152 = arith.constant 1 : i32
    %dma_wait3A_153 = arith.constant 193 : i32
    %dma_wait3A_154 = arith.constant 0 : i32
    %dma_wait3A_155 = arith.constant 0 : i32
    %dma_wait3A_156 = arith.constant 0 : i32
    %dma_wait3A_157 = tpu.memref_slice %arg8[%dma_wait3A_151, %dma_wait3A_152, %dma_wait3A_155, %dma_wait3A_156] : memref<4x2x128x16xf32, #tpu.memory_space<vmem>> -> memref<1x1x128x16xf32, #tpu.memory_space<vmem>>
    %dma_wait3A_158 = tpu.memref_squeeze %dma_wait3A_157 : memref<1x1x128x16xf32, #tpu.memory_space<vmem>> -> memref<128x16xf32, #tpu.memory_space<vmem>>
    %dma_wait3A_159 = arith.constant 0 : i32
    %dma_wait3A_160 = tpu.memref_slice %arg7[%dma_wait3A_153, %dma_wait3A_159] : memref<196x128xi32, #tpu.memory_space<vmem>> -> memref<1x128xi32, #tpu.memory_space<vmem>>
    %dma_wait3A_161 = tpu.memref_squeeze %dma_wait3A_160 : memref<1x128xi32, #tpu.memory_space<vmem>> -> memref<128xi32, #tpu.memory_space<vmem>>
    %dma_wait3A_162 = arith.constant 0 : i32
    %dma_wait3A_163 = arith.constant 0 : i32
    %dma_wait3A_164 = tpu.memref_slice %arg10[%dma_wait3A_162, %dma_wait3A_163] : memref<50176x16xf32, #tpu.memory_space<vmem_shared>> -> memref<50176x16xf32, #tpu.memory_space<vmem_shared>>
    %dma_wait3A_165 = tpu.memref_slice %arg12[%dma_wait3A_154] : memref<4x!tpu.dma_semaphore, #tpu.memory_space<semaphore_mem>> -> memref<1x!tpu.dma_semaphore, #tpu.memory_space<semaphore_mem>>
    %dma_wait3A_166 = tpu.memref_squeeze %dma_wait3A_165 : memref<1x!tpu.dma_semaphore, #tpu.memory_space<semaphore_mem>> -> memref<!tpu.dma_semaphore, #tpu.memory_space<semaphore_mem>>
    tpu.wait_indirect_dma semaphore(%dma_wait3A_166 : memref<!tpu.dma_semaphore, #tpu.memory_space<semaphore_mem>>) src(%dma_wait3A_158 : memref<128x16xf32, #tpu.memory_space<vmem>>) dst(%dma_wait3A_164 : memref<50176x16xf32, #tpu.memory_space<vmem_shared>>)
    %dma_wait3A_167 = arith.constant 1 : i32
    %dma_wait3A_168 = arith.constant 0 : i32
    %dma_wait3A_169 = arith.constant 194 : i32
    %dma_wait3A_170 = arith.constant 1 : i32
    %dma_wait3A_171 = arith.constant 0 : i32
    %dma_wait3A_172 = arith.constant 0 : i32
    %dma_wait3A_173 = tpu.memref_slice %arg8[%dma_wait3A_167, %dma_wait3A_168, %dma_wait3A_171, %dma_wait3A_172] : memref<4x2x128x16xf32, #tpu.memory_space<vmem>> -> memref<1x1x128x16xf32, #tpu.memory_space<vmem>>
    %dma_wait3A_174 = tpu.memref_squeeze %dma_wait3A_173 : memref<1x1x128x16xf32, #tpu.memory_space<vmem>> -> memref<128x16xf32, #tpu.memory_space<vmem>>
    %dma_wait3A_175 = arith.constant 0 : i32
    %dma_wait3A_176 = tpu.memref_slice %arg7[%dma_wait3A_169, %dma_wait3A_175] : memref<196x128xi32, #tpu.memory_space<vmem>> -> memref<1x128xi32, #tpu.memory_space<vmem>>
    %dma_wait3A_177 = tpu.memref_squeeze %dma_wait3A_176 : memref<1x128xi32, #tpu.memory_space<vmem>> -> memref<128xi32, #tpu.memory_space<vmem>>
    %dma_wait3A_178 = arith.constant 0 : i32
    %dma_wait3A_179 = arith.constant 0 : i32
    %dma_wait3A_180 = tpu.memref_slice %arg10[%dma_wait3A_178, %dma_wait3A_179] : memref<50176x16xf32, #tpu.memory_space<vmem_shared>> -> memref<50176x16xf32, #tpu.memory_space<vmem_shared>>
    %dma_wait3A_181 = tpu.memref_slice %arg12[%dma_wait3A_170] : memref<4x!tpu.dma_semaphore, #tpu.memory_space<semaphore_mem>> -> memref<1x!tpu.dma_semaphore, #tpu.memory_space<semaphore_mem>>
    %dma_wait3A_182 = tpu.memref_squeeze %dma_wait3A_181 : memref<1x!tpu.dma_semaphore, #tpu.memory_space<semaphore_mem>> -> memref<!tpu.dma_semaphore, #tpu.memory_space<semaphore_mem>>
    tpu.wait_indirect_dma semaphore(%dma_wait3A_182 : memref<!tpu.dma_semaphore, #tpu.memory_space<semaphore_mem>>) src(%dma_wait3A_174 : memref<128x16xf32, #tpu.memory_space<vmem>>) dst(%dma_wait3A_180 : memref<50176x16xf32, #tpu.memory_space<vmem_shared>>)
    %dma_wait3A_183 = arith.constant 1 : i32
    %dma_wait3A_184 = arith.constant 1 : i32
    %dma_wait3A_185 = arith.constant 195 : i32
    %dma_wait3A_186 = arith.constant 1 : i32
    %dma_wait3A_187 = arith.constant 0 : i32
    %dma_wait3A_188 = arith.constant 0 : i32
    %dma_wait3A_189 = tpu.memref_slice %arg8[%dma_wait3A_183, %dma_wait3A_184, %dma_wait3A_187, %dma_wait3A_188] : memref<4x2x128x16xf32, #tpu.memory_space<vmem>> -> memref<1x1x128x16xf32, #tpu.memory_space<vmem>>
    %dma_wait3A_190 = tpu.memref_squeeze %dma_wait3A_189 : memref<1x1x128x16xf32, #tpu.memory_space<vmem>> -> memref<128x16xf32, #tpu.memory_space<vmem>>
    %dma_wait3A_191 = arith.constant 0 : i32
    %dma_wait3A_192 = tpu.memref_slice %arg7[%dma_wait3A_185, %dma_wait3A_191] : memref<196x128xi32, #tpu.memory_space<vmem>> -> memref<1x128xi32, #tpu.memory_space<vmem>>
    %dma_wait3A_193 = tpu.memref_squeeze %dma_wait3A_192 : memref<1x128xi32, #tpu.memory_space<vmem>> -> memref<128xi32, #tpu.memory_space<vmem>>
    %dma_wait3A_194 = arith.constant 0 : i32
    %dma_wait3A_195 = arith.constant 0 : i32
    %dma_wait3A_196 = tpu.memref_slice %arg10[%dma_wait3A_194, %dma_wait3A_195] : memref<50176x16xf32, #tpu.memory_space<vmem_shared>> -> memref<50176x16xf32, #tpu.memory_space<vmem_shared>>
    %dma_wait3A_197 = tpu.memref_slice %arg12[%dma_wait3A_186] : memref<4x!tpu.dma_semaphore, #tpu.memory_space<semaphore_mem>> -> memref<1x!tpu.dma_semaphore, #tpu.memory_space<semaphore_mem>>
    %dma_wait3A_198 = tpu.memref_squeeze %dma_wait3A_197 : memref<1x!tpu.dma_semaphore, #tpu.memory_space<semaphore_mem>> -> memref<!tpu.dma_semaphore, #tpu.memory_space<semaphore_mem>>
    tpu.wait_indirect_dma semaphore(%dma_wait3A_198 : memref<!tpu.dma_semaphore, #tpu.memory_space<semaphore_mem>>) src(%dma_wait3A_190 : memref<128x16xf32, #tpu.memory_space<vmem>>) dst(%dma_wait3A_196 : memref<50176x16xf32, #tpu.memory_space<vmem_shared>>)
    %barrier3A_199 = arith.constant 0 : index
    tpu.barrier barrier_id(%barrier3A_199)
    "tpu.region"() ({
      %run_scoped3A = tpu.sem_alloc : memref<!tpu.dma_semaphore, #tpu.memory_space<semaphore_mem>>
      %dma_start3A_200 = arith.constant 0 : i32
      %dma_start3A_201 = tpu.memref_slice %arg5[%arg0, %mul3A_2, %dma_start3A_200] : memref<2x50176x16xf32, #tpu.memory_space<hbm>> -> memref<1x3136x16xf32, #tpu.memory_space<hbm>>
      %dma_start3A_202 = tpu.memref_squeeze %dma_start3A_201 : memref<1x3136x16xf32, #tpu.memory_space<hbm>> -> memref<3136x16xf32, #tpu.memory_space<hbm>>
      %dma_start3A_203 = arith.constant 0 : i32
      %dma_start3A_204 = tpu.memref_slice %arg10[%mul3A_2, %dma_start3A_203] : memref<50176x16xf32, #tpu.memory_space<vmem_shared>> -> memref<3136x16xf32, #tpu.memory_space<vmem_shared>>
      tpu.enqueue_dma source(%dma_start3A_204 : memref<3136x16xf32, #tpu.memory_space<vmem_shared>>) target(%dma_start3A_202 : memref<3136x16xf32, #tpu.memory_space<hbm>>) target_semaphore(%run_scoped3A : memref<!tpu.dma_semaphore, #tpu.memory_space<semaphore_mem>>)
      %dma_wait3A_205 = arith.constant 0 : i32
      %dma_wait3A_206 = tpu.memref_slice %arg5[%arg0, %mul3A_2, %dma_wait3A_205] : memref<2x50176x16xf32, #tpu.memory_space<hbm>> -> memref<1x3136x16xf32, #tpu.memory_space<hbm>>
      %dma_wait3A_207 = tpu.memref_squeeze %dma_wait3A_206 : memref<1x3136x16xf32, #tpu.memory_space<hbm>> -> memref<3136x16xf32, #tpu.memory_space<hbm>>
      %dma_wait3A_208 = arith.constant 0 : i32
      %dma_wait3A_209 = tpu.memref_slice %arg10[%mul3A_2, %dma_wait3A_208] : memref<50176x16xf32, #tpu.memory_space<vmem_shared>> -> memref<3136x16xf32, #tpu.memory_space<vmem_shared>>
      tpu.wait_dma2 semaphore(%run_scoped3A : memref<!tpu.dma_semaphore, #tpu.memory_space<semaphore_mem>>) src(%dma_wait3A_209 : memref<3136x16xf32, #tpu.memory_space<vmem_shared>>) dst(%dma_wait3A_207 : memref<3136x16xf32, #tpu.memory_space<hbm>>)
      tpu.yield
    }) : () -> ()
    return
  }
}

#map = affine_map<(d0, d1) -> (0, 0)>
#map1 = affine_map<(d0, d1) -> (0, 0, 0)>
module attributes {stable_mosaic.version = 14 : i64} {
  func.func @agg(%arg0: i32, %arg1: i32, %arg2: memref<50000x16xf32, #tpu.memory_space<hbm>>, %arg3: memref<32x196x128xi32, #tpu.memory_space<hbm>>, %arg4: memref<32x196x128xi32, #tpu.memory_space<hbm>>, %arg5: memref<2x50176x16xf32, #tpu.memory_space<hbm>>, %arg6: memref<196x128xi32, #tpu.memory_space<vmem>>, %arg7: memref<196x128xi32, #tpu.memory_space<vmem>>, %arg8: memref<4x2x128x16xf32, #tpu.memory_space<vmem>>, %arg9: memref<448x16xf32, #tpu.memory_space<vmem>>, %arg10: memref<50176x16xf32, #tpu.memory_space<vmem_shared>>, %arg11: memref<4x!tpu.dma_semaphore, #tpu.memory_space<semaphore_mem>>, %arg12: memref<4x!tpu.dma_semaphore, #tpu.memory_space<semaphore_mem>>) attributes {dimension_semantics = [#tpu.dimension_semantics<core_parallel>, #tpu.dimension_semantics<subcore_parallel>], iteration_bounds = array<i64: 2, 16>, scalar_prefetch = 0 : i64, scratch_operands = 7 : i64, tpu.core_type = #tpu.core_type<sc_vector_subcore>, window_params = [{transform_indices = #map}, {transform_indices = #map1}, {transform_indices = #map1}, {transform_indices = #map1}]} {
    %mul3A = arith.constant 2 : i32
    %mul3A_0 = arith.muli %arg1, %mul3A : i32
    %add3A = arith.addi %mul3A_0, %arg0 : i32
    %mul3A_1 = arith.constant 3136 : i32
    %mul3A_2 = arith.muli %arg1, %mul3A_1 : i32
    %broadcast_in_dim3A = arith.constant 0.000000e+00 : f32
    %broadcast_in_dim3A_3 = vector.broadcast %broadcast_in_dim3A : f32 to vector<16xf32>
    %dma_start3A = arith.constant 0 : i32
    %dma_start3A_4 = arith.constant 0 : i32
    %dma_start3A_5 = arith.constant 0 : i32
    %dma_start3A_6 = tpu.memref_slice %arg3[%add3A, %dma_start3A_4, %dma_start3A_5] : memref<32x196x128xi32, #tpu.memory_space<hbm>> -> memref<1x196x128xi32, #tpu.memory_space<hbm>>
    %dma_start3A_7 = tpu.memref_squeeze %dma_start3A_6 : memref<1x196x128xi32, #tpu.memory_space<hbm>> -> memref<196x128xi32, #tpu.memory_space<hbm>>
    %dma_start3A_8 = tpu.memref_slice %arg11[%dma_start3A] : memref<4x!tpu.dma_semaphore, #tpu.memory_space<semaphore_mem>> -> memref<1x!tpu.dma_semaphore, #tpu.memory_space<semaphore_mem>>
    %dma_start3A_9 = tpu.memref_squeeze %dma_start3A_8 : memref<1x!tpu.dma_semaphore, #tpu.memory_space<semaphore_mem>> -> memref<!tpu.dma_semaphore, #tpu.memory_space<semaphore_mem>>
    %dma_start3A_10 = arith.constant 0 : i32
    %dma_start3A_11 = arith.constant 0 : i32
    %dma_start3A_12 = tpu.memref_slice %arg3[%add3A, %dma_start3A_10, %dma_start3A_11] : memref<32x196x128xi32, #tpu.memory_space<hbm>> -> memref<1x196x128xi32, #tpu.memory_space<hbm>>
    %dma_start3A_13 = tpu.memref_squeeze %dma_start3A_12 : memref<1x196x128xi32, #tpu.memory_space<hbm>> -> memref<196x128xi32, #tpu.memory_space<hbm>>
    tpu.enqueue_dma source(%dma_start3A_13 : memref<196x128xi32, #tpu.memory_space<hbm>>) target(%arg6 : memref<196x128xi32, #tpu.memory_space<vmem>>) target_semaphore(%dma_start3A_9 : memref<!tpu.dma_semaphore, #tpu.memory_space<semaphore_mem>>)
    %dma_start3A_14 = arith.constant 1 : i32
    %dma_start3A_15 = arith.constant 0 : i32
    %dma_start3A_16 = arith.constant 0 : i32
    %dma_start3A_17 = tpu.memref_slice %arg4[%add3A, %dma_start3A_15, %dma_start3A_16] : memref<32x196x128xi32, #tpu.memory_space<hbm>> -> memref<1x196x128xi32, #tpu.memory_space<hbm>>
    %dma_start3A_18 = tpu.memref_squeeze %dma_start3A_17 : memref<1x196x128xi32, #tpu.memory_space<hbm>> -> memref<196x128xi32, #tpu.memory_space<hbm>>
    %dma_start3A_19 = tpu.memref_slice %arg11[%dma_start3A_14] : memref<4x!tpu.dma_semaphore, #tpu.memory_space<semaphore_mem>> -> memref<1x!tpu.dma_semaphore, #tpu.memory_space<semaphore_mem>>
    %dma_start3A_20 = tpu.memref_squeeze %dma_start3A_19 : memref<1x!tpu.dma_semaphore, #tpu.memory_space<semaphore_mem>> -> memref<!tpu.dma_semaphore, #tpu.memory_space<semaphore_mem>>
    %dma_start3A_21 = arith.constant 0 : i32
    %dma_start3A_22 = arith.constant 0 : i32
    %dma_start3A_23 = tpu.memref_slice %arg4[%add3A, %dma_start3A_21, %dma_start3A_22] : memref<32x196x128xi32, #tpu.memory_space<hbm>> -> memref<1x196x128xi32, #tpu.memory_space<hbm>>
    %dma_start3A_24 = tpu.memref_squeeze %dma_start3A_23 : memref<1x196x128xi32, #tpu.memory_space<hbm>> -> memref<196x128xi32, #tpu.memory_space<hbm>>
    tpu.enqueue_dma source(%dma_start3A_24 : memref<196x128xi32, #tpu.memory_space<hbm>>) target(%arg7 : memref<196x128xi32, #tpu.memory_space<vmem>>) target_semaphore(%dma_start3A_20 : memref<!tpu.dma_semaphore, #tpu.memory_space<semaphore_mem>>)
    %scan3A = arith.constant 0 : i32
    %scan3A_25 = arith.constant 0 : i32
    %scan3A_26 = arith.constant 448 : i32
    %scan3A_27 = arith.addi %scan3A_25, %scan3A_26 : i32
    %scan3A_28 = arith.constant 1 : i32
    scf.for %scan3A_200 = %scan3A_25 to %scan3A_27 step %scan3A_28  : i32 {
      %swap3A = arith.index_cast %scan3A_200 : i32 to index
      %swap3A_201 = arith.constant 0 : index
      %swap3A_202 = tpu.vector_load %arg9[%swap3A, %swap3A_201] {strides = array<i32>} : memref<448x16xf32, #tpu.memory_space<vmem>>, vector<1x16xf32>,
      %swap3A_203 = vector.shape_cast %swap3A_202 : vector<1x16xf32> to vector<16xf32>
      %swap3A_204 = vector.shape_cast %broadcast_in_dim3A_3 : vector<16xf32> to vector<1x16xf32>
      tpu.vector_store %arg9[%swap3A, %swap3A_201], %swap3A_204 {strides = array<i32>} : memref<448x16xf32, #tpu.memory_space<vmem>>, vector<1x16xf32>,
    }
    %scan3A_29 = arith.constant 448 : i32
    %add3A_30 = arith.constant 0 : i32
    %add3A_31 = arith.addi %mul3A_2, %add3A_30 : i32
    "tpu.region"() ({
      %run_scoped3A = tpu.sem_alloc : memref<!tpu.dma_semaphore, #tpu.memory_space<semaphore_mem>>
      %dma_start3A_200 = arith.constant 0 : i32
      %dma_start3A_201 = tpu.memref_slice %arg10[%add3A_31, %dma_start3A_200] : memref<50176x16xf32, #tpu.memory_space<vmem_shared>> -> memref<448x16xf32, #tpu.memory_space<vmem_shared>>
      %dma_start3A_202 = arith.constant 0 : i32
      %dma_start3A_203 = tpu.memref_slice %arg10[%add3A_31, %dma_start3A_202] : memref<50176x16xf32, #tpu.memory_space<vmem_shared>> -> memref<448x16xf32, #tpu.memory_space<vmem_shared>>
      tpu.enqueue_dma source(%arg9 : memref<448x16xf32, #tpu.memory_space<vmem>>) target(%dma_start3A_203 : memref<448x16xf32, #tpu.memory_space<vmem_shared>>) target_semaphore(%run_scoped3A : memref<!tpu.dma_semaphore, #tpu.memory_space<semaphore_mem>>)
      %dma_wait3A_204 = arith.constant 0 : i32
      %dma_wait3A_205 = tpu.memref_slice %arg10[%add3A_31, %dma_wait3A_204] : memref<50176x16xf32, #tpu.memory_space<vmem_shared>> -> memref<448x16xf32, #tpu.memory_space<vmem_shared>>
      %dma_wait3A_206 = arith.constant 0 : i32
      %dma_wait3A_207 = tpu.memref_slice %arg10[%add3A_31, %dma_wait3A_206] : memref<50176x16xf32, #tpu.memory_space<vmem_shared>> -> memref<448x16xf32, #tpu.memory_space<vmem_shared>>
      tpu.wait_dma2 semaphore(%run_scoped3A : memref<!tpu.dma_semaphore, #tpu.memory_space<semaphore_mem>>) src(%arg9 : memref<448x16xf32, #tpu.memory_space<vmem>>) dst(%dma_wait3A_207 : memref<448x16xf32, #tpu.memory_space<vmem_shared>>)
      tpu.yield
    }) : () -> ()
    %add3A_32 = arith.constant 448 : i32
    %add3A_33 = arith.addi %mul3A_2, %add3A_32 : i32
    "tpu.region"() ({
      %run_scoped3A = tpu.sem_alloc : memref<!tpu.dma_semaphore, #tpu.memory_space<semaphore_mem>>
      %dma_start3A_200 = arith.constant 0 : i32
      %dma_start3A_201 = tpu.memref_slice %arg10[%add3A_33, %dma_start3A_200] : memref<50176x16xf32, #tpu.memory_space<vmem_shared>> -> memref<448x16xf32, #tpu.memory_space<vmem_shared>>
      %dma_start3A_202 = arith.constant 0 : i32
      %dma_start3A_203 = tpu.memref_slice %arg10[%add3A_33, %dma_start3A_202] : memref<50176x16xf32, #tpu.memory_space<vmem_shared>> -> memref<448x16xf32, #tpu.memory_space<vmem_shared>>
      tpu.enqueue_dma source(%arg9 : memref<448x16xf32, #tpu.memory_space<vmem>>) target(%dma_start3A_203 : memref<448x16xf32, #tpu.memory_space<vmem_shared>>) target_semaphore(%run_scoped3A : memref<!tpu.dma_semaphore, #tpu.memory_space<semaphore_mem>>)
      %dma_wait3A_204 = arith.constant 0 : i32
      %dma_wait3A_205 = tpu.memref_slice %arg10[%add3A_33, %dma_wait3A_204] : memref<50176x16xf32, #tpu.memory_space<vmem_shared>> -> memref<448x16xf32, #tpu.memory_space<vmem_shared>>
      %dma_wait3A_206 = arith.constant 0 : i32
      %dma_wait3A_207 = tpu.memref_slice %arg10[%add3A_33, %dma_wait3A_206] : memref<50176x16xf32, #tpu.memory_space<vmem_shared>> -> memref<448x16xf32, #tpu.memory_space<vmem_shared>>
      tpu.wait_dma2 semaphore(%run_scoped3A : memref<!tpu.dma_semaphore, #tpu.memory_space<semaphore_mem>>) src(%arg9 : memref<448x16xf32, #tpu.memory_space<vmem>>) dst(%dma_wait3A_207 : memref<448x16xf32, #tpu.memory_space<vmem_shared>>)
      tpu.yield
    }) : () -> ()
    %add3A_34 = arith.constant 896 : i32
    %add3A_35 = arith.addi %mul3A_2, %add3A_34 : i32
    "tpu.region"() ({
      %run_scoped3A = tpu.sem_alloc : memref<!tpu.dma_semaphore, #tpu.memory_space<semaphore_mem>>
      %dma_start3A_200 = arith.constant 0 : i32
      %dma_start3A_201 = tpu.memref_slice %arg10[%add3A_35, %dma_start3A_200] : memref<50176x16xf32, #tpu.memory_space<vmem_shared>> -> memref<448x16xf32, #tpu.memory_space<vmem_shared>>
      %dma_start3A_202 = arith.constant 0 : i32
      %dma_start3A_203 = tpu.memref_slice %arg10[%add3A_35, %dma_start3A_202] : memref<50176x16xf32, #tpu.memory_space<vmem_shared>> -> memref<448x16xf32, #tpu.memory_space<vmem_shared>>
      tpu.enqueue_dma source(%arg9 : memref<448x16xf32, #tpu.memory_space<vmem>>) target(%dma_start3A_203 : memref<448x16xf32, #tpu.memory_space<vmem_shared>>) target_semaphore(%run_scoped3A : memref<!tpu.dma_semaphore, #tpu.memory_space<semaphore_mem>>)
      %dma_wait3A_204 = arith.constant 0 : i32
      %dma_wait3A_205 = tpu.memref_slice %arg10[%add3A_35, %dma_wait3A_204] : memref<50176x16xf32, #tpu.memory_space<vmem_shared>> -> memref<448x16xf32, #tpu.memory_space<vmem_shared>>
      %dma_wait3A_206 = arith.constant 0 : i32
      %dma_wait3A_207 = tpu.memref_slice %arg10[%add3A_35, %dma_wait3A_206] : memref<50176x16xf32, #tpu.memory_space<vmem_shared>> -> memref<448x16xf32, #tpu.memory_space<vmem_shared>>
      tpu.wait_dma2 semaphore(%run_scoped3A : memref<!tpu.dma_semaphore, #tpu.memory_space<semaphore_mem>>) src(%arg9 : memref<448x16xf32, #tpu.memory_space<vmem>>) dst(%dma_wait3A_207 : memref<448x16xf32, #tpu.memory_space<vmem_shared>>)
      tpu.yield
    }) : () -> ()
    %add3A_36 = arith.constant 1344 : i32
    %add3A_37 = arith.addi %mul3A_2, %add3A_36 : i32
    "tpu.region"() ({
      %run_scoped3A = tpu.sem_alloc : memref<!tpu.dma_semaphore, #tpu.memory_space<semaphore_mem>>
      %dma_start3A_200 = arith.constant 0 : i32
      %dma_start3A_201 = tpu.memref_slice %arg10[%add3A_37, %dma_start3A_200] : memref<50176x16xf32, #tpu.memory_space<vmem_shared>> -> memref<448x16xf32, #tpu.memory_space<vmem_shared>>
      %dma_start3A_202 = arith.constant 0 : i32
      %dma_start3A_203 = tpu.memref_slice %arg10[%add3A_37, %dma_start3A_202] : memref<50176x16xf32, #tpu.memory_space<vmem_shared>> -> memref<448x16xf32, #tpu.memory_space<vmem_shared>>
      tpu.enqueue_dma source(%arg9 : memref<448x16xf32, #tpu.memory_space<vmem>>) target(%dma_start3A_203 : memref<448x16xf32, #tpu.memory_space<vmem_shared>>) target_semaphore(%run_scoped3A : memref<!tpu.dma_semaphore, #tpu.memory_space<semaphore_mem>>)
      %dma_wait3A_204 = arith.constant 0 : i32
      %dma_wait3A_205 = tpu.memref_slice %arg10[%add3A_37, %dma_wait3A_204] : memref<50176x16xf32, #tpu.memory_space<vmem_shared>> -> memref<448x16xf32, #tpu.memory_space<vmem_shared>>
      %dma_wait3A_206 = arith.constant 0 : i32
      %dma_wait3A_207 = tpu.memref_slice %arg10[%add3A_37, %dma_wait3A_206] : memref<50176x16xf32, #tpu.memory_space<vmem_shared>> -> memref<448x16xf32, #tpu.memory_space<vmem_shared>>
      tpu.wait_dma2 semaphore(%run_scoped3A : memref<!tpu.dma_semaphore, #tpu.memory_space<semaphore_mem>>) src(%arg9 : memref<448x16xf32, #tpu.memory_space<vmem>>) dst(%dma_wait3A_207 : memref<448x16xf32, #tpu.memory_space<vmem_shared>>)
      tpu.yield
    }) : () -> ()
    %add3A_38 = arith.constant 1792 : i32
    %add3A_39 = arith.addi %mul3A_2, %add3A_38 : i32
    "tpu.region"() ({
      %run_scoped3A = tpu.sem_alloc : memref<!tpu.dma_semaphore, #tpu.memory_space<semaphore_mem>>
      %dma_start3A_200 = arith.constant 0 : i32
      %dma_start3A_201 = tpu.memref_slice %arg10[%add3A_39, %dma_start3A_200] : memref<50176x16xf32, #tpu.memory_space<vmem_shared>> -> memref<448x16xf32, #tpu.memory_space<vmem_shared>>
      %dma_start3A_202 = arith.constant 0 : i32
      %dma_start3A_203 = tpu.memref_slice %arg10[%add3A_39, %dma_start3A_202] : memref<50176x16xf32, #tpu.memory_space<vmem_shared>> -> memref<448x16xf32, #tpu.memory_space<vmem_shared>>
      tpu.enqueue_dma source(%arg9 : memref<448x16xf32, #tpu.memory_space<vmem>>) target(%dma_start3A_203 : memref<448x16xf32, #tpu.memory_space<vmem_shared>>) target_semaphore(%run_scoped3A : memref<!tpu.dma_semaphore, #tpu.memory_space<semaphore_mem>>)
      %dma_wait3A_204 = arith.constant 0 : i32
      %dma_wait3A_205 = tpu.memref_slice %arg10[%add3A_39, %dma_wait3A_204] : memref<50176x16xf32, #tpu.memory_space<vmem_shared>> -> memref<448x16xf32, #tpu.memory_space<vmem_shared>>
      %dma_wait3A_206 = arith.constant 0 : i32
      %dma_wait3A_207 = tpu.memref_slice %arg10[%add3A_39, %dma_wait3A_206] : memref<50176x16xf32, #tpu.memory_space<vmem_shared>> -> memref<448x16xf32, #tpu.memory_space<vmem_shared>>
      tpu.wait_dma2 semaphore(%run_scoped3A : memref<!tpu.dma_semaphore, #tpu.memory_space<semaphore_mem>>) src(%arg9 : memref<448x16xf32, #tpu.memory_space<vmem>>) dst(%dma_wait3A_207 : memref<448x16xf32, #tpu.memory_space<vmem_shared>>)
      tpu.yield
    }) : () -> ()
    %add3A_40 = arith.constant 2240 : i32
    %add3A_41 = arith.addi %mul3A_2, %add3A_40 : i32
    "tpu.region"() ({
      %run_scoped3A = tpu.sem_alloc : memref<!tpu.dma_semaphore, #tpu.memory_space<semaphore_mem>>
      %dma_start3A_200 = arith.constant 0 : i32
      %dma_start3A_201 = tpu.memref_slice %arg10[%add3A_41, %dma_start3A_200] : memref<50176x16xf32, #tpu.memory_space<vmem_shared>> -> memref<448x16xf32, #tpu.memory_space<vmem_shared>>
      %dma_start3A_202 = arith.constant 0 : i32
      %dma_start3A_203 = tpu.memref_slice %arg10[%add3A_41, %dma_start3A_202] : memref<50176x16xf32, #tpu.memory_space<vmem_shared>> -> memref<448x16xf32, #tpu.memory_space<vmem_shared>>
      tpu.enqueue_dma source(%arg9 : memref<448x16xf32, #tpu.memory_space<vmem>>) target(%dma_start3A_203 : memref<448x16xf32, #tpu.memory_space<vmem_shared>>) target_semaphore(%run_scoped3A : memref<!tpu.dma_semaphore, #tpu.memory_space<semaphore_mem>>)
      %dma_wait3A_204 = arith.constant 0 : i32
      %dma_wait3A_205 = tpu.memref_slice %arg10[%add3A_41, %dma_wait3A_204] : memref<50176x16xf32, #tpu.memory_space<vmem_shared>> -> memref<448x16xf32, #tpu.memory_space<vmem_shared>>
      %dma_wait3A_206 = arith.constant 0 : i32
      %dma_wait3A_207 = tpu.memref_slice %arg10[%add3A_41, %dma_wait3A_206] : memref<50176x16xf32, #tpu.memory_space<vmem_shared>> -> memref<448x16xf32, #tpu.memory_space<vmem_shared>>
      tpu.wait_dma2 semaphore(%run_scoped3A : memref<!tpu.dma_semaphore, #tpu.memory_space<semaphore_mem>>) src(%arg9 : memref<448x16xf32, #tpu.memory_space<vmem>>) dst(%dma_wait3A_207 : memref<448x16xf32, #tpu.memory_space<vmem_shared>>)
      tpu.yield
    }) : () -> ()
    %add3A_42 = arith.constant 2688 : i32
    %add3A_43 = arith.addi %mul3A_2, %add3A_42 : i32
    "tpu.region"() ({
      %run_scoped3A = tpu.sem_alloc : memref<!tpu.dma_semaphore, #tpu.memory_space<semaphore_mem>>
      %dma_start3A_200 = arith.constant 0 : i32
      %dma_start3A_201 = tpu.memref_slice %arg10[%add3A_43, %dma_start3A_200] : memref<50176x16xf32, #tpu.memory_space<vmem_shared>> -> memref<448x16xf32, #tpu.memory_space<vmem_shared>>
      %dma_start3A_202 = arith.constant 0 : i32
      %dma_start3A_203 = tpu.memref_slice %arg10[%add3A_43, %dma_start3A_202] : memref<50176x16xf32, #tpu.memory_space<vmem_shared>> -> memref<448x16xf32, #tpu.memory_space<vmem_shared>>
      tpu.enqueue_dma source(%arg9 : memref<448x16xf32, #tpu.memory_space<vmem>>) target(%dma_start3A_203 : memref<448x16xf32, #tpu.memory_space<vmem_shared>>) target_semaphore(%run_scoped3A : memref<!tpu.dma_semaphore, #tpu.memory_space<semaphore_mem>>)
      %dma_wait3A_204 = arith.constant 0 : i32
      %dma_wait3A_205 = tpu.memref_slice %arg10[%add3A_43, %dma_wait3A_204] : memref<50176x16xf32, #tpu.memory_space<vmem_shared>> -> memref<448x16xf32, #tpu.memory_space<vmem_shared>>
      %dma_wait3A_206 = arith.constant 0 : i32
      %dma_wait3A_207 = tpu.memref_slice %arg10[%add3A_43, %dma_wait3A_206] : memref<50176x16xf32, #tpu.memory_space<vmem_shared>> -> memref<448x16xf32, #tpu.memory_space<vmem_shared>>
      tpu.wait_dma2 semaphore(%run_scoped3A : memref<!tpu.dma_semaphore, #tpu.memory_space<semaphore_mem>>) src(%arg9 : memref<448x16xf32, #tpu.memory_space<vmem>>) dst(%dma_wait3A_207 : memref<448x16xf32, #tpu.memory_space<vmem_shared>>)
      tpu.yield
    }) : () -> ()
    %dma_wait3A = arith.constant 0 : i32
    %dma_wait3A_44 = arith.constant 0 : i32
    %dma_wait3A_45 = arith.constant 0 : i32
    %dma_wait3A_46 = tpu.memref_slice %arg3[%add3A, %dma_wait3A_44, %dma_wait3A_45] : memref<32x196x128xi32, #tpu.memory_space<hbm>> -> memref<1x196x128xi32, #tpu.memory_space<hbm>>
    %dma_wait3A_47 = tpu.memref_squeeze %dma_wait3A_46 : memref<1x196x128xi32, #tpu.memory_space<hbm>> -> memref<196x128xi32, #tpu.memory_space<hbm>>
    %dma_wait3A_48 = tpu.memref_slice %arg11[%dma_wait3A] : memref<4x!tpu.dma_semaphore, #tpu.memory_space<semaphore_mem>> -> memref<1x!tpu.dma_semaphore, #tpu.memory_space<semaphore_mem>>
    %dma_wait3A_49 = tpu.memref_squeeze %dma_wait3A_48 : memref<1x!tpu.dma_semaphore, #tpu.memory_space<semaphore_mem>> -> memref<!tpu.dma_semaphore, #tpu.memory_space<semaphore_mem>>
    %dma_wait3A_50 = arith.constant 0 : i32
    %dma_wait3A_51 = arith.constant 0 : i32
    %dma_wait3A_52 = tpu.memref_slice %arg3[%add3A, %dma_wait3A_50, %dma_wait3A_51] : memref<32x196x128xi32, #tpu.memory_space<hbm>> -> memref<1x196x128xi32, #tpu.memory_space<hbm>>
    %dma_wait3A_53 = tpu.memref_squeeze %dma_wait3A_52 : memref<1x196x128xi32, #tpu.memory_space<hbm>> -> memref<196x128xi32, #tpu.memory_space<hbm>>
    tpu.wait_dma2 semaphore(%dma_wait3A_49 : memref<!tpu.dma_semaphore, #tpu.memory_space<semaphore_mem>>) src(%dma_wait3A_53 : memref<196x128xi32, #tpu.memory_space<hbm>>) dst(%arg6 : memref<196x128xi32, #tpu.memory_space<vmem>>)
    %dma_wait3A_54 = arith.constant 1 : i32
    %dma_wait3A_55 = arith.constant 0 : i32
    %dma_wait3A_56 = arith.constant 0 : i32
    %dma_wait3A_57 = tpu.memref_slice %arg4[%add3A, %dma_wait3A_55, %dma_wait3A_56] : memref<32x196x128xi32, #tpu.memory_space<hbm>> -> memref<1x196x128xi32, #tpu.memory_space<hbm>>
    %dma_wait3A_58 = tpu.memref_squeeze %dma_wait3A_57 : memref<1x196x128xi32, #tpu.memory_space<hbm>> -> memref<196x128xi32, #tpu.memory_space<hbm>>
    %dma_wait3A_59 = tpu.memref_slice %arg11[%dma_wait3A_54] : memref<4x!tpu.dma_semaphore, #tpu.memory_space<semaphore_mem>> -> memref<1x!tpu.dma_semaphore, #tpu.memory_space<semaphore_mem>>
    %dma_wait3A_60 = tpu.memref_squeeze %dma_wait3A_59 : memref<1x!tpu.dma_semaphore, #tpu.memory_space<semaphore_mem>> -> memref<!tpu.dma_semaphore, #tpu.memory_space<semaphore_mem>>
    %dma_wait3A_61 = arith.constant 0 : i32
    %dma_wait3A_62 = arith.constant 0 : i32
    %dma_wait3A_63 = tpu.memref_slice %arg4[%add3A, %dma_wait3A_61, %dma_wait3A_62] : memref<32x196x128xi32, #tpu.memory_space<hbm>> -> memref<1x196x128xi32, #tpu.memory_space<hbm>>
    %dma_wait3A_64 = tpu.memref_squeeze %dma_wait3A_63 : memref<1x196x128xi32, #tpu.memory_space<hbm>> -> memref<196x128xi32, #tpu.memory_space<hbm>>
    tpu.wait_dma2 semaphore(%dma_wait3A_60 : memref<!tpu.dma_semaphore, #tpu.memory_space<semaphore_mem>>) src(%dma_wait3A_64 : memref<196x128xi32, #tpu.memory_space<hbm>>) dst(%arg7 : memref<196x128xi32, #tpu.memory_space<vmem>>)
    %barrier3A = arith.constant 0 : index
    tpu.barrier barrier_id(%barrier3A)
    %dma_start3A_65 = arith.constant 0 : i32
    %dma_start3A_66 = arith.constant 0 : i32
    %dma_start3A_67 = arith.constant 0 : i32
    %dma_start3A_68 = arith.constant 0 : i32
    %dma_start3A_69 = arith.constant 0 : i32
    %dma_start3A_70 = arith.constant 0 : i32
    %dma_start3A_71 = tpu.memref_slice %arg8[%dma_start3A_66, %dma_start3A_67, %dma_start3A_69, %dma_start3A_70] : memref<4x2x128x16xf32, #tpu.memory_space<vmem>> -> memref<1x1x128x16xf32, #tpu.memory_space<vmem>>
    %dma_start3A_72 = tpu.memref_squeeze %dma_start3A_71 : memref<1x1x128x16xf32, #tpu.memory_space<vmem>> -> memref<128x16xf32, #tpu.memory_space<vmem>>
    %dma_start3A_73 = arith.constant 0 : i32
    %dma_start3A_74 = tpu.memref_slice %arg6[%dma_start3A_65, %dma_start3A_73] : memref<196x128xi32, #tpu.memory_space<vmem>> -> memref<1x128xi32, #tpu.memory_space<vmem>>
    %dma_start3A_75 = tpu.memref_squeeze %dma_start3A_74 : memref<1x128xi32, #tpu.memory_space<vmem>> -> memref<128xi32, #tpu.memory_space<vmem>>
    %dma_start3A_76 = arith.constant 0 : i32
    %dma_start3A_77 = arith.constant 0 : i32
    %dma_start3A_78 = tpu.memref_slice %arg2[%dma_start3A_76, %dma_start3A_77] : memref<50000x16xf32, #tpu.memory_space<hbm>> -> memref<50000x16xf32, #tpu.memory_space<hbm>>
    %dma_start3A_79 = tpu.memref_slice %arg11[%dma_start3A_68] : memref<4x!tpu.dma_semaphore, #tpu.memory_space<semaphore_mem>> -> memref<1x!tpu.dma_semaphore, #tpu.memory_space<semaphore_mem>>
    %dma_start3A_80 = tpu.memref_squeeze %dma_start3A_79 : memref<1x!tpu.dma_semaphore, #tpu.memory_space<semaphore_mem>> -> memref<!tpu.dma_semaphore, #tpu.memory_space<semaphore_mem>>
    tpu.enqueue_indirect_dma source(%dma_start3A_78 : memref<50000x16xf32, #tpu.memory_space<hbm>>) target(%dma_start3A_72 : memref<128x16xf32, #tpu.memory_space<vmem>>) offsets(%dma_start3A_75 : memref<128xi32, #tpu.memory_space<vmem>>) semaphore(%dma_start3A_80 : memref<!tpu.dma_semaphore, #tpu.memory_space<semaphore_mem>>)
    %dma_start3A_81 = arith.constant 1 : i32
    %dma_start3A_82 = arith.constant 0 : i32
    %dma_start3A_83 = arith.constant 1 : i32
    %dma_start3A_84 = arith.constant 0 : i32
    %dma_start3A_85 = arith.constant 0 : i32
    %dma_start3A_86 = arith.constant 0 : i32
    %dma_start3A_87 = tpu.memref_slice %arg8[%dma_start3A_82, %dma_start3A_83, %dma_start3A_85, %dma_start3A_86] : memref<4x2x128x16xf32, #tpu.memory_space<vmem>> -> memref<1x1x128x16xf32, #tpu.memory_space<vmem>>
    %dma_start3A_88 = tpu.memref_squeeze %dma_start3A_87 : memref<1x1x128x16xf32, #tpu.memory_space<vmem>> -> memref<128x16xf32, #tpu.memory_space<vmem>>
    %dma_start3A_89 = arith.constant 0 : i32
    %dma_start3A_90 = tpu.memref_slice %arg6[%dma_start3A_81, %dma_start3A_89] : memref<196x128xi32, #tpu.memory_space<vmem>> -> memref<1x128xi32, #tpu.memory_space<vmem>>
    %dma_start3A_91 = tpu.memref_squeeze %dma_start3A_90 : memref<1x128xi32, #tpu.memory_space<vmem>> -> memref<128xi32, #tpu.memory_space<vmem>>
    %dma_start3A_92 = arith.constant 0 : i32
    %dma_start3A_93 = arith.constant 0 : i32
    %dma_start3A_94 = tpu.memref_slice %arg2[%dma_start3A_92, %dma_start3A_93] : memref<50000x16xf32, #tpu.memory_space<hbm>> -> memref<50000x16xf32, #tpu.memory_space<hbm>>
    %dma_start3A_95 = tpu.memref_slice %arg11[%dma_start3A_84] : memref<4x!tpu.dma_semaphore, #tpu.memory_space<semaphore_mem>> -> memref<1x!tpu.dma_semaphore, #tpu.memory_space<semaphore_mem>>
    %dma_start3A_96 = tpu.memref_squeeze %dma_start3A_95 : memref<1x!tpu.dma_semaphore, #tpu.memory_space<semaphore_mem>> -> memref<!tpu.dma_semaphore, #tpu.memory_space<semaphore_mem>>
    tpu.enqueue_indirect_dma source(%dma_start3A_94 : memref<50000x16xf32, #tpu.memory_space<hbm>>) target(%dma_start3A_88 : memref<128x16xf32, #tpu.memory_space<vmem>>) offsets(%dma_start3A_91 : memref<128xi32, #tpu.memory_space<vmem>>) semaphore(%dma_start3A_96 : memref<!tpu.dma_semaphore, #tpu.memory_space<semaphore_mem>>)
    %dma_start3A_97 = arith.constant 2 : i32
    %dma_start3A_98 = arith.constant 1 : i32
    %dma_start3A_99 = arith.constant 0 : i32
    %dma_start3A_100 = arith.constant 1 : i32
    %dma_start3A_101 = arith.constant 0 : i32
    %dma_start3A_102 = arith.constant 0 : i32
    %dma_start3A_103 = tpu.memref_slice %arg8[%dma_start3A_98, %dma_start3A_99, %dma_start3A_101, %dma_start3A_102] : memref<4x2x128x16xf32, #tpu.memory_space<vmem>> -> memref<1x1x128x16xf32, #tpu.memory_space<vmem>>
    %dma_start3A_104 = tpu.memref_squeeze %dma_start3A_103 : memref<1x1x128x16xf32, #tpu.memory_space<vmem>> -> memref<128x16xf32, #tpu.memory_space<vmem>>
    %dma_start3A_105 = arith.constant 0 : i32
    %dma_start3A_106 = tpu.memref_slice %arg6[%dma_start3A_97, %dma_start3A_105] : memref<196x128xi32, #tpu.memory_space<vmem>> -> memref<1x128xi32, #tpu.memory_space<vmem>>
    %dma_start3A_107 = tpu.memref_squeeze %dma_start3A_106 : memref<1x128xi32, #tpu.memory_space<vmem>> -> memref<128xi32, #tpu.memory_space<vmem>>
    %dma_start3A_108 = arith.constant 0 : i32
    %dma_start3A_109 = arith.constant 0 : i32
    %dma_start3A_110 = tpu.memref_slice %arg2[%dma_start3A_108, %dma_start3A_109] : memref<50000x16xf32, #tpu.memory_space<hbm>> -> memref<50000x16xf32, #tpu.memory_space<hbm>>
    %dma_start3A_111 = tpu.memref_slice %arg11[%dma_start3A_100] : memref<4x!tpu.dma_semaphore, #tpu.memory_space<semaphore_mem>> -> memref<1x!tpu.dma_semaphore, #tpu.memory_space<semaphore_mem>>
    %dma_start3A_112 = tpu.memref_squeeze %dma_start3A_111 : memref<1x!tpu.dma_semaphore, #tpu.memory_space<semaphore_mem>> -> memref<!tpu.dma_semaphore, #tpu.memory_space<semaphore_mem>>
    tpu.enqueue_indirect_dma source(%dma_start3A_110 : memref<50000x16xf32, #tpu.memory_space<hbm>>) target(%dma_start3A_104 : memref<128x16xf32, #tpu.memory_space<vmem>>) offsets(%dma_start3A_107 : memref<128xi32, #tpu.memory_space<vmem>>) semaphore(%dma_start3A_112 : memref<!tpu.dma_semaphore, #tpu.memory_space<semaphore_mem>>)
    %dma_start3A_113 = arith.constant 3 : i32
    %dma_start3A_114 = arith.constant 1 : i32
    %dma_start3A_115 = arith.constant 1 : i32
    %dma_start3A_116 = arith.constant 1 : i32
    %dma_start3A_117 = arith.constant 0 : i32
    %dma_start3A_118 = arith.constant 0 : i32
    %dma_start3A_119 = tpu.memref_slice %arg8[%dma_start3A_114, %dma_start3A_115, %dma_start3A_117, %dma_start3A_118] : memref<4x2x128x16xf32, #tpu.memory_space<vmem>> -> memref<1x1x128x16xf32, #tpu.memory_space<vmem>>
    %dma_start3A_120 = tpu.memref_squeeze %dma_start3A_119 : memref<1x1x128x16xf32, #tpu.memory_space<vmem>> -> memref<128x16xf32, #tpu.memory_space<vmem>>
    %dma_start3A_121 = arith.constant 0 : i32
    %dma_start3A_122 = tpu.memref_slice %arg6[%dma_start3A_113, %dma_start3A_121] : memref<196x128xi32, #tpu.memory_space<vmem>> -> memref<1x128xi32, #tpu.memory_space<vmem>>
    %dma_start3A_123 = tpu.memref_squeeze %dma_start3A_122 : memref<1x128xi32, #tpu.memory_space<vmem>> -> memref<128xi32, #tpu.memory_space<vmem>>
    %dma_start3A_124 = arith.constant 0 : i32
    %dma_start3A_125 = arith.constant 0 : i32
    %dma_start3A_126 = tpu.memref_slice %arg2[%dma_start3A_124, %dma_start3A_125] : memref<50000x16xf32, #tpu.memory_space<hbm>> -> memref<50000x16xf32, #tpu.memory_space<hbm>>
    %dma_start3A_127 = tpu.memref_slice %arg11[%dma_start3A_116] : memref<4x!tpu.dma_semaphore, #tpu.memory_space<semaphore_mem>> -> memref<1x!tpu.dma_semaphore, #tpu.memory_space<semaphore_mem>>
    %dma_start3A_128 = tpu.memref_squeeze %dma_start3A_127 : memref<1x!tpu.dma_semaphore, #tpu.memory_space<semaphore_mem>> -> memref<!tpu.dma_semaphore, #tpu.memory_space<semaphore_mem>>
    tpu.enqueue_indirect_dma source(%dma_start3A_126 : memref<50000x16xf32, #tpu.memory_space<hbm>>) target(%dma_start3A_120 : memref<128x16xf32, #tpu.memory_space<vmem>>) offsets(%dma_start3A_123 : memref<128xi32, #tpu.memory_space<vmem>>) semaphore(%dma_start3A_128 : memref<!tpu.dma_semaphore, #tpu.memory_space<semaphore_mem>>)
    %scan3A_129 = arith.constant 0 : i32
    %scan3A_130 = arith.constant 0 : i32
    %scan3A_131 = arith.constant 98 : i32
    %scan3A_132 = arith.addi %scan3A_130, %scan3A_131 : i32
    %scan3A_133 = arith.constant 1 : i32
    scf.for %scan3A_200 = %scan3A_130 to %scan3A_132 step %scan3A_133  : i32 {
      %rem3A = arith.constant 4 : i32
      %rem3A_201 = arith.remsi %scan3A_200, %rem3A : i32
      %add3A_202 = arith.constant 2 : i32
      %add3A_203 = arith.addi %scan3A_200, %add3A_202 : i32
      %rem3A_204 = arith.constant 4 : i32
      %rem3A_205 = arith.remsi %add3A_203, %rem3A_204 : i32
      %mul3A_206 = arith.constant 2 : i32
      %mul3A_207 = arith.muli %scan3A_200, %mul3A_206 : i32
      %add3A_208 = arith.constant 0 : i32
      %add3A_209 = arith.addi %mul3A_207, %add3A_208 : i32
      %dma_wait3A_210 = arith.constant 0 : i32
      %dma_wait3A_211 = arith.constant 0 : i32
      %dma_wait3A_212 = arith.constant 0 : i32
      %dma_wait3A_213 = tpu.memref_slice %arg8[%rem3A_201, %dma_wait3A_210, %dma_wait3A_211, %dma_wait3A_212] : memref<4x2x128x16xf32, #tpu.memory_space<vmem>> -> memref<1x1x128x16xf32, #tpu.memory_space<vmem>>
      %dma_wait3A_214 = tpu.memref_squeeze %dma_wait3A_213 : memref<1x1x128x16xf32, #tpu.memory_space<vmem>> -> memref<128x16xf32, #tpu.memory_space<vmem>>
      %dma_wait3A_215 = arith.constant 0 : i32
      %dma_wait3A_216 = tpu.memref_slice %arg6[%add3A_209, %dma_wait3A_215] : memref<196x128xi32, #tpu.memory_space<vmem>> -> memref<1x128xi32, #tpu.memory_space<vmem>>
      %dma_wait3A_217 = tpu.memref_squeeze %dma_wait3A_216 : memref<1x128xi32, #tpu.memory_space<vmem>> -> memref<128xi32, #tpu.memory_space<vmem>>
      %dma_wait3A_218 = arith.constant 0 : i32
      %dma_wait3A_219 = arith.constant 0 : i32
      %dma_wait3A_220 = tpu.memref_slice %arg2[%dma_wait3A_218, %dma_wait3A_219] : memref<50000x16xf32, #tpu.memory_space<hbm>> -> memref<50000x16xf32, #tpu.memory_space<hbm>>
      %dma_wait3A_221 = tpu.memref_slice %arg11[%rem3A_201] : memref<4x!tpu.dma_semaphore, #tpu.memory_space<semaphore_mem>> -> memref<1x!tpu.dma_semaphore, #tpu.memory_space<semaphore_mem>>
      %dma_wait3A_222 = tpu.memref_squeeze %dma_wait3A_221 : memref<1x!tpu.dma_semaphore, #tpu.memory_space<semaphore_mem>> -> memref<!tpu.dma_semaphore, #tpu.memory_space<semaphore_mem>>
      tpu.wait_indirect_dma semaphore(%dma_wait3A_222 : memref<!tpu.dma_semaphore, #tpu.memory_space<semaphore_mem>>) src(%dma_wait3A_220 : memref<50000x16xf32, #tpu.memory_space<hbm>>) dst(%dma_wait3A_214 : memref<128x16xf32, #tpu.memory_space<vmem>>)
      %mul3A_223 = arith.constant 2 : i32
      %mul3A_224 = arith.muli %scan3A_200, %mul3A_223 : i32
      %add3A_225 = arith.constant 1 : i32
      %add3A_226 = arith.addi %mul3A_224, %add3A_225 : i32
      %dma_wait3A_227 = arith.constant 1 : i32
      %dma_wait3A_228 = arith.constant 0 : i32
      %dma_wait3A_229 = arith.constant 0 : i32
      %dma_wait3A_230 = tpu.memref_slice %arg8[%rem3A_201, %dma_wait3A_227, %dma_wait3A_228, %dma_wait3A_229] : memref<4x2x128x16xf32, #tpu.memory_space<vmem>> -> memref<1x1x128x16xf32, #tpu.memory_space<vmem>>
      %dma_wait3A_231 = tpu.memref_squeeze %dma_wait3A_230 : memref<1x1x128x16xf32, #tpu.memory_space<vmem>> -> memref<128x16xf32, #tpu.memory_space<vmem>>
      %dma_wait3A_232 = arith.constant 0 : i32
      %dma_wait3A_233 = tpu.memref_slice %arg6[%add3A_226, %dma_wait3A_232] : memref<196x128xi32, #tpu.memory_space<vmem>> -> memref<1x128xi32, #tpu.memory_space<vmem>>
      %dma_wait3A_234 = tpu.memref_squeeze %dma_wait3A_233 : memref<1x128xi32, #tpu.memory_space<vmem>> -> memref<128xi32, #tpu.memory_space<vmem>>
      %dma_wait3A_235 = arith.constant 0 : i32
      %dma_wait3A_236 = arith.constant 0 : i32
      %dma_wait3A_237 = tpu.memref_slice %arg2[%dma_wait3A_235, %dma_wait3A_236] : memref<50000x16xf32, #tpu.memory_space<hbm>> -> memref<50000x16xf32, #tpu.memory_space<hbm>>
      %dma_wait3A_238 = tpu.memref_slice %arg11[%rem3A_201] : memref<4x!tpu.dma_semaphore, #tpu.memory_space<semaphore_mem>> -> memref<1x!tpu.dma_semaphore, #tpu.memory_space<semaphore_mem>>
      %dma_wait3A_239 = tpu.memref_squeeze %dma_wait3A_238 : memref<1x!tpu.dma_semaphore, #tpu.memory_space<semaphore_mem>> -> memref<!tpu.dma_semaphore, #tpu.memory_space<semaphore_mem>>
      tpu.wait_indirect_dma semaphore(%dma_wait3A_239 : memref<!tpu.dma_semaphore, #tpu.memory_space<semaphore_mem>>) src(%dma_wait3A_237 : memref<50000x16xf32, #tpu.memory_space<hbm>>) dst(%dma_wait3A_231 : memref<128x16xf32, #tpu.memory_space<vmem>>)
      %mul3A_240 = arith.constant 2 : i32
      %mul3A_241 = arith.muli %scan3A_200, %mul3A_240 : i32
      %add3A_242 = arith.constant 0 : i32
      %add3A_243 = arith.addi %mul3A_241, %add3A_242 : i32
      %dma_start3A_244 = arith.constant 0 : i32
      %dma_start3A_245 = arith.constant 0 : i32
      %dma_start3A_246 = arith.constant 0 : i32
      %dma_start3A_247 = tpu.memref_slice %arg8[%rem3A_201, %dma_start3A_244, %dma_start3A_245, %dma_start3A_246] : memref<4x2x128x16xf32, #tpu.memory_space<vmem>> -> memref<1x1x128x16xf32, #tpu.memory_space<vmem>>
      %dma_start3A_248 = tpu.memref_squeeze %dma_start3A_247 : memref<1x1x128x16xf32, #tpu.memory_space<vmem>> -> memref<128x16xf32, #tpu.memory_space<vmem>>
      %dma_start3A_249 = arith.constant 0 : i32
      %dma_start3A_250 = tpu.memref_slice %arg7[%add3A_243, %dma_start3A_249] : memref<196x128xi32, #tpu.memory_space<vmem>> -> memref<1x128xi32, #tpu.memory_space<vmem>>
      %dma_start3A_251 = tpu.memref_squeeze %dma_start3A_250 : memref<1x128xi32, #tpu.memory_space<vmem>> -> memref<128xi32, #tpu.memory_space<vmem>>
      %dma_start3A_252 = arith.constant 0 : i32
      %dma_start3A_253 = arith.constant 0 : i32
      %dma_start3A_254 = tpu.memref_slice %arg10[%dma_start3A_252, %dma_start3A_253] : memref<50176x16xf32, #tpu.memory_space<vmem_shared>> -> memref<50176x16xf32, #tpu.memory_space<vmem_shared>>
      %dma_start3A_255 = tpu.memref_slice %arg12[%rem3A_201] : memref<4x!tpu.dma_semaphore, #tpu.memory_space<semaphore_mem>> -> memref<1x!tpu.dma_semaphore, #tpu.memory_space<semaphore_mem>>
      %dma_start3A_256 = tpu.memref_squeeze %dma_start3A_255 : memref<1x!tpu.dma_semaphore, #tpu.memory_space<semaphore_mem>> -> memref<!tpu.dma_semaphore, #tpu.memory_space<semaphore_mem>>
      tpu.enqueue_indirect_dma source(%dma_start3A_248 : memref<128x16xf32, #tpu.memory_space<vmem>>) target(%dma_start3A_254 : memref<50176x16xf32, #tpu.memory_space<vmem_shared>>) offsets(%dma_start3A_251 : memref<128xi32, #tpu.memory_space<vmem>>) semaphore(%dma_start3A_256 : memref<!tpu.dma_semaphore, #tpu.memory_space<semaphore_mem>>) {add = true}
      %mul3A_257 = arith.constant 2 : i32
      %mul3A_258 = arith.muli %scan3A_200, %mul3A_257 : i32
      %add3A_259 = arith.constant 1 : i32
      %add3A_260 = arith.addi %mul3A_258, %add3A_259 : i32
      %dma_start3A_261 = arith.constant 1 : i32
      %dma_start3A_262 = arith.constant 0 : i32
      %dma_start3A_263 = arith.constant 0 : i32
      %dma_start3A_264 = tpu.memref_slice %arg8[%rem3A_201, %dma_start3A_261, %dma_start3A_262, %dma_start3A_263] : memref<4x2x128x16xf32, #tpu.memory_space<vmem>> -> memref<1x1x128x16xf32, #tpu.memory_space<vmem>>
      %dma_start3A_265 = tpu.memref_squeeze %dma_start3A_264 : memref<1x1x128x16xf32, #tpu.memory_space<vmem>> -> memref<128x16xf32, #tpu.memory_space<vmem>>
      %dma_start3A_266 = arith.constant 0 : i32
      %dma_start3A_267 = tpu.memref_slice %arg7[%add3A_260, %dma_start3A_266] : memref<196x128xi32, #tpu.memory_space<vmem>> -> memref<1x128xi32, #tpu.memory_space<vmem>>
      %dma_start3A_268 = tpu.memref_squeeze %dma_start3A_267 : memref<1x128xi32, #tpu.memory_space<vmem>> -> memref<128xi32, #tpu.memory_space<vmem>>
      %dma_start3A_269 = arith.constant 0 : i32
      %dma_start3A_270 = arith.constant 0 : i32
      %dma_start3A_271 = tpu.memref_slice %arg10[%dma_start3A_269, %dma_start3A_270] : memref<50176x16xf32, #tpu.memory_space<vmem_shared>> -> memref<50176x16xf32, #tpu.memory_space<vmem_shared>>
      %dma_start3A_272 = tpu.memref_slice %arg12[%rem3A_201] : memref<4x!tpu.dma_semaphore, #tpu.memory_space<semaphore_mem>> -> memref<1x!tpu.dma_semaphore, #tpu.memory_space<semaphore_mem>>
      %dma_start3A_273 = tpu.memref_squeeze %dma_start3A_272 : memref<1x!tpu.dma_semaphore, #tpu.memory_space<semaphore_mem>> -> memref<!tpu.dma_semaphore, #tpu.memory_space<semaphore_mem>>
      tpu.enqueue_indirect_dma source(%dma_start3A_265 : memref<128x16xf32, #tpu.memory_space<vmem>>) target(%dma_start3A_271 : memref<50176x16xf32, #tpu.memory_space<vmem_shared>>) offsets(%dma_start3A_268 : memref<128xi32, #tpu.memory_space<vmem>>) semaphore(%dma_start3A_273 : memref<!tpu.dma_semaphore, #tpu.memory_space<semaphore_mem>>) {add = true}
      %ge3A = arith.constant 2 : i32
      %ge3A_274 = arith.cmpi sge, %scan3A_200, %ge3A : i32
      %convert_element_type3A = arith.extui %ge3A_274 : i1 to i32
      %cond3A = arith.constant 0 : i32
      %cond3A_275 = arith.cmpi ne, %convert_element_type3A, %cond3A : i32
      scf.if %cond3A_275 {
        %sub3A = arith.constant 2 : i32
        %sub3A_282 = arith.subi %scan3A_200, %sub3A : i32
        %mul3A_283 = arith.constant 2 : i32
        %mul3A_284 = arith.muli %sub3A_282, %mul3A_283 : i32
        %add3A_285 = arith.constant 0 : i32
        %add3A_286 = arith.addi %mul3A_284, %add3A_285 : i32
        %dma_wait3A_287 = arith.constant 0 : i32
        %dma_wait3A_288 = arith.constant 0 : i32
        %dma_wait3A_289 = arith.constant 0 : i32
        %dma_wait3A_290 = tpu.memref_slice %arg8[%rem3A_205, %dma_wait3A_287, %dma_wait3A_288, %dma_wait3A_289] : memref<4x2x128x16xf32, #tpu.memory_space<vmem>> -> memref<1x1x128x16xf32, #tpu.memory_space<vmem>>
        %dma_wait3A_291 = tpu.memref_squeeze %dma_wait3A_290 : memref<1x1x128x16xf32, #tpu.memory_space<vmem>> -> memref<128x16xf32, #tpu.memory_space<vmem>>
        %dma_wait3A_292 = arith.constant 0 : i32
        %dma_wait3A_293 = tpu.memref_slice %arg7[%add3A_286, %dma_wait3A_292] : memref<196x128xi32, #tpu.memory_space<vmem>> -> memref<1x128xi32, #tpu.memory_space<vmem>>
        %dma_wait3A_294 = tpu.memref_squeeze %dma_wait3A_293 : memref<1x128xi32, #tpu.memory_space<vmem>> -> memref<128xi32, #tpu.memory_space<vmem>>
        %dma_wait3A_295 = arith.constant 0 : i32
        %dma_wait3A_296 = arith.constant 0 : i32
        %dma_wait3A_297 = tpu.memref_slice %arg10[%dma_wait3A_295, %dma_wait3A_296] : memref<50176x16xf32, #tpu.memory_space<vmem_shared>> -> memref<50176x16xf32, #tpu.memory_space<vmem_shared>>
        %dma_wait3A_298 = tpu.memref_slice %arg12[%rem3A_205] : memref<4x!tpu.dma_semaphore, #tpu.memory_space<semaphore_mem>> -> memref<1x!tpu.dma_semaphore, #tpu.memory_space<semaphore_mem>>
        %dma_wait3A_299 = tpu.memref_squeeze %dma_wait3A_298 : memref<1x!tpu.dma_semaphore, #tpu.memory_space<semaphore_mem>> -> memref<!tpu.dma_semaphore, #tpu.memory_space<semaphore_mem>>
        tpu.wait_indirect_dma semaphore(%dma_wait3A_299 : memref<!tpu.dma_semaphore, #tpu.memory_space<semaphore_mem>>) src(%dma_wait3A_291 : memref<128x16xf32, #tpu.memory_space<vmem>>) dst(%dma_wait3A_297 : memref<50176x16xf32, #tpu.memory_space<vmem_shared>>)
        %mul3A_300 = arith.constant 2 : i32
        %mul3A_301 = arith.muli %sub3A_282, %mul3A_300 : i32
        %add3A_302 = arith.constant 1 : i32
        %add3A_303 = arith.addi %mul3A_301, %add3A_302 : i32
        %dma_wait3A_304 = arith.constant 1 : i32
        %dma_wait3A_305 = arith.constant 0 : i32
        %dma_wait3A_306 = arith.constant 0 : i32
        %dma_wait3A_307 = tpu.memref_slice %arg8[%rem3A_205, %dma_wait3A_304, %dma_wait3A_305, %dma_wait3A_306] : memref<4x2x128x16xf32, #tpu.memory_space<vmem>> -> memref<1x1x128x16xf32, #tpu.memory_space<vmem>>
        %dma_wait3A_308 = tpu.memref_squeeze %dma_wait3A_307 : memref<1x1x128x16xf32, #tpu.memory_space<vmem>> -> memref<128x16xf32, #tpu.memory_space<vmem>>
        %dma_wait3A_309 = arith.constant 0 : i32
        %dma_wait3A_310 = tpu.memref_slice %arg7[%add3A_303, %dma_wait3A_309] : memref<196x128xi32, #tpu.memory_space<vmem>> -> memref<1x128xi32, #tpu.memory_space<vmem>>
        %dma_wait3A_311 = tpu.memref_squeeze %dma_wait3A_310 : memref<1x128xi32, #tpu.memory_space<vmem>> -> memref<128xi32, #tpu.memory_space<vmem>>
        %dma_wait3A_312 = arith.constant 0 : i32
        %dma_wait3A_313 = arith.constant 0 : i32
        %dma_wait3A_314 = tpu.memref_slice %arg10[%dma_wait3A_312, %dma_wait3A_313] : memref<50176x16xf32, #tpu.memory_space<vmem_shared>> -> memref<50176x16xf32, #tpu.memory_space<vmem_shared>>
        %dma_wait3A_315 = tpu.memref_slice %arg12[%rem3A_205] : memref<4x!tpu.dma_semaphore, #tpu.memory_space<semaphore_mem>> -> memref<1x!tpu.dma_semaphore, #tpu.memory_space<semaphore_mem>>
        %dma_wait3A_316 = tpu.memref_squeeze %dma_wait3A_315 : memref<1x!tpu.dma_semaphore, #tpu.memory_space<semaphore_mem>> -> memref<!tpu.dma_semaphore, #tpu.memory_space<semaphore_mem>>
        tpu.wait_indirect_dma semaphore(%dma_wait3A_316 : memref<!tpu.dma_semaphore, #tpu.memory_space<semaphore_mem>>) src(%dma_wait3A_308 : memref<128x16xf32, #tpu.memory_space<vmem>>) dst(%dma_wait3A_314 : memref<50176x16xf32, #tpu.memory_space<vmem_shared>>)
      } else {
      }
      %add3A_276 = arith.constant 2 : i32
      %add3A_277 = arith.addi %scan3A_200, %add3A_276 : i32
      %lt3A = arith.constant 98 : i32
      %lt3A_278 = arith.cmpi slt, %add3A_277, %lt3A : i32
      %convert_element_type3A_279 = arith.extui %lt3A_278 : i1 to i32
      %cond3A_280 = arith.constant 0 : i32
      %cond3A_281 = arith.cmpi ne, %convert_element_type3A_279, %cond3A_280 : i32
      scf.if %cond3A_281 {
        %add3A_282 = arith.constant 2 : i32
        %add3A_283 = arith.addi %scan3A_200, %add3A_282 : i32
        %mul3A_284 = arith.constant 2 : i32
        %mul3A_285 = arith.muli %add3A_283, %mul3A_284 : i32
        %add3A_286 = arith.constant 0 : i32
        %add3A_287 = arith.addi %mul3A_285, %add3A_286 : i32
        %dma_start3A_288 = arith.constant 0 : i32
        %dma_start3A_289 = arith.constant 0 : i32
        %dma_start3A_290 = arith.constant 0 : i32
        %dma_start3A_291 = tpu.memref_slice %arg8[%rem3A_205, %dma_start3A_288, %dma_start3A_289, %dma_start3A_290] : memref<4x2x128x16xf32, #tpu.memory_space<vmem>> -> memref<1x1x128x16xf32, #tpu.memory_space<vmem>>
        %dma_start3A_292 = tpu.memref_squeeze %dma_start3A_291 : memref<1x1x128x16xf32, #tpu.memory_space<vmem>> -> memref<128x16xf32, #tpu.memory_space<vmem>>
        %dma_start3A_293 = arith.constant 0 : i32
        %dma_start3A_294 = tpu.memref_slice %arg6[%add3A_287, %dma_start3A_293] : memref<196x128xi32, #tpu.memory_space<vmem>> -> memref<1x128xi32, #tpu.memory_space<vmem>>
        %dma_start3A_295 = tpu.memref_squeeze %dma_start3A_294 : memref<1x128xi32, #tpu.memory_space<vmem>> -> memref<128xi32, #tpu.memory_space<vmem>>
        %dma_start3A_296 = arith.constant 0 : i32
        %dma_start3A_297 = arith.constant 0 : i32
        %dma_start3A_298 = tpu.memref_slice %arg2[%dma_start3A_296, %dma_start3A_297] : memref<50000x16xf32, #tpu.memory_space<hbm>> -> memref<50000x16xf32, #tpu.memory_space<hbm>>
        %dma_start3A_299 = tpu.memref_slice %arg11[%rem3A_205] : memref<4x!tpu.dma_semaphore, #tpu.memory_space<semaphore_mem>> -> memref<1x!tpu.dma_semaphore, #tpu.memory_space<semaphore_mem>>
        %dma_start3A_300 = tpu.memref_squeeze %dma_start3A_299 : memref<1x!tpu.dma_semaphore, #tpu.memory_space<semaphore_mem>> -> memref<!tpu.dma_semaphore, #tpu.memory_space<semaphore_mem>>
        tpu.enqueue_indirect_dma source(%dma_start3A_298 : memref<50000x16xf32, #tpu.memory_space<hbm>>) target(%dma_start3A_292 : memref<128x16xf32, #tpu.memory_space<vmem>>) offsets(%dma_start3A_295 : memref<128xi32, #tpu.memory_space<vmem>>) semaphore(%dma_start3A_300 : memref<!tpu.dma_semaphore, #tpu.memory_space<semaphore_mem>>)
        %mul3A_301 = arith.constant 2 : i32
        %mul3A_302 = arith.muli %add3A_283, %mul3A_301 : i32
        %add3A_303 = arith.constant 1 : i32
        %add3A_304 = arith.addi %mul3A_302, %add3A_303 : i32
        %dma_start3A_305 = arith.constant 1 : i32
        %dma_start3A_306 = arith.constant 0 : i32
        %dma_start3A_307 = arith.constant 0 : i32
        %dma_start3A_308 = tpu.memref_slice %arg8[%rem3A_205, %dma_start3A_305, %dma_start3A_306, %dma_start3A_307] : memref<4x2x128x16xf32, #tpu.memory_space<vmem>> -> memref<1x1x128x16xf32, #tpu.memory_space<vmem>>
        %dma_start3A_309 = tpu.memref_squeeze %dma_start3A_308 : memref<1x1x128x16xf32, #tpu.memory_space<vmem>> -> memref<128x16xf32, #tpu.memory_space<vmem>>
        %dma_start3A_310 = arith.constant 0 : i32
        %dma_start3A_311 = tpu.memref_slice %arg6[%add3A_304, %dma_start3A_310] : memref<196x128xi32, #tpu.memory_space<vmem>> -> memref<1x128xi32, #tpu.memory_space<vmem>>
        %dma_start3A_312 = tpu.memref_squeeze %dma_start3A_311 : memref<1x128xi32, #tpu.memory_space<vmem>> -> memref<128xi32, #tpu.memory_space<vmem>>
        %dma_start3A_313 = arith.constant 0 : i32
        %dma_start3A_314 = arith.constant 0 : i32
        %dma_start3A_315 = tpu.memref_slice %arg2[%dma_start3A_313, %dma_start3A_314] : memref<50000x16xf32, #tpu.memory_space<hbm>> -> memref<50000x16xf32, #tpu.memory_space<hbm>>
        %dma_start3A_316 = tpu.memref_slice %arg11[%rem3A_205] : memref<4x!tpu.dma_semaphore, #tpu.memory_space<semaphore_mem>> -> memref<1x!tpu.dma_semaphore, #tpu.memory_space<semaphore_mem>>
        %dma_start3A_317 = tpu.memref_squeeze %dma_start3A_316 : memref<1x!tpu.dma_semaphore, #tpu.memory_space<semaphore_mem>> -> memref<!tpu.dma_semaphore, #tpu.memory_space<semaphore_mem>>
        tpu.enqueue_indirect_dma source(%dma_start3A_315 : memref<50000x16xf32, #tpu.memory_space<hbm>>) target(%dma_start3A_309 : memref<128x16xf32, #tpu.memory_space<vmem>>) offsets(%dma_start3A_312 : memref<128xi32, #tpu.memory_space<vmem>>) semaphore(%dma_start3A_317 : memref<!tpu.dma_semaphore, #tpu.memory_space<semaphore_mem>>)
      } else {
      }
    }
    %scan3A_134 = arith.constant 98 : i32
    %dma_wait3A_135 = arith.constant 0 : i32
    %dma_wait3A_136 = arith.constant 0 : i32
    %dma_wait3A_137 = arith.constant 192 : i32
    %dma_wait3A_138 = arith.constant 0 : i32
    %dma_wait3A_139 = arith.constant 0 : i32
    %dma_wait3A_140 = arith.constant 0 : i32
    %dma_wait3A_141 = tpu.memref_slice %arg8[%dma_wait3A_135, %dma_wait3A_136, %dma_wait3A_139, %dma_wait3A_140] : memref<4x2x128x16xf32, #tpu.memory_space<vmem>> -> memref<1x1x128x16xf32, #tpu.memory_space<vmem>>
    %dma_wait3A_142 = tpu.memref_squeeze %dma_wait3A_141 : memref<1x1x128x16xf32, #tpu.memory_space<vmem>> -> memref<128x16xf32, #tpu.memory_space<vmem>>
    %dma_wait3A_143 = arith.constant 0 : i32
    %dma_wait3A_144 = tpu.memref_slice %arg7[%dma_wait3A_137, %dma_wait3A_143] : memref<196x128xi32, #tpu.memory_space<vmem>> -> memref<1x128xi32, #tpu.memory_space<vmem>>
    %dma_wait3A_145 = tpu.memref_squeeze %dma_wait3A_144 : memref<1x128xi32, #tpu.memory_space<vmem>> -> memref<128xi32, #tpu.memory_space<vmem>>
    %dma_wait3A_146 = arith.constant 0 : i32
    %dma_wait3A_147 = arith.constant 0 : i32
    %dma_wait3A_148 = tpu.memref_slice %arg10[%dma_wait3A_146, %dma_wait3A_147] : memref<50176x16xf32, #tpu.memory_space<vmem_shared>> -> memref<50176x16xf32, #tpu.memory_space<vmem_shared>>
    %dma_wait3A_149 = tpu.memref_slice %arg12[%dma_wait3A_138] : memref<4x!tpu.dma_semaphore, #tpu.memory_space<semaphore_mem>> -> memref<1x!tpu.dma_semaphore, #tpu.memory_space<semaphore_mem>>
    %dma_wait3A_150 = tpu.memref_squeeze %dma_wait3A_149 : memref<1x!tpu.dma_semaphore, #tpu.memory_space<semaphore_mem>> -> memref<!tpu.dma_semaphore, #tpu.memory_space<semaphore_mem>>
    tpu.wait_indirect_dma semaphore(%dma_wait3A_150 : memref<!tpu.dma_semaphore, #tpu.memory_space<semaphore_mem>>) src(%dma_wait3A_142 : memref<128x16xf32, #tpu.memory_space<vmem>>) dst(%dma_wait3A_148 : memref<50176x16xf32, #tpu.memory_space<vmem_shared>>)
    %dma_wait3A_151 = arith.constant 0 : i32
    %dma_wait3A_152 = arith.constant 1 : i32
    %dma_wait3A_153 = arith.constant 193 : i32
    %dma_wait3A_154 = arith.constant 0 : i32
    %dma_wait3A_155 = arith.constant 0 : i32
    %dma_wait3A_156 = arith.constant 0 : i32
    %dma_wait3A_157 = tpu.memref_slice %arg8[%dma_wait3A_151, %dma_wait3A_152, %dma_wait3A_155, %dma_wait3A_156] : memref<4x2x128x16xf32, #tpu.memory_space<vmem>> -> memref<1x1x128x16xf32, #tpu.memory_space<vmem>>
    %dma_wait3A_158 = tpu.memref_squeeze %dma_wait3A_157 : memref<1x1x128x16xf32, #tpu.memory_space<vmem>> -> memref<128x16xf32, #tpu.memory_space<vmem>>
    %dma_wait3A_159 = arith.constant 0 : i32
    %dma_wait3A_160 = tpu.memref_slice %arg7[%dma_wait3A_153, %dma_wait3A_159] : memref<196x128xi32, #tpu.memory_space<vmem>> -> memref<1x128xi32, #tpu.memory_space<vmem>>
    %dma_wait3A_161 = tpu.memref_squeeze %dma_wait3A_160 : memref<1x128xi32, #tpu.memory_space<vmem>> -> memref<128xi32, #tpu.memory_space<vmem>>
    %dma_wait3A_162 = arith.constant 0 : i32
    %dma_wait3A_163 = arith.constant 0 : i32
    %dma_wait3A_164 = tpu.memref_slice %arg10[%dma_wait3A_162, %dma_wait3A_163] : memref<50176x16xf32, #tpu.memory_space<vmem_shared>> -> memref<50176x16xf32, #tpu.memory_space<vmem_shared>>
    %dma_wait3A_165 = tpu.memref_slice %arg12[%dma_wait3A_154] : memref<4x!tpu.dma_semaphore, #tpu.memory_space<semaphore_mem>> -> memref<1x!tpu.dma_semaphore, #tpu.memory_space<semaphore_mem>>
    %dma_wait3A_166 = tpu.memref_squeeze %dma_wait3A_165 : memref<1x!tpu.dma_semaphore, #tpu.memory_space<semaphore_mem>> -> memref<!tpu.dma_semaphore, #tpu.memory_space<semaphore_mem>>
    tpu.wait_indirect_dma semaphore(%dma_wait3A_166 : memref<!tpu.dma_semaphore, #tpu.memory_space<semaphore_mem>>) src(%dma_wait3A_158 : memref<128x16xf32, #tpu.memory_space<vmem>>) dst(%dma_wait3A_164 : memref<50176x16xf32, #tpu.memory_space<vmem_shared>>)
    %dma_wait3A_167 = arith.constant 1 : i32
    %dma_wait3A_168 = arith.constant 0 : i32
    %dma_wait3A_169 = arith.constant 194 : i32
    %dma_wait3A_170 = arith.constant 1 : i32
    %dma_wait3A_171 = arith.constant 0 : i32
    %dma_wait3A_172 = arith.constant 0 : i32
    %dma_wait3A_173 = tpu.memref_slice %arg8[%dma_wait3A_167, %dma_wait3A_168, %dma_wait3A_171, %dma_wait3A_172] : memref<4x2x128x16xf32, #tpu.memory_space<vmem>> -> memref<1x1x128x16xf32, #tpu.memory_space<vmem>>
    %dma_wait3A_174 = tpu.memref_squeeze %dma_wait3A_173 : memref<1x1x128x16xf32, #tpu.memory_space<vmem>> -> memref<128x16xf32, #tpu.memory_space<vmem>>
    %dma_wait3A_175 = arith.constant 0 : i32
    %dma_wait3A_176 = tpu.memref_slice %arg7[%dma_wait3A_169, %dma_wait3A_175] : memref<196x128xi32, #tpu.memory_space<vmem>> -> memref<1x128xi32, #tpu.memory_space<vmem>>
    %dma_wait3A_177 = tpu.memref_squeeze %dma_wait3A_176 : memref<1x128xi32, #tpu.memory_space<vmem>> -> memref<128xi32, #tpu.memory_space<vmem>>
    %dma_wait3A_178 = arith.constant 0 : i32
    %dma_wait3A_179 = arith.constant 0 : i32
    %dma_wait3A_180 = tpu.memref_slice %arg10[%dma_wait3A_178, %dma_wait3A_179] : memref<50176x16xf32, #tpu.memory_space<vmem_shared>> -> memref<50176x16xf32, #tpu.memory_space<vmem_shared>>
    %dma_wait3A_181 = tpu.memref_slice %arg12[%dma_wait3A_170] : memref<4x!tpu.dma_semaphore, #tpu.memory_space<semaphore_mem>> -> memref<1x!tpu.dma_semaphore, #tpu.memory_space<semaphore_mem>>
    %dma_wait3A_182 = tpu.memref_squeeze %dma_wait3A_181 : memref<1x!tpu.dma_semaphore, #tpu.memory_space<semaphore_mem>> -> memref<!tpu.dma_semaphore, #tpu.memory_space<semaphore_mem>>
    tpu.wait_indirect_dma semaphore(%dma_wait3A_182 : memref<!tpu.dma_semaphore, #tpu.memory_space<semaphore_mem>>) src(%dma_wait3A_174 : memref<128x16xf32, #tpu.memory_space<vmem>>) dst(%dma_wait3A_180 : memref<50176x16xf32, #tpu.memory_space<vmem_shared>>)
    %dma_wait3A_183 = arith.constant 1 : i32
    %dma_wait3A_184 = arith.constant 1 : i32
    %dma_wait3A_185 = arith.constant 195 : i32
    %dma_wait3A_186 = arith.constant 1 : i32
    %dma_wait3A_187 = arith.constant 0 : i32
    %dma_wait3A_188 = arith.constant 0 : i32
    %dma_wait3A_189 = tpu.memref_slice %arg8[%dma_wait3A_183, %dma_wait3A_184, %dma_wait3A_187, %dma_wait3A_188] : memref<4x2x128x16xf32, #tpu.memory_space<vmem>> -> memref<1x1x128x16xf32, #tpu.memory_space<vmem>>
    %dma_wait3A_190 = tpu.memref_squeeze %dma_wait3A_189 : memref<1x1x128x16xf32, #tpu.memory_space<vmem>> -> memref<128x16xf32, #tpu.memory_space<vmem>>
    %dma_wait3A_191 = arith.constant 0 : i32
    %dma_wait3A_192 = tpu.memref_slice %arg7[%dma_wait3A_185, %dma_wait3A_191] : memref<196x128xi32, #tpu.memory_space<vmem>> -> memref<1x128xi32, #tpu.memory_space<vmem>>
    %dma_wait3A_193 = tpu.memref_squeeze %dma_wait3A_192 : memref<1x128xi32, #tpu.memory_space<vmem>> -> memref<128xi32, #tpu.memory_space<vmem>>
    %dma_wait3A_194 = arith.constant 0 : i32
    %dma_wait3A_195 = arith.constant 0 : i32
    %dma_wait3A_196 = tpu.memref_slice %arg10[%dma_wait3A_194, %dma_wait3A_195] : memref<50176x16xf32, #tpu.memory_space<vmem_shared>> -> memref<50176x16xf32, #tpu.memory_space<vmem_shared>>
    %dma_wait3A_197 = tpu.memref_slice %arg12[%dma_wait3A_186] : memref<4x!tpu.dma_semaphore, #tpu.memory_space<semaphore_mem>> -> memref<1x!tpu.dma_semaphore, #tpu.memory_space<semaphore_mem>>
    %dma_wait3A_198 = tpu.memref_squeeze %dma_wait3A_197 : memref<1x!tpu.dma_semaphore, #tpu.memory_space<semaphore_mem>> -> memref<!tpu.dma_semaphore, #tpu.memory_space<semaphore_mem>>
    tpu.wait_indirect_dma semaphore(%dma_wait3A_198 : memref<!tpu.dma_semaphore, #tpu.memory_space<semaphore_mem>>) src(%dma_wait3A_190 : memref<128x16xf32, #tpu.memory_space<vmem>>) dst(%dma_wait3A_196 : memref<50176x16xf32, #tpu.memory_space<vmem_shared>>)
    %barrier3A_199 = arith.constant 0 : index
    tpu.barrier barrier_id(%barrier3A_199)
    "tpu.region"() ({
      %run_scoped3A = tpu.sem_alloc : memref<!tpu.dma_semaphore, #tpu.memory_space<semaphore_mem>>
      %dma_start3A_200 = arith.constant 0 : i32
      %dma_start3A_201 = tpu.memref_slice %arg5[%arg0, %mul3A_2, %dma_start3A_200] : memref<2x50176x16xf32, #tpu.memory_space<hbm>> -> memref<1x3136x16xf32, #tpu.memory_space<hbm>>
      %dma_start3A_202 = tpu.memref_squeeze %dma_start3A_201 : memref<1x3136x16xf32, #tpu.memory_space<hbm>> -> memref<3136x16xf32, #tpu.memory_space<hbm>>
      %dma_start3A_203 = arith.constant 0 : i32
      %dma_start3A_204 = tpu.memref_slice %arg10[%mul3A_2, %dma_start3A_203] : memref<50176x16xf32, #tpu.memory_space<vmem_shared>> -> memref<3136x16xf32, #tpu.memory_space<vmem_shared>>
      tpu.enqueue_dma source(%dma_start3A_204 : memref<3136x16xf32, #tpu.memory_space<vmem_shared>>) target(%dma_start3A_202 : memref<3136x16xf32, #tpu.memory_space<hbm>>) target_semaphore(%run_scoped3A : memref<!tpu.dma_semaphore, #tpu.memory_space<semaphore_mem>>)
      %dma_wait3A_205 = arith.constant 0 : i32
      %dma_wait3A_206 = tpu.memref_slice %arg5[%arg0, %mul3A_2, %dma_wait3A_205] : memref<2x50176x16xf32, #tpu.memory_space<hbm>> -> memref<1x3136x16xf32, #tpu.memory_space<hbm>>
      %dma_wait3A_207 = tpu.memref_squeeze %dma_wait3A_206 : memref<1x3136x16xf32, #tpu.memory_space<hbm>> -> memref<3136x16xf32, #tpu.memory_space<hbm>>
      %dma_wait3A_208 = arith.constant 0 : i32
      %dma_wait3A_209 = tpu.memref_slice %arg10[%mul3A_2, %dma_wait3A_208] : memref<50176x16xf32, #tpu.memory_space<vmem_shared>> -> memref<3136x16xf32, #tpu.memory_space<vmem_shared>>
      tpu.wait_dma2 semaphore(%run_scoped3A : memref<!tpu.dma_semaphore, #tpu.memory_space<semaphore_mem>>) src(%dma_wait3A_209 : memref<3136x16xf32, #tpu.memory_space<vmem_shared>>) dst(%dma_wait3A_207 : memref<3136x16xf32, #tpu.memory_space<hbm>>)
      tpu.yield
    }) : () -> ()
    return
  }
}

#map = affine_map<(d0, d1) -> (0, 0)>
#map1 = affine_map<(d0, d1) -> (0, 0, 0)>
module attributes {stable_mosaic.version = 14 : i64} {
  func.func @agg(%arg0: i32, %arg1: i32, %arg2: memref<50000x16xf32, #tpu.memory_space<hbm>>, %arg3: memref<32x196x128xi32, #tpu.memory_space<hbm>>, %arg4: memref<32x196x128xi32, #tpu.memory_space<hbm>>, %arg5: memref<2x50176x16xf32, #tpu.memory_space<hbm>>, %arg6: memref<196x128xi32, #tpu.memory_space<vmem>>, %arg7: memref<196x128xi32, #tpu.memory_space<vmem>>, %arg8: memref<4x2x128x16xf32, #tpu.memory_space<vmem>>, %arg9: memref<448x16xf32, #tpu.memory_space<vmem>>, %arg10: memref<50176x16xf32, #tpu.memory_space<vmem_shared>>, %arg11: memref<4x!tpu.dma_semaphore, #tpu.memory_space<semaphore_mem>>, %arg12: memref<4x!tpu.dma_semaphore, #tpu.memory_space<semaphore_mem>>) attributes {dimension_semantics = [#tpu.dimension_semantics<core_parallel>, #tpu.dimension_semantics<subcore_parallel>], iteration_bounds = array<i64: 2, 16>, scalar_prefetch = 0 : i64, scratch_operands = 7 : i64, tpu.core_type = #tpu.core_type<sc_vector_subcore>, window_params = [{transform_indices = #map}, {transform_indices = #map1}, {transform_indices = #map1}, {transform_indices = #map1}]} {
    %mul3A = arith.constant 2 : i32
    %mul3A_0 = arith.muli %arg1, %mul3A : i32
    %add3A = arith.addi %mul3A_0, %arg0 : i32
    %mul3A_1 = arith.constant 3136 : i32
    %mul3A_2 = arith.muli %arg1, %mul3A_1 : i32
    %broadcast_in_dim3A = arith.constant 0.000000e+00 : f32
    %broadcast_in_dim3A_3 = vector.broadcast %broadcast_in_dim3A : f32 to vector<16xf32>
    %dma_start3A = arith.constant 0 : i32
    %dma_start3A_4 = arith.constant 0 : i32
    %dma_start3A_5 = arith.constant 0 : i32
    %dma_start3A_6 = tpu.memref_slice %arg3[%add3A, %dma_start3A_4, %dma_start3A_5] : memref<32x196x128xi32, #tpu.memory_space<hbm>> -> memref<1x196x128xi32, #tpu.memory_space<hbm>>
    %dma_start3A_7 = tpu.memref_squeeze %dma_start3A_6 : memref<1x196x128xi32, #tpu.memory_space<hbm>> -> memref<196x128xi32, #tpu.memory_space<hbm>>
    %dma_start3A_8 = tpu.memref_slice %arg11[%dma_start3A] : memref<4x!tpu.dma_semaphore, #tpu.memory_space<semaphore_mem>> -> memref<1x!tpu.dma_semaphore, #tpu.memory_space<semaphore_mem>>
    %dma_start3A_9 = tpu.memref_squeeze %dma_start3A_8 : memref<1x!tpu.dma_semaphore, #tpu.memory_space<semaphore_mem>> -> memref<!tpu.dma_semaphore, #tpu.memory_space<semaphore_mem>>
    %dma_start3A_10 = arith.constant 0 : i32
    %dma_start3A_11 = arith.constant 0 : i32
    %dma_start3A_12 = tpu.memref_slice %arg3[%add3A, %dma_start3A_10, %dma_start3A_11] : memref<32x196x128xi32, #tpu.memory_space<hbm>> -> memref<1x196x128xi32, #tpu.memory_space<hbm>>
    %dma_start3A_13 = tpu.memref_squeeze %dma_start3A_12 : memref<1x196x128xi32, #tpu.memory_space<hbm>> -> memref<196x128xi32, #tpu.memory_space<hbm>>
    tpu.enqueue_dma source(%dma_start3A_13 : memref<196x128xi32, #tpu.memory_space<hbm>>) target(%arg6 : memref<196x128xi32, #tpu.memory_space<vmem>>) target_semaphore(%dma_start3A_9 : memref<!tpu.dma_semaphore, #tpu.memory_space<semaphore_mem>>)
    %dma_start3A_14 = arith.constant 1 : i32
    %dma_start3A_15 = arith.constant 0 : i32
    %dma_start3A_16 = arith.constant 0 : i32
    %dma_start3A_17 = tpu.memref_slice %arg4[%add3A, %dma_start3A_15, %dma_start3A_16] : memref<32x196x128xi32, #tpu.memory_space<hbm>> -> memref<1x196x128xi32, #tpu.memory_space<hbm>>
    %dma_start3A_18 = tpu.memref_squeeze %dma_start3A_17 : memref<1x196x128xi32, #tpu.memory_space<hbm>> -> memref<196x128xi32, #tpu.memory_space<hbm>>
    %dma_start3A_19 = tpu.memref_slice %arg11[%dma_start3A_14] : memref<4x!tpu.dma_semaphore, #tpu.memory_space<semaphore_mem>> -> memref<1x!tpu.dma_semaphore, #tpu.memory_space<semaphore_mem>>
    %dma_start3A_20 = tpu.memref_squeeze %dma_start3A_19 : memref<1x!tpu.dma_semaphore, #tpu.memory_space<semaphore_mem>> -> memref<!tpu.dma_semaphore, #tpu.memory_space<semaphore_mem>>
    %dma_start3A_21 = arith.constant 0 : i32
    %dma_start3A_22 = arith.constant 0 : i32
    %dma_start3A_23 = tpu.memref_slice %arg4[%add3A, %dma_start3A_21, %dma_start3A_22] : memref<32x196x128xi32, #tpu.memory_space<hbm>> -> memref<1x196x128xi32, #tpu.memory_space<hbm>>
    %dma_start3A_24 = tpu.memref_squeeze %dma_start3A_23 : memref<1x196x128xi32, #tpu.memory_space<hbm>> -> memref<196x128xi32, #tpu.memory_space<hbm>>
    tpu.enqueue_dma source(%dma_start3A_24 : memref<196x128xi32, #tpu.memory_space<hbm>>) target(%arg7 : memref<196x128xi32, #tpu.memory_space<vmem>>) target_semaphore(%dma_start3A_20 : memref<!tpu.dma_semaphore, #tpu.memory_space<semaphore_mem>>)
    %scan3A = arith.constant 0 : i32
    %scan3A_25 = arith.constant 0 : i32
    %scan3A_26 = arith.constant 448 : i32
    %scan3A_27 = arith.addi %scan3A_25, %scan3A_26 : i32
    %scan3A_28 = arith.constant 1 : i32
    scf.for %scan3A_200 = %scan3A_25 to %scan3A_27 step %scan3A_28  : i32 {
      %swap3A = arith.index_cast %scan3A_200 : i32 to index
      %swap3A_201 = arith.constant 0 : index
      %swap3A_202 = tpu.vector_load %arg9[%swap3A, %swap3A_201] {strides = array<i32>} : memref<448x16xf32, #tpu.memory_space<vmem>>, vector<1x16xf32>,
      %swap3A_203 = vector.shape_cast %swap3A_202 : vector<1x16xf32> to vector<16xf32>
      %swap3A_204 = vector.shape_cast %broadcast_in_dim3A_3 : vector<16xf32> to vector<1x16xf32>
      tpu.vector_store %arg9[%swap3A, %swap3A_201], %swap3A_204 {strides = array<i32>} : memref<448x16xf32, #tpu.memory_space<vmem>>, vector<1x16xf32>,
    }
    %scan3A_29 = arith.constant 448 : i32
    %add3A_30 = arith.constant 0 : i32
    %add3A_31 = arith.addi %mul3A_2, %add3A_30 : i32
    "tpu.region"() ({
      %run_scoped3A = tpu.sem_alloc : memref<!tpu.dma_semaphore, #tpu.memory_space<semaphore_mem>>
      %dma_start3A_200 = arith.constant 0 : i32
      %dma_start3A_201 = tpu.memref_slice %arg10[%add3A_31, %dma_start3A_200] : memref<50176x16xf32, #tpu.memory_space<vmem_shared>> -> memref<448x16xf32, #tpu.memory_space<vmem_shared>>
      %dma_start3A_202 = arith.constant 0 : i32
      %dma_start3A_203 = tpu.memref_slice %arg10[%add3A_31, %dma_start3A_202] : memref<50176x16xf32, #tpu.memory_space<vmem_shared>> -> memref<448x16xf32, #tpu.memory_space<vmem_shared>>
      tpu.enqueue_dma source(%arg9 : memref<448x16xf32, #tpu.memory_space<vmem>>) target(%dma_start3A_203 : memref<448x16xf32, #tpu.memory_space<vmem_shared>>) target_semaphore(%run_scoped3A : memref<!tpu.dma_semaphore, #tpu.memory_space<semaphore_mem>>)
      %dma_wait3A_204 = arith.constant 0 : i32
      %dma_wait3A_205 = tpu.memref_slice %arg10[%add3A_31, %dma_wait3A_204] : memref<50176x16xf32, #tpu.memory_space<vmem_shared>> -> memref<448x16xf32, #tpu.memory_space<vmem_shared>>
      %dma_wait3A_206 = arith.constant 0 : i32
      %dma_wait3A_207 = tpu.memref_slice %arg10[%add3A_31, %dma_wait3A_206] : memref<50176x16xf32, #tpu.memory_space<vmem_shared>> -> memref<448x16xf32, #tpu.memory_space<vmem_shared>>
      tpu.wait_dma2 semaphore(%run_scoped3A : memref<!tpu.dma_semaphore, #tpu.memory_space<semaphore_mem>>) src(%arg9 : memref<448x16xf32, #tpu.memory_space<vmem>>) dst(%dma_wait3A_207 : memref<448x16xf32, #tpu.memory_space<vmem_shared>>)
      tpu.yield
    }) : () -> ()
    %add3A_32 = arith.constant 448 : i32
    %add3A_33 = arith.addi %mul3A_2, %add3A_32 : i32
    "tpu.region"() ({
      %run_scoped3A = tpu.sem_alloc : memref<!tpu.dma_semaphore, #tpu.memory_space<semaphore_mem>>
      %dma_start3A_200 = arith.constant 0 : i32
      %dma_start3A_201 = tpu.memref_slice %arg10[%add3A_33, %dma_start3A_200] : memref<50176x16xf32, #tpu.memory_space<vmem_shared>> -> memref<448x16xf32, #tpu.memory_space<vmem_shared>>
      %dma_start3A_202 = arith.constant 0 : i32
      %dma_start3A_203 = tpu.memref_slice %arg10[%add3A_33, %dma_start3A_202] : memref<50176x16xf32, #tpu.memory_space<vmem_shared>> -> memref<448x16xf32, #tpu.memory_space<vmem_shared>>
      tpu.enqueue_dma source(%arg9 : memref<448x16xf32, #tpu.memory_space<vmem>>) target(%dma_start3A_203 : memref<448x16xf32, #tpu.memory_space<vmem_shared>>) target_semaphore(%run_scoped3A : memref<!tpu.dma_semaphore, #tpu.memory_space<semaphore_mem>>)
      %dma_wait3A_204 = arith.constant 0 : i32
      %dma_wait3A_205 = tpu.memref_slice %arg10[%add3A_33, %dma_wait3A_204] : memref<50176x16xf32, #tpu.memory_space<vmem_shared>> -> memref<448x16xf32, #tpu.memory_space<vmem_shared>>
      %dma_wait3A_206 = arith.constant 0 : i32
      %dma_wait3A_207 = tpu.memref_slice %arg10[%add3A_33, %dma_wait3A_206] : memref<50176x16xf32, #tpu.memory_space<vmem_shared>> -> memref<448x16xf32, #tpu.memory_space<vmem_shared>>
      tpu.wait_dma2 semaphore(%run_scoped3A : memref<!tpu.dma_semaphore, #tpu.memory_space<semaphore_mem>>) src(%arg9 : memref<448x16xf32, #tpu.memory_space<vmem>>) dst(%dma_wait3A_207 : memref<448x16xf32, #tpu.memory_space<vmem_shared>>)
      tpu.yield
    }) : () -> ()
    %add3A_34 = arith.constant 896 : i32
    %add3A_35 = arith.addi %mul3A_2, %add3A_34 : i32
    "tpu.region"() ({
      %run_scoped3A = tpu.sem_alloc : memref<!tpu.dma_semaphore, #tpu.memory_space<semaphore_mem>>
      %dma_start3A_200 = arith.constant 0 : i32
      %dma_start3A_201 = tpu.memref_slice %arg10[%add3A_35, %dma_start3A_200] : memref<50176x16xf32, #tpu.memory_space<vmem_shared>> -> memref<448x16xf32, #tpu.memory_space<vmem_shared>>
      %dma_start3A_202 = arith.constant 0 : i32
      %dma_start3A_203 = tpu.memref_slice %arg10[%add3A_35, %dma_start3A_202] : memref<50176x16xf32, #tpu.memory_space<vmem_shared>> -> memref<448x16xf32, #tpu.memory_space<vmem_shared>>
      tpu.enqueue_dma source(%arg9 : memref<448x16xf32, #tpu.memory_space<vmem>>) target(%dma_start3A_203 : memref<448x16xf32, #tpu.memory_space<vmem_shared>>) target_semaphore(%run_scoped3A : memref<!tpu.dma_semaphore, #tpu.memory_space<semaphore_mem>>)
      %dma_wait3A_204 = arith.constant 0 : i32
      %dma_wait3A_205 = tpu.memref_slice %arg10[%add3A_35, %dma_wait3A_204] : memref<50176x16xf32, #tpu.memory_space<vmem_shared>> -> memref<448x16xf32, #tpu.memory_space<vmem_shared>>
      %dma_wait3A_206 = arith.constant 0 : i32
      %dma_wait3A_207 = tpu.memref_slice %arg10[%add3A_35, %dma_wait3A_206] : memref<50176x16xf32, #tpu.memory_space<vmem_shared>> -> memref<448x16xf32, #tpu.memory_space<vmem_shared>>
      tpu.wait_dma2 semaphore(%run_scoped3A : memref<!tpu.dma_semaphore, #tpu.memory_space<semaphore_mem>>) src(%arg9 : memref<448x16xf32, #tpu.memory_space<vmem>>) dst(%dma_wait3A_207 : memref<448x16xf32, #tpu.memory_space<vmem_shared>>)
      tpu.yield
    }) : () -> ()
    %add3A_36 = arith.constant 1344 : i32
    %add3A_37 = arith.addi %mul3A_2, %add3A_36 : i32
    "tpu.region"() ({
      %run_scoped3A = tpu.sem_alloc : memref<!tpu.dma_semaphore, #tpu.memory_space<semaphore_mem>>
      %dma_start3A_200 = arith.constant 0 : i32
      %dma_start3A_201 = tpu.memref_slice %arg10[%add3A_37, %dma_start3A_200] : memref<50176x16xf32, #tpu.memory_space<vmem_shared>> -> memref<448x16xf32, #tpu.memory_space<vmem_shared>>
      %dma_start3A_202 = arith.constant 0 : i32
      %dma_start3A_203 = tpu.memref_slice %arg10[%add3A_37, %dma_start3A_202] : memref<50176x16xf32, #tpu.memory_space<vmem_shared>> -> memref<448x16xf32, #tpu.memory_space<vmem_shared>>
      tpu.enqueue_dma source(%arg9 : memref<448x16xf32, #tpu.memory_space<vmem>>) target(%dma_start3A_203 : memref<448x16xf32, #tpu.memory_space<vmem_shared>>) target_semaphore(%run_scoped3A : memref<!tpu.dma_semaphore, #tpu.memory_space<semaphore_mem>>)
      %dma_wait3A_204 = arith.constant 0 : i32
      %dma_wait3A_205 = tpu.memref_slice %arg10[%add3A_37, %dma_wait3A_204] : memref<50176x16xf32, #tpu.memory_space<vmem_shared>> -> memref<448x16xf32, #tpu.memory_space<vmem_shared>>
      %dma_wait3A_206 = arith.constant 0 : i32
      %dma_wait3A_207 = tpu.memref_slice %arg10[%add3A_37, %dma_wait3A_206] : memref<50176x16xf32, #tpu.memory_space<vmem_shared>> -> memref<448x16xf32, #tpu.memory_space<vmem_shared>>
      tpu.wait_dma2 semaphore(%run_scoped3A : memref<!tpu.dma_semaphore, #tpu.memory_space<semaphore_mem>>) src(%arg9 : memref<448x16xf32, #tpu.memory_space<vmem>>) dst(%dma_wait3A_207 : memref<448x16xf32, #tpu.memory_space<vmem_shared>>)
      tpu.yield
    }) : () -> ()
    %add3A_38 = arith.constant 1792 : i32
    %add3A_39 = arith.addi %mul3A_2, %add3A_38 : i32
    "tpu.region"() ({
      %run_scoped3A = tpu.sem_alloc : memref<!tpu.dma_semaphore, #tpu.memory_space<semaphore_mem>>
      %dma_start3A_200 = arith.constant 0 : i32
      %dma_start3A_201 = tpu.memref_slice %arg10[%add3A_39, %dma_start3A_200] : memref<50176x16xf32, #tpu.memory_space<vmem_shared>> -> memref<448x16xf32, #tpu.memory_space<vmem_shared>>
      %dma_start3A_202 = arith.constant 0 : i32
      %dma_start3A_203 = tpu.memref_slice %arg10[%add3A_39, %dma_start3A_202] : memref<50176x16xf32, #tpu.memory_space<vmem_shared>> -> memref<448x16xf32, #tpu.memory_space<vmem_shared>>
      tpu.enqueue_dma source(%arg9 : memref<448x16xf32, #tpu.memory_space<vmem>>) target(%dma_start3A_203 : memref<448x16xf32, #tpu.memory_space<vmem_shared>>) target_semaphore(%run_scoped3A : memref<!tpu.dma_semaphore, #tpu.memory_space<semaphore_mem>>)
      %dma_wait3A_204 = arith.constant 0 : i32
      %dma_wait3A_205 = tpu.memref_slice %arg10[%add3A_39, %dma_wait3A_204] : memref<50176x16xf32, #tpu.memory_space<vmem_shared>> -> memref<448x16xf32, #tpu.memory_space<vmem_shared>>
      %dma_wait3A_206 = arith.constant 0 : i32
      %dma_wait3A_207 = tpu.memref_slice %arg10[%add3A_39, %dma_wait3A_206] : memref<50176x16xf32, #tpu.memory_space<vmem_shared>> -> memref<448x16xf32, #tpu.memory_space<vmem_shared>>
      tpu.wait_dma2 semaphore(%run_scoped3A : memref<!tpu.dma_semaphore, #tpu.memory_space<semaphore_mem>>) src(%arg9 : memref<448x16xf32, #tpu.memory_space<vmem>>) dst(%dma_wait3A_207 : memref<448x16xf32, #tpu.memory_space<vmem_shared>>)
      tpu.yield
    }) : () -> ()
    %add3A_40 = arith.constant 2240 : i32
    %add3A_41 = arith.addi %mul3A_2, %add3A_40 : i32
    "tpu.region"() ({
      %run_scoped3A = tpu.sem_alloc : memref<!tpu.dma_semaphore, #tpu.memory_space<semaphore_mem>>
      %dma_start3A_200 = arith.constant 0 : i32
      %dma_start3A_201 = tpu.memref_slice %arg10[%add3A_41, %dma_start3A_200] : memref<50176x16xf32, #tpu.memory_space<vmem_shared>> -> memref<448x16xf32, #tpu.memory_space<vmem_shared>>
      %dma_start3A_202 = arith.constant 0 : i32
      %dma_start3A_203 = tpu.memref_slice %arg10[%add3A_41, %dma_start3A_202] : memref<50176x16xf32, #tpu.memory_space<vmem_shared>> -> memref<448x16xf32, #tpu.memory_space<vmem_shared>>
      tpu.enqueue_dma source(%arg9 : memref<448x16xf32, #tpu.memory_space<vmem>>) target(%dma_start3A_203 : memref<448x16xf32, #tpu.memory_space<vmem_shared>>) target_semaphore(%run_scoped3A : memref<!tpu.dma_semaphore, #tpu.memory_space<semaphore_mem>>)
      %dma_wait3A_204 = arith.constant 0 : i32
      %dma_wait3A_205 = tpu.memref_slice %arg10[%add3A_41, %dma_wait3A_204] : memref<50176x16xf32, #tpu.memory_space<vmem_shared>> -> memref<448x16xf32, #tpu.memory_space<vmem_shared>>
      %dma_wait3A_206 = arith.constant 0 : i32
      %dma_wait3A_207 = tpu.memref_slice %arg10[%add3A_41, %dma_wait3A_206] : memref<50176x16xf32, #tpu.memory_space<vmem_shared>> -> memref<448x16xf32, #tpu.memory_space<vmem_shared>>
      tpu.wait_dma2 semaphore(%run_scoped3A : memref<!tpu.dma_semaphore, #tpu.memory_space<semaphore_mem>>) src(%arg9 : memref<448x16xf32, #tpu.memory_space<vmem>>) dst(%dma_wait3A_207 : memref<448x16xf32, #tpu.memory_space<vmem_shared>>)
      tpu.yield
    }) : () -> ()
    %add3A_42 = arith.constant 2688 : i32
    %add3A_43 = arith.addi %mul3A_2, %add3A_42 : i32
    "tpu.region"() ({
      %run_scoped3A = tpu.sem_alloc : memref<!tpu.dma_semaphore, #tpu.memory_space<semaphore_mem>>
      %dma_start3A_200 = arith.constant 0 : i32
      %dma_start3A_201 = tpu.memref_slice %arg10[%add3A_43, %dma_start3A_200] : memref<50176x16xf32, #tpu.memory_space<vmem_shared>> -> memref<448x16xf32, #tpu.memory_space<vmem_shared>>
      %dma_start3A_202 = arith.constant 0 : i32
      %dma_start3A_203 = tpu.memref_slice %arg10[%add3A_43, %dma_start3A_202] : memref<50176x16xf32, #tpu.memory_space<vmem_shared>> -> memref<448x16xf32, #tpu.memory_space<vmem_shared>>
      tpu.enqueue_dma source(%arg9 : memref<448x16xf32, #tpu.memory_space<vmem>>) target(%dma_start3A_203 : memref<448x16xf32, #tpu.memory_space<vmem_shared>>) target_semaphore(%run_scoped3A : memref<!tpu.dma_semaphore, #tpu.memory_space<semaphore_mem>>)
      %dma_wait3A_204 = arith.constant 0 : i32
      %dma_wait3A_205 = tpu.memref_slice %arg10[%add3A_43, %dma_wait3A_204] : memref<50176x16xf32, #tpu.memory_space<vmem_shared>> -> memref<448x16xf32, #tpu.memory_space<vmem_shared>>
      %dma_wait3A_206 = arith.constant 0 : i32
      %dma_wait3A_207 = tpu.memref_slice %arg10[%add3A_43, %dma_wait3A_206] : memref<50176x16xf32, #tpu.memory_space<vmem_shared>> -> memref<448x16xf32, #tpu.memory_space<vmem_shared>>
      tpu.wait_dma2 semaphore(%run_scoped3A : memref<!tpu.dma_semaphore, #tpu.memory_space<semaphore_mem>>) src(%arg9 : memref<448x16xf32, #tpu.memory_space<vmem>>) dst(%dma_wait3A_207 : memref<448x16xf32, #tpu.memory_space<vmem_shared>>)
      tpu.yield
    }) : () -> ()
    %dma_wait3A = arith.constant 0 : i32
    %dma_wait3A_44 = arith.constant 0 : i32
    %dma_wait3A_45 = arith.constant 0 : i32
    %dma_wait3A_46 = tpu.memref_slice %arg3[%add3A, %dma_wait3A_44, %dma_wait3A_45] : memref<32x196x128xi32, #tpu.memory_space<hbm>> -> memref<1x196x128xi32, #tpu.memory_space<hbm>>
    %dma_wait3A_47 = tpu.memref_squeeze %dma_wait3A_46 : memref<1x196x128xi32, #tpu.memory_space<hbm>> -> memref<196x128xi32, #tpu.memory_space<hbm>>
    %dma_wait3A_48 = tpu.memref_slice %arg11[%dma_wait3A] : memref<4x!tpu.dma_semaphore, #tpu.memory_space<semaphore_mem>> -> memref<1x!tpu.dma_semaphore, #tpu.memory_space<semaphore_mem>>
    %dma_wait3A_49 = tpu.memref_squeeze %dma_wait3A_48 : memref<1x!tpu.dma_semaphore, #tpu.memory_space<semaphore_mem>> -> memref<!tpu.dma_semaphore, #tpu.memory_space<semaphore_mem>>
    %dma_wait3A_50 = arith.constant 0 : i32
    %dma_wait3A_51 = arith.constant 0 : i32
    %dma_wait3A_52 = tpu.memref_slice %arg3[%add3A, %dma_wait3A_50, %dma_wait3A_51] : memref<32x196x128xi32, #tpu.memory_space<hbm>> -> memref<1x196x128xi32, #tpu.memory_space<hbm>>
    %dma_wait3A_53 = tpu.memref_squeeze %dma_wait3A_52 : memref<1x196x128xi32, #tpu.memory_space<hbm>> -> memref<196x128xi32, #tpu.memory_space<hbm>>
    tpu.wait_dma2 semaphore(%dma_wait3A_49 : memref<!tpu.dma_semaphore, #tpu.memory_space<semaphore_mem>>) src(%dma_wait3A_53 : memref<196x128xi32, #tpu.memory_space<hbm>>) dst(%arg6 : memref<196x128xi32, #tpu.memory_space<vmem>>)
    %dma_wait3A_54 = arith.constant 1 : i32
    %dma_wait3A_55 = arith.constant 0 : i32
    %dma_wait3A_56 = arith.constant 0 : i32
    %dma_wait3A_57 = tpu.memref_slice %arg4[%add3A, %dma_wait3A_55, %dma_wait3A_56] : memref<32x196x128xi32, #tpu.memory_space<hbm>> -> memref<1x196x128xi32, #tpu.memory_space<hbm>>
    %dma_wait3A_58 = tpu.memref_squeeze %dma_wait3A_57 : memref<1x196x128xi32, #tpu.memory_space<hbm>> -> memref<196x128xi32, #tpu.memory_space<hbm>>
    %dma_wait3A_59 = tpu.memref_slice %arg11[%dma_wait3A_54] : memref<4x!tpu.dma_semaphore, #tpu.memory_space<semaphore_mem>> -> memref<1x!tpu.dma_semaphore, #tpu.memory_space<semaphore_mem>>
    %dma_wait3A_60 = tpu.memref_squeeze %dma_wait3A_59 : memref<1x!tpu.dma_semaphore, #tpu.memory_space<semaphore_mem>> -> memref<!tpu.dma_semaphore, #tpu.memory_space<semaphore_mem>>
    %dma_wait3A_61 = arith.constant 0 : i32
    %dma_wait3A_62 = arith.constant 0 : i32
    %dma_wait3A_63 = tpu.memref_slice %arg4[%add3A, %dma_wait3A_61, %dma_wait3A_62] : memref<32x196x128xi32, #tpu.memory_space<hbm>> -> memref<1x196x128xi32, #tpu.memory_space<hbm>>
    %dma_wait3A_64 = tpu.memref_squeeze %dma_wait3A_63 : memref<1x196x128xi32, #tpu.memory_space<hbm>> -> memref<196x128xi32, #tpu.memory_space<hbm>>
    tpu.wait_dma2 semaphore(%dma_wait3A_60 : memref<!tpu.dma_semaphore, #tpu.memory_space<semaphore_mem>>) src(%dma_wait3A_64 : memref<196x128xi32, #tpu.memory_space<hbm>>) dst(%arg7 : memref<196x128xi32, #tpu.memory_space<vmem>>)
    %barrier3A = arith.constant 0 : index
    tpu.barrier barrier_id(%barrier3A)
    %dma_start3A_65 = arith.constant 0 : i32
    %dma_start3A_66 = arith.constant 0 : i32
    %dma_start3A_67 = arith.constant 0 : i32
    %dma_start3A_68 = arith.constant 0 : i32
    %dma_start3A_69 = arith.constant 0 : i32
    %dma_start3A_70 = arith.constant 0 : i32
    %dma_start3A_71 = tpu.memref_slice %arg8[%dma_start3A_66, %dma_start3A_67, %dma_start3A_69, %dma_start3A_70] : memref<4x2x128x16xf32, #tpu.memory_space<vmem>> -> memref<1x1x128x16xf32, #tpu.memory_space<vmem>>
    %dma_start3A_72 = tpu.memref_squeeze %dma_start3A_71 : memref<1x1x128x16xf32, #tpu.memory_space<vmem>> -> memref<128x16xf32, #tpu.memory_space<vmem>>
    %dma_start3A_73 = arith.constant 0 : i32
    %dma_start3A_74 = tpu.memref_slice %arg6[%dma_start3A_65, %dma_start3A_73] : memref<196x128xi32, #tpu.memory_space<vmem>> -> memref<1x128xi32, #tpu.memory_space<vmem>>
    %dma_start3A_75 = tpu.memref_squeeze %dma_start3A_74 : memref<1x128xi32, #tpu.memory_space<vmem>> -> memref<128xi32, #tpu.memory_space<vmem>>
    %dma_start3A_76 = arith.constant 0 : i32
    %dma_start3A_77 = arith.constant 0 : i32
    %dma_start3A_78 = tpu.memref_slice %arg2[%dma_start3A_76, %dma_start3A_77] : memref<50000x16xf32, #tpu.memory_space<hbm>> -> memref<50000x16xf32, #tpu.memory_space<hbm>>
    %dma_start3A_79 = tpu.memref_slice %arg11[%dma_start3A_68] : memref<4x!tpu.dma_semaphore, #tpu.memory_space<semaphore_mem>> -> memref<1x!tpu.dma_semaphore, #tpu.memory_space<semaphore_mem>>
    %dma_start3A_80 = tpu.memref_squeeze %dma_start3A_79 : memref<1x!tpu.dma_semaphore, #tpu.memory_space<semaphore_mem>> -> memref<!tpu.dma_semaphore, #tpu.memory_space<semaphore_mem>>
    tpu.enqueue_indirect_dma source(%dma_start3A_78 : memref<50000x16xf32, #tpu.memory_space<hbm>>) target(%dma_start3A_72 : memref<128x16xf32, #tpu.memory_space<vmem>>) offsets(%dma_start3A_75 : memref<128xi32, #tpu.memory_space<vmem>>) semaphore(%dma_start3A_80 : memref<!tpu.dma_semaphore, #tpu.memory_space<semaphore_mem>>)
    %dma_start3A_81 = arith.constant 1 : i32
    %dma_start3A_82 = arith.constant 0 : i32
    %dma_start3A_83 = arith.constant 1 : i32
    %dma_start3A_84 = arith.constant 0 : i32
    %dma_start3A_85 = arith.constant 0 : i32
    %dma_start3A_86 = arith.constant 0 : i32
    %dma_start3A_87 = tpu.memref_slice %arg8[%dma_start3A_82, %dma_start3A_83, %dma_start3A_85, %dma_start3A_86] : memref<4x2x128x16xf32, #tpu.memory_space<vmem>> -> memref<1x1x128x16xf32, #tpu.memory_space<vmem>>
    %dma_start3A_88 = tpu.memref_squeeze %dma_start3A_87 : memref<1x1x128x16xf32, #tpu.memory_space<vmem>> -> memref<128x16xf32, #tpu.memory_space<vmem>>
    %dma_start3A_89 = arith.constant 0 : i32
    %dma_start3A_90 = tpu.memref_slice %arg6[%dma_start3A_81, %dma_start3A_89] : memref<196x128xi32, #tpu.memory_space<vmem>> -> memref<1x128xi32, #tpu.memory_space<vmem>>
    %dma_start3A_91 = tpu.memref_squeeze %dma_start3A_90 : memref<1x128xi32, #tpu.memory_space<vmem>> -> memref<128xi32, #tpu.memory_space<vmem>>
    %dma_start3A_92 = arith.constant 0 : i32
    %dma_start3A_93 = arith.constant 0 : i32
    %dma_start3A_94 = tpu.memref_slice %arg2[%dma_start3A_92, %dma_start3A_93] : memref<50000x16xf32, #tpu.memory_space<hbm>> -> memref<50000x16xf32, #tpu.memory_space<hbm>>
    %dma_start3A_95 = tpu.memref_slice %arg11[%dma_start3A_84] : memref<4x!tpu.dma_semaphore, #tpu.memory_space<semaphore_mem>> -> memref<1x!tpu.dma_semaphore, #tpu.memory_space<semaphore_mem>>
    %dma_start3A_96 = tpu.memref_squeeze %dma_start3A_95 : memref<1x!tpu.dma_semaphore, #tpu.memory_space<semaphore_mem>> -> memref<!tpu.dma_semaphore, #tpu.memory_space<semaphore_mem>>
    tpu.enqueue_indirect_dma source(%dma_start3A_94 : memref<50000x16xf32, #tpu.memory_space<hbm>>) target(%dma_start3A_88 : memref<128x16xf32, #tpu.memory_space<vmem>>) offsets(%dma_start3A_91 : memref<128xi32, #tpu.memory_space<vmem>>) semaphore(%dma_start3A_96 : memref<!tpu.dma_semaphore, #tpu.memory_space<semaphore_mem>>)
    %dma_start3A_97 = arith.constant 2 : i32
    %dma_start3A_98 = arith.constant 1 : i32
    %dma_start3A_99 = arith.constant 0 : i32
    %dma_start3A_100 = arith.constant 1 : i32
    %dma_start3A_101 = arith.constant 0 : i32
    %dma_start3A_102 = arith.constant 0 : i32
    %dma_start3A_103 = tpu.memref_slice %arg8[%dma_start3A_98, %dma_start3A_99, %dma_start3A_101, %dma_start3A_102] : memref<4x2x128x16xf32, #tpu.memory_space<vmem>> -> memref<1x1x128x16xf32, #tpu.memory_space<vmem>>
    %dma_start3A_104 = tpu.memref_squeeze %dma_start3A_103 : memref<1x1x128x16xf32, #tpu.memory_space<vmem>> -> memref<128x16xf32, #tpu.memory_space<vmem>>
    %dma_start3A_105 = arith.constant 0 : i32
    %dma_start3A_106 = tpu.memref_slice %arg6[%dma_start3A_97, %dma_start3A_105] : memref<196x128xi32, #tpu.memory_space<vmem>> -> memref<1x128xi32, #tpu.memory_space<vmem>>
    %dma_start3A_107 = tpu.memref_squeeze %dma_start3A_106 : memref<1x128xi32, #tpu.memory_space<vmem>> -> memref<128xi32, #tpu.memory_space<vmem>>
    %dma_start3A_108 = arith.constant 0 : i32
    %dma_start3A_109 = arith.constant 0 : i32
    %dma_start3A_110 = tpu.memref_slice %arg2[%dma_start3A_108, %dma_start3A_109] : memref<50000x16xf32, #tpu.memory_space<hbm>> -> memref<50000x16xf32, #tpu.memory_space<hbm>>
    %dma_start3A_111 = tpu.memref_slice %arg11[%dma_start3A_100] : memref<4x!tpu.dma_semaphore, #tpu.memory_space<semaphore_mem>> -> memref<1x!tpu.dma_semaphore, #tpu.memory_space<semaphore_mem>>
    %dma_start3A_112 = tpu.memref_squeeze %dma_start3A_111 : memref<1x!tpu.dma_semaphore, #tpu.memory_space<semaphore_mem>> -> memref<!tpu.dma_semaphore, #tpu.memory_space<semaphore_mem>>
    tpu.enqueue_indirect_dma source(%dma_start3A_110 : memref<50000x16xf32, #tpu.memory_space<hbm>>) target(%dma_start3A_104 : memref<128x16xf32, #tpu.memory_space<vmem>>) offsets(%dma_start3A_107 : memref<128xi32, #tpu.memory_space<vmem>>) semaphore(%dma_start3A_112 : memref<!tpu.dma_semaphore, #tpu.memory_space<semaphore_mem>>)
    %dma_start3A_113 = arith.constant 3 : i32
    %dma_start3A_114 = arith.constant 1 : i32
    %dma_start3A_115 = arith.constant 1 : i32
    %dma_start3A_116 = arith.constant 1 : i32
    %dma_start3A_117 = arith.constant 0 : i32
    %dma_start3A_118 = arith.constant 0 : i32
    %dma_start3A_119 = tpu.memref_slice %arg8[%dma_start3A_114, %dma_start3A_115, %dma_start3A_117, %dma_start3A_118] : memref<4x2x128x16xf32, #tpu.memory_space<vmem>> -> memref<1x1x128x16xf32, #tpu.memory_space<vmem>>
    %dma_start3A_120 = tpu.memref_squeeze %dma_start3A_119 : memref<1x1x128x16xf32, #tpu.memory_space<vmem>> -> memref<128x16xf32, #tpu.memory_space<vmem>>
    %dma_start3A_121 = arith.constant 0 : i32
    %dma_start3A_122 = tpu.memref_slice %arg6[%dma_start3A_113, %dma_start3A_121] : memref<196x128xi32, #tpu.memory_space<vmem>> -> memref<1x128xi32, #tpu.memory_space<vmem>>
    %dma_start3A_123 = tpu.memref_squeeze %dma_start3A_122 : memref<1x128xi32, #tpu.memory_space<vmem>> -> memref<128xi32, #tpu.memory_space<vmem>>
    %dma_start3A_124 = arith.constant 0 : i32
    %dma_start3A_125 = arith.constant 0 : i32
    %dma_start3A_126 = tpu.memref_slice %arg2[%dma_start3A_124, %dma_start3A_125] : memref<50000x16xf32, #tpu.memory_space<hbm>> -> memref<50000x16xf32, #tpu.memory_space<hbm>>
    %dma_start3A_127 = tpu.memref_slice %arg11[%dma_start3A_116] : memref<4x!tpu.dma_semaphore, #tpu.memory_space<semaphore_mem>> -> memref<1x!tpu.dma_semaphore, #tpu.memory_space<semaphore_mem>>
    %dma_start3A_128 = tpu.memref_squeeze %dma_start3A_127 : memref<1x!tpu.dma_semaphore, #tpu.memory_space<semaphore_mem>> -> memref<!tpu.dma_semaphore, #tpu.memory_space<semaphore_mem>>
    tpu.enqueue_indirect_dma source(%dma_start3A_126 : memref<50000x16xf32, #tpu.memory_space<hbm>>) target(%dma_start3A_120 : memref<128x16xf32, #tpu.memory_space<vmem>>) offsets(%dma_start3A_123 : memref<128xi32, #tpu.memory_space<vmem>>) semaphore(%dma_start3A_128 : memref<!tpu.dma_semaphore, #tpu.memory_space<semaphore_mem>>)
    %scan3A_129 = arith.constant 0 : i32
    %scan3A_130 = arith.constant 0 : i32
    %scan3A_131 = arith.constant 98 : i32
    %scan3A_132 = arith.addi %scan3A_130, %scan3A_131 : i32
    %scan3A_133 = arith.constant 1 : i32
    scf.for %scan3A_200 = %scan3A_130 to %scan3A_132 step %scan3A_133  : i32 {
      %rem3A = arith.constant 4 : i32
      %rem3A_201 = arith.remsi %scan3A_200, %rem3A : i32
      %add3A_202 = arith.constant 2 : i32
      %add3A_203 = arith.addi %scan3A_200, %add3A_202 : i32
      %rem3A_204 = arith.constant 4 : i32
      %rem3A_205 = arith.remsi %add3A_203, %rem3A_204 : i32
      %mul3A_206 = arith.constant 2 : i32
      %mul3A_207 = arith.muli %scan3A_200, %mul3A_206 : i32
      %add3A_208 = arith.constant 0 : i32
      %add3A_209 = arith.addi %mul3A_207, %add3A_208 : i32
      %dma_wait3A_210 = arith.constant 0 : i32
      %dma_wait3A_211 = arith.constant 0 : i32
      %dma_wait3A_212 = arith.constant 0 : i32
      %dma_wait3A_213 = tpu.memref_slice %arg8[%rem3A_201, %dma_wait3A_210, %dma_wait3A_211, %dma_wait3A_212] : memref<4x2x128x16xf32, #tpu.memory_space<vmem>> -> memref<1x1x128x16xf32, #tpu.memory_space<vmem>>
      %dma_wait3A_214 = tpu.memref_squeeze %dma_wait3A_213 : memref<1x1x128x16xf32, #tpu.memory_space<vmem>> -> memref<128x16xf32, #tpu.memory_space<vmem>>
      %dma_wait3A_215 = arith.constant 0 : i32
      %dma_wait3A_216 = tpu.memref_slice %arg6[%add3A_209, %dma_wait3A_215] : memref<196x128xi32, #tpu.memory_space<vmem>> -> memref<1x128xi32, #tpu.memory_space<vmem>>
      %dma_wait3A_217 = tpu.memref_squeeze %dma_wait3A_216 : memref<1x128xi32, #tpu.memory_space<vmem>> -> memref<128xi32, #tpu.memory_space<vmem>>
      %dma_wait3A_218 = arith.constant 0 : i32
      %dma_wait3A_219 = arith.constant 0 : i32
      %dma_wait3A_220 = tpu.memref_slice %arg2[%dma_wait3A_218, %dma_wait3A_219] : memref<50000x16xf32, #tpu.memory_space<hbm>> -> memref<50000x16xf32, #tpu.memory_space<hbm>>
      %dma_wait3A_221 = tpu.memref_slice %arg11[%rem3A_201] : memref<4x!tpu.dma_semaphore, #tpu.memory_space<semaphore_mem>> -> memref<1x!tpu.dma_semaphore, #tpu.memory_space<semaphore_mem>>
      %dma_wait3A_222 = tpu.memref_squeeze %dma_wait3A_221 : memref<1x!tpu.dma_semaphore, #tpu.memory_space<semaphore_mem>> -> memref<!tpu.dma_semaphore, #tpu.memory_space<semaphore_mem>>
      tpu.wait_indirect_dma semaphore(%dma_wait3A_222 : memref<!tpu.dma_semaphore, #tpu.memory_space<semaphore_mem>>) src(%dma_wait3A_220 : memref<50000x16xf32, #tpu.memory_space<hbm>>) dst(%dma_wait3A_214 : memref<128x16xf32, #tpu.memory_space<vmem>>)
      %mul3A_223 = arith.constant 2 : i32
      %mul3A_224 = arith.muli %scan3A_200, %mul3A_223 : i32
      %add3A_225 = arith.constant 1 : i32
      %add3A_226 = arith.addi %mul3A_224, %add3A_225 : i32
      %dma_wait3A_227 = arith.constant 1 : i32
      %dma_wait3A_228 = arith.constant 0 : i32
      %dma_wait3A_229 = arith.constant 0 : i32
      %dma_wait3A_230 = tpu.memref_slice %arg8[%rem3A_201, %dma_wait3A_227, %dma_wait3A_228, %dma_wait3A_229] : memref<4x2x128x16xf32, #tpu.memory_space<vmem>> -> memref<1x1x128x16xf32, #tpu.memory_space<vmem>>
      %dma_wait3A_231 = tpu.memref_squeeze %dma_wait3A_230 : memref<1x1x128x16xf32, #tpu.memory_space<vmem>> -> memref<128x16xf32, #tpu.memory_space<vmem>>
      %dma_wait3A_232 = arith.constant 0 : i32
      %dma_wait3A_233 = tpu.memref_slice %arg6[%add3A_226, %dma_wait3A_232] : memref<196x128xi32, #tpu.memory_space<vmem>> -> memref<1x128xi32, #tpu.memory_space<vmem>>
      %dma_wait3A_234 = tpu.memref_squeeze %dma_wait3A_233 : memref<1x128xi32, #tpu.memory_space<vmem>> -> memref<128xi32, #tpu.memory_space<vmem>>
      %dma_wait3A_235 = arith.constant 0 : i32
      %dma_wait3A_236 = arith.constant 0 : i32
      %dma_wait3A_237 = tpu.memref_slice %arg2[%dma_wait3A_235, %dma_wait3A_236] : memref<50000x16xf32, #tpu.memory_space<hbm>> -> memref<50000x16xf32, #tpu.memory_space<hbm>>
      %dma_wait3A_238 = tpu.memref_slice %arg11[%rem3A_201] : memref<4x!tpu.dma_semaphore, #tpu.memory_space<semaphore_mem>> -> memref<1x!tpu.dma_semaphore, #tpu.memory_space<semaphore_mem>>
      %dma_wait3A_239 = tpu.memref_squeeze %dma_wait3A_238 : memref<1x!tpu.dma_semaphore, #tpu.memory_space<semaphore_mem>> -> memref<!tpu.dma_semaphore, #tpu.memory_space<semaphore_mem>>
      tpu.wait_indirect_dma semaphore(%dma_wait3A_239 : memref<!tpu.dma_semaphore, #tpu.memory_space<semaphore_mem>>) src(%dma_wait3A_237 : memref<50000x16xf32, #tpu.memory_space<hbm>>) dst(%dma_wait3A_231 : memref<128x16xf32, #tpu.memory_space<vmem>>)
      %mul3A_240 = arith.constant 2 : i32
      %mul3A_241 = arith.muli %scan3A_200, %mul3A_240 : i32
      %add3A_242 = arith.constant 0 : i32
      %add3A_243 = arith.addi %mul3A_241, %add3A_242 : i32
      %dma_start3A_244 = arith.constant 0 : i32
      %dma_start3A_245 = arith.constant 0 : i32
      %dma_start3A_246 = arith.constant 0 : i32
      %dma_start3A_247 = tpu.memref_slice %arg8[%rem3A_201, %dma_start3A_244, %dma_start3A_245, %dma_start3A_246] : memref<4x2x128x16xf32, #tpu.memory_space<vmem>> -> memref<1x1x128x16xf32, #tpu.memory_space<vmem>>
      %dma_start3A_248 = tpu.memref_squeeze %dma_start3A_247 : memref<1x1x128x16xf32, #tpu.memory_space<vmem>> -> memref<128x16xf32, #tpu.memory_space<vmem>>
      %dma_start3A_249 = arith.constant 0 : i32
      %dma_start3A_250 = tpu.memref_slice %arg7[%add3A_243, %dma_start3A_249] : memref<196x128xi32, #tpu.memory_space<vmem>> -> memref<1x128xi32, #tpu.memory_space<vmem>>
      %dma_start3A_251 = tpu.memref_squeeze %dma_start3A_250 : memref<1x128xi32, #tpu.memory_space<vmem>> -> memref<128xi32, #tpu.memory_space<vmem>>
      %dma_start3A_252 = arith.constant 0 : i32
      %dma_start3A_253 = arith.constant 0 : i32
      %dma_start3A_254 = tpu.memref_slice %arg10[%dma_start3A_252, %dma_start3A_253] : memref<50176x16xf32, #tpu.memory_space<vmem_shared>> -> memref<50176x16xf32, #tpu.memory_space<vmem_shared>>
      %dma_start3A_255 = tpu.memref_slice %arg12[%rem3A_201] : memref<4x!tpu.dma_semaphore, #tpu.memory_space<semaphore_mem>> -> memref<1x!tpu.dma_semaphore, #tpu.memory_space<semaphore_mem>>
      %dma_start3A_256 = tpu.memref_squeeze %dma_start3A_255 : memref<1x!tpu.dma_semaphore, #tpu.memory_space<semaphore_mem>> -> memref<!tpu.dma_semaphore, #tpu.memory_space<semaphore_mem>>
      tpu.enqueue_indirect_dma source(%dma_start3A_248 : memref<128x16xf32, #tpu.memory_space<vmem>>) target(%dma_start3A_254 : memref<50176x16xf32, #tpu.memory_space<vmem_shared>>) offsets(%dma_start3A_251 : memref<128xi32, #tpu.memory_space<vmem>>) semaphore(%dma_start3A_256 : memref<!tpu.dma_semaphore, #tpu.memory_space<semaphore_mem>>) {add = true}
      %mul3A_257 = arith.constant 2 : i32
      %mul3A_258 = arith.muli %scan3A_200, %mul3A_257 : i32
      %add3A_259 = arith.constant 1 : i32
      %add3A_260 = arith.addi %mul3A_258, %add3A_259 : i32
      %dma_start3A_261 = arith.constant 1 : i32
      %dma_start3A_262 = arith.constant 0 : i32
      %dma_start3A_263 = arith.constant 0 : i32
      %dma_start3A_264 = tpu.memref_slice %arg8[%rem3A_201, %dma_start3A_261, %dma_start3A_262, %dma_start3A_263] : memref<4x2x128x16xf32, #tpu.memory_space<vmem>> -> memref<1x1x128x16xf32, #tpu.memory_space<vmem>>
      %dma_start3A_265 = tpu.memref_squeeze %dma_start3A_264 : memref<1x1x128x16xf32, #tpu.memory_space<vmem>> -> memref<128x16xf32, #tpu.memory_space<vmem>>
      %dma_start3A_266 = arith.constant 0 : i32
      %dma_start3A_267 = tpu.memref_slice %arg7[%add3A_260, %dma_start3A_266] : memref<196x128xi32, #tpu.memory_space<vmem>> -> memref<1x128xi32, #tpu.memory_space<vmem>>
      %dma_start3A_268 = tpu.memref_squeeze %dma_start3A_267 : memref<1x128xi32, #tpu.memory_space<vmem>> -> memref<128xi32, #tpu.memory_space<vmem>>
      %dma_start3A_269 = arith.constant 0 : i32
      %dma_start3A_270 = arith.constant 0 : i32
      %dma_start3A_271 = tpu.memref_slice %arg10[%dma_start3A_269, %dma_start3A_270] : memref<50176x16xf32, #tpu.memory_space<vmem_shared>> -> memref<50176x16xf32, #tpu.memory_space<vmem_shared>>
      %dma_start3A_272 = tpu.memref_slice %arg12[%rem3A_201] : memref<4x!tpu.dma_semaphore, #tpu.memory_space<semaphore_mem>> -> memref<1x!tpu.dma_semaphore, #tpu.memory_space<semaphore_mem>>
      %dma_start3A_273 = tpu.memref_squeeze %dma_start3A_272 : memref<1x!tpu.dma_semaphore, #tpu.memory_space<semaphore_mem>> -> memref<!tpu.dma_semaphore, #tpu.memory_space<semaphore_mem>>
      tpu.enqueue_indirect_dma source(%dma_start3A_265 : memref<128x16xf32, #tpu.memory_space<vmem>>) target(%dma_start3A_271 : memref<50176x16xf32, #tpu.memory_space<vmem_shared>>) offsets(%dma_start3A_268 : memref<128xi32, #tpu.memory_space<vmem>>) semaphore(%dma_start3A_273 : memref<!tpu.dma_semaphore, #tpu.memory_space<semaphore_mem>>) {add = true}
      %ge3A = arith.constant 2 : i32
      %ge3A_274 = arith.cmpi sge, %scan3A_200, %ge3A : i32
      %convert_element_type3A = arith.extui %ge3A_274 : i1 to i32
      %cond3A = arith.constant 0 : i32
      %cond3A_275 = arith.cmpi ne, %convert_element_type3A, %cond3A : i32
      scf.if %cond3A_275 {
        %sub3A = arith.constant 2 : i32
        %sub3A_282 = arith.subi %scan3A_200, %sub3A : i32
        %mul3A_283 = arith.constant 2 : i32
        %mul3A_284 = arith.muli %sub3A_282, %mul3A_283 : i32
        %add3A_285 = arith.constant 0 : i32
        %add3A_286 = arith.addi %mul3A_284, %add3A_285 : i32
        %dma_wait3A_287 = arith.constant 0 : i32
        %dma_wait3A_288 = arith.constant 0 : i32
        %dma_wait3A_289 = arith.constant 0 : i32
        %dma_wait3A_290 = tpu.memref_slice %arg8[%rem3A_205, %dma_wait3A_287, %dma_wait3A_288, %dma_wait3A_289] : memref<4x2x128x16xf32, #tpu.memory_space<vmem>> -> memref<1x1x128x16xf32, #tpu.memory_space<vmem>>
        %dma_wait3A_291 = tpu.memref_squeeze %dma_wait3A_290 : memref<1x1x128x16xf32, #tpu.memory_space<vmem>> -> memref<128x16xf32, #tpu.memory_space<vmem>>
        %dma_wait3A_292 = arith.constant 0 : i32
        %dma_wait3A_293 = tpu.memref_slice %arg7[%add3A_286, %dma_wait3A_292] : memref<196x128xi32, #tpu.memory_space<vmem>> -> memref<1x128xi32, #tpu.memory_space<vmem>>
        %dma_wait3A_294 = tpu.memref_squeeze %dma_wait3A_293 : memref<1x128xi32, #tpu.memory_space<vmem>> -> memref<128xi32, #tpu.memory_space<vmem>>
        %dma_wait3A_295 = arith.constant 0 : i32
        %dma_wait3A_296 = arith.constant 0 : i32
        %dma_wait3A_297 = tpu.memref_slice %arg10[%dma_wait3A_295, %dma_wait3A_296] : memref<50176x16xf32, #tpu.memory_space<vmem_shared>> -> memref<50176x16xf32, #tpu.memory_space<vmem_shared>>
        %dma_wait3A_298 = tpu.memref_slice %arg12[%rem3A_205] : memref<4x!tpu.dma_semaphore, #tpu.memory_space<semaphore_mem>> -> memref<1x!tpu.dma_semaphore, #tpu.memory_space<semaphore_mem>>
        %dma_wait3A_299 = tpu.memref_squeeze %dma_wait3A_298 : memref<1x!tpu.dma_semaphore, #tpu.memory_space<semaphore_mem>> -> memref<!tpu.dma_semaphore, #tpu.memory_space<semaphore_mem>>
        tpu.wait_indirect_dma semaphore(%dma_wait3A_299 : memref<!tpu.dma_semaphore, #tpu.memory_space<semaphore_mem>>) src(%dma_wait3A_291 : memref<128x16xf32, #tpu.memory_space<vmem>>) dst(%dma_wait3A_297 : memref<50176x16xf32, #tpu.memory_space<vmem_shared>>)
        %mul3A_300 = arith.constant 2 : i32
        %mul3A_301 = arith.muli %sub3A_282, %mul3A_300 : i32
        %add3A_302 = arith.constant 1 : i32
        %add3A_303 = arith.addi %mul3A_301, %add3A_302 : i32
        %dma_wait3A_304 = arith.constant 1 : i32
        %dma_wait3A_305 = arith.constant 0 : i32
        %dma_wait3A_306 = arith.constant 0 : i32
        %dma_wait3A_307 = tpu.memref_slice %arg8[%rem3A_205, %dma_wait3A_304, %dma_wait3A_305, %dma_wait3A_306] : memref<4x2x128x16xf32, #tpu.memory_space<vmem>> -> memref<1x1x128x16xf32, #tpu.memory_space<vmem>>
        %dma_wait3A_308 = tpu.memref_squeeze %dma_wait3A_307 : memref<1x1x128x16xf32, #tpu.memory_space<vmem>> -> memref<128x16xf32, #tpu.memory_space<vmem>>
        %dma_wait3A_309 = arith.constant 0 : i32
        %dma_wait3A_310 = tpu.memref_slice %arg7[%add3A_303, %dma_wait3A_309] : memref<196x128xi32, #tpu.memory_space<vmem>> -> memref<1x128xi32, #tpu.memory_space<vmem>>
        %dma_wait3A_311 = tpu.memref_squeeze %dma_wait3A_310 : memref<1x128xi32, #tpu.memory_space<vmem>> -> memref<128xi32, #tpu.memory_space<vmem>>
        %dma_wait3A_312 = arith.constant 0 : i32
        %dma_wait3A_313 = arith.constant 0 : i32
        %dma_wait3A_314 = tpu.memref_slice %arg10[%dma_wait3A_312, %dma_wait3A_313] : memref<50176x16xf32, #tpu.memory_space<vmem_shared>> -> memref<50176x16xf32, #tpu.memory_space<vmem_shared>>
        %dma_wait3A_315 = tpu.memref_slice %arg12[%rem3A_205] : memref<4x!tpu.dma_semaphore, #tpu.memory_space<semaphore_mem>> -> memref<1x!tpu.dma_semaphore, #tpu.memory_space<semaphore_mem>>
        %dma_wait3A_316 = tpu.memref_squeeze %dma_wait3A_315 : memref<1x!tpu.dma_semaphore, #tpu.memory_space<semaphore_mem>> -> memref<!tpu.dma_semaphore, #tpu.memory_space<semaphore_mem>>
        tpu.wait_indirect_dma semaphore(%dma_wait3A_316 : memref<!tpu.dma_semaphore, #tpu.memory_space<semaphore_mem>>) src(%dma_wait3A_308 : memref<128x16xf32, #tpu.memory_space<vmem>>) dst(%dma_wait3A_314 : memref<50176x16xf32, #tpu.memory_space<vmem_shared>>)
      } else {
      }
      %add3A_276 = arith.constant 2 : i32
      %add3A_277 = arith.addi %scan3A_200, %add3A_276 : i32
      %lt3A = arith.constant 98 : i32
      %lt3A_278 = arith.cmpi slt, %add3A_277, %lt3A : i32
      %convert_element_type3A_279 = arith.extui %lt3A_278 : i1 to i32
      %cond3A_280 = arith.constant 0 : i32
      %cond3A_281 = arith.cmpi ne, %convert_element_type3A_279, %cond3A_280 : i32
      scf.if %cond3A_281 {
        %add3A_282 = arith.constant 2 : i32
        %add3A_283 = arith.addi %scan3A_200, %add3A_282 : i32
        %mul3A_284 = arith.constant 2 : i32
        %mul3A_285 = arith.muli %add3A_283, %mul3A_284 : i32
        %add3A_286 = arith.constant 0 : i32
        %add3A_287 = arith.addi %mul3A_285, %add3A_286 : i32
        %dma_start3A_288 = arith.constant 0 : i32
        %dma_start3A_289 = arith.constant 0 : i32
        %dma_start3A_290 = arith.constant 0 : i32
        %dma_start3A_291 = tpu.memref_slice %arg8[%rem3A_205, %dma_start3A_288, %dma_start3A_289, %dma_start3A_290] : memref<4x2x128x16xf32, #tpu.memory_space<vmem>> -> memref<1x1x128x16xf32, #tpu.memory_space<vmem>>
        %dma_start3A_292 = tpu.memref_squeeze %dma_start3A_291 : memref<1x1x128x16xf32, #tpu.memory_space<vmem>> -> memref<128x16xf32, #tpu.memory_space<vmem>>
        %dma_start3A_293 = arith.constant 0 : i32
        %dma_start3A_294 = tpu.memref_slice %arg6[%add3A_287, %dma_start3A_293] : memref<196x128xi32, #tpu.memory_space<vmem>> -> memref<1x128xi32, #tpu.memory_space<vmem>>
        %dma_start3A_295 = tpu.memref_squeeze %dma_start3A_294 : memref<1x128xi32, #tpu.memory_space<vmem>> -> memref<128xi32, #tpu.memory_space<vmem>>
        %dma_start3A_296 = arith.constant 0 : i32
        %dma_start3A_297 = arith.constant 0 : i32
        %dma_start3A_298 = tpu.memref_slice %arg2[%dma_start3A_296, %dma_start3A_297] : memref<50000x16xf32, #tpu.memory_space<hbm>> -> memref<50000x16xf32, #tpu.memory_space<hbm>>
        %dma_start3A_299 = tpu.memref_slice %arg11[%rem3A_205] : memref<4x!tpu.dma_semaphore, #tpu.memory_space<semaphore_mem>> -> memref<1x!tpu.dma_semaphore, #tpu.memory_space<semaphore_mem>>
        %dma_start3A_300 = tpu.memref_squeeze %dma_start3A_299 : memref<1x!tpu.dma_semaphore, #tpu.memory_space<semaphore_mem>> -> memref<!tpu.dma_semaphore, #tpu.memory_space<semaphore_mem>>
        tpu.enqueue_indirect_dma source(%dma_start3A_298 : memref<50000x16xf32, #tpu.memory_space<hbm>>) target(%dma_start3A_292 : memref<128x16xf32, #tpu.memory_space<vmem>>) offsets(%dma_start3A_295 : memref<128xi32, #tpu.memory_space<vmem>>) semaphore(%dma_start3A_300 : memref<!tpu.dma_semaphore, #tpu.memory_space<semaphore_mem>>)
        %mul3A_301 = arith.constant 2 : i32
        %mul3A_302 = arith.muli %add3A_283, %mul3A_301 : i32
        %add3A_303 = arith.constant 1 : i32
        %add3A_304 = arith.addi %mul3A_302, %add3A_303 : i32
        %dma_start3A_305 = arith.constant 1 : i32
        %dma_start3A_306 = arith.constant 0 : i32
        %dma_start3A_307 = arith.constant 0 : i32
        %dma_start3A_308 = tpu.memref_slice %arg8[%rem3A_205, %dma_start3A_305, %dma_start3A_306, %dma_start3A_307] : memref<4x2x128x16xf32, #tpu.memory_space<vmem>> -> memref<1x1x128x16xf32, #tpu.memory_space<vmem>>
        %dma_start3A_309 = tpu.memref_squeeze %dma_start3A_308 : memref<1x1x128x16xf32, #tpu.memory_space<vmem>> -> memref<128x16xf32, #tpu.memory_space<vmem>>
        %dma_start3A_310 = arith.constant 0 : i32
        %dma_start3A_311 = tpu.memref_slice %arg6[%add3A_304, %dma_start3A_310] : memref<196x128xi32, #tpu.memory_space<vmem>> -> memref<1x128xi32, #tpu.memory_space<vmem>>
        %dma_start3A_312 = tpu.memref_squeeze %dma_start3A_311 : memref<1x128xi32, #tpu.memory_space<vmem>> -> memref<128xi32, #tpu.memory_space<vmem>>
        %dma_start3A_313 = arith.constant 0 : i32
        %dma_start3A_314 = arith.constant 0 : i32
        %dma_start3A_315 = tpu.memref_slice %arg2[%dma_start3A_313, %dma_start3A_314] : memref<50000x16xf32, #tpu.memory_space<hbm>> -> memref<50000x16xf32, #tpu.memory_space<hbm>>
        %dma_start3A_316 = tpu.memref_slice %arg11[%rem3A_205] : memref<4x!tpu.dma_semaphore, #tpu.memory_space<semaphore_mem>> -> memref<1x!tpu.dma_semaphore, #tpu.memory_space<semaphore_mem>>
        %dma_start3A_317 = tpu.memref_squeeze %dma_start3A_316 : memref<1x!tpu.dma_semaphore, #tpu.memory_space<semaphore_mem>> -> memref<!tpu.dma_semaphore, #tpu.memory_space<semaphore_mem>>
        tpu.enqueue_indirect_dma source(%dma_start3A_315 : memref<50000x16xf32, #tpu.memory_space<hbm>>) target(%dma_start3A_309 : memref<128x16xf32, #tpu.memory_space<vmem>>) offsets(%dma_start3A_312 : memref<128xi32, #tpu.memory_space<vmem>>) semaphore(%dma_start3A_317 : memref<!tpu.dma_semaphore, #tpu.memory_space<semaphore_mem>>)
      } else {
      }
    }
    %scan3A_134 = arith.constant 98 : i32
    %dma_wait3A_135 = arith.constant 0 : i32
    %dma_wait3A_136 = arith.constant 0 : i32
    %dma_wait3A_137 = arith.constant 192 : i32
    %dma_wait3A_138 = arith.constant 0 : i32
    %dma_wait3A_139 = arith.constant 0 : i32
    %dma_wait3A_140 = arith.constant 0 : i32
    %dma_wait3A_141 = tpu.memref_slice %arg8[%dma_wait3A_135, %dma_wait3A_136, %dma_wait3A_139, %dma_wait3A_140] : memref<4x2x128x16xf32, #tpu.memory_space<vmem>> -> memref<1x1x128x16xf32, #tpu.memory_space<vmem>>
    %dma_wait3A_142 = tpu.memref_squeeze %dma_wait3A_141 : memref<1x1x128x16xf32, #tpu.memory_space<vmem>> -> memref<128x16xf32, #tpu.memory_space<vmem>>
    %dma_wait3A_143 = arith.constant 0 : i32
    %dma_wait3A_144 = tpu.memref_slice %arg7[%dma_wait3A_137, %dma_wait3A_143] : memref<196x128xi32, #tpu.memory_space<vmem>> -> memref<1x128xi32, #tpu.memory_space<vmem>>
    %dma_wait3A_145 = tpu.memref_squeeze %dma_wait3A_144 : memref<1x128xi32, #tpu.memory_space<vmem>> -> memref<128xi32, #tpu.memory_space<vmem>>
    %dma_wait3A_146 = arith.constant 0 : i32
    %dma_wait3A_147 = arith.constant 0 : i32
    %dma_wait3A_148 = tpu.memref_slice %arg10[%dma_wait3A_146, %dma_wait3A_147] : memref<50176x16xf32, #tpu.memory_space<vmem_shared>> -> memref<50176x16xf32, #tpu.memory_space<vmem_shared>>
    %dma_wait3A_149 = tpu.memref_slice %arg12[%dma_wait3A_138] : memref<4x!tpu.dma_semaphore, #tpu.memory_space<semaphore_mem>> -> memref<1x!tpu.dma_semaphore, #tpu.memory_space<semaphore_mem>>
    %dma_wait3A_150 = tpu.memref_squeeze %dma_wait3A_149 : memref<1x!tpu.dma_semaphore, #tpu.memory_space<semaphore_mem>> -> memref<!tpu.dma_semaphore, #tpu.memory_space<semaphore_mem>>
    tpu.wait_indirect_dma semaphore(%dma_wait3A_150 : memref<!tpu.dma_semaphore, #tpu.memory_space<semaphore_mem>>) src(%dma_wait3A_142 : memref<128x16xf32, #tpu.memory_space<vmem>>) dst(%dma_wait3A_148 : memref<50176x16xf32, #tpu.memory_space<vmem_shared>>)
    %dma_wait3A_151 = arith.constant 0 : i32
    %dma_wait3A_152 = arith.constant 1 : i32
    %dma_wait3A_153 = arith.constant 193 : i32
    %dma_wait3A_154 = arith.constant 0 : i32
    %dma_wait3A_155 = arith.constant 0 : i32
    %dma_wait3A_156 = arith.constant 0 : i32
    %dma_wait3A_157 = tpu.memref_slice %arg8[%dma_wait3A_151, %dma_wait3A_152, %dma_wait3A_155, %dma_wait3A_156] : memref<4x2x128x16xf32, #tpu.memory_space<vmem>> -> memref<1x1x128x16xf32, #tpu.memory_space<vmem>>
    %dma_wait3A_158 = tpu.memref_squeeze %dma_wait3A_157 : memref<1x1x128x16xf32, #tpu.memory_space<vmem>> -> memref<128x16xf32, #tpu.memory_space<vmem>>
    %dma_wait3A_159 = arith.constant 0 : i32
    %dma_wait3A_160 = tpu.memref_slice %arg7[%dma_wait3A_153, %dma_wait3A_159] : memref<196x128xi32, #tpu.memory_space<vmem>> -> memref<1x128xi32, #tpu.memory_space<vmem>>
    %dma_wait3A_161 = tpu.memref_squeeze %dma_wait3A_160 : memref<1x128xi32, #tpu.memory_space<vmem>> -> memref<128xi32, #tpu.memory_space<vmem>>
    %dma_wait3A_162 = arith.constant 0 : i32
    %dma_wait3A_163 = arith.constant 0 : i32
    %dma_wait3A_164 = tpu.memref_slice %arg10[%dma_wait3A_162, %dma_wait3A_163] : memref<50176x16xf32, #tpu.memory_space<vmem_shared>> -> memref<50176x16xf32, #tpu.memory_space<vmem_shared>>
    %dma_wait3A_165 = tpu.memref_slice %arg12[%dma_wait3A_154] : memref<4x!tpu.dma_semaphore, #tpu.memory_space<semaphore_mem>> -> memref<1x!tpu.dma_semaphore, #tpu.memory_space<semaphore_mem>>
    %dma_wait3A_166 = tpu.memref_squeeze %dma_wait3A_165 : memref<1x!tpu.dma_semaphore, #tpu.memory_space<semaphore_mem>> -> memref<!tpu.dma_semaphore, #tpu.memory_space<semaphore_mem>>
    tpu.wait_indirect_dma semaphore(%dma_wait3A_166 : memref<!tpu.dma_semaphore, #tpu.memory_space<semaphore_mem>>) src(%dma_wait3A_158 : memref<128x16xf32, #tpu.memory_space<vmem>>) dst(%dma_wait3A_164 : memref<50176x16xf32, #tpu.memory_space<vmem_shared>>)
    %dma_wait3A_167 = arith.constant 1 : i32
    %dma_wait3A_168 = arith.constant 0 : i32
    %dma_wait3A_169 = arith.constant 194 : i32
    %dma_wait3A_170 = arith.constant 1 : i32
    %dma_wait3A_171 = arith.constant 0 : i32
    %dma_wait3A_172 = arith.constant 0 : i32
    %dma_wait3A_173 = tpu.memref_slice %arg8[%dma_wait3A_167, %dma_wait3A_168, %dma_wait3A_171, %dma_wait3A_172] : memref<4x2x128x16xf32, #tpu.memory_space<vmem>> -> memref<1x1x128x16xf32, #tpu.memory_space<vmem>>
    %dma_wait3A_174 = tpu.memref_squeeze %dma_wait3A_173 : memref<1x1x128x16xf32, #tpu.memory_space<vmem>> -> memref<128x16xf32, #tpu.memory_space<vmem>>
    %dma_wait3A_175 = arith.constant 0 : i32
    %dma_wait3A_176 = tpu.memref_slice %arg7[%dma_wait3A_169, %dma_wait3A_175] : memref<196x128xi32, #tpu.memory_space<vmem>> -> memref<1x128xi32, #tpu.memory_space<vmem>>
    %dma_wait3A_177 = tpu.memref_squeeze %dma_wait3A_176 : memref<1x128xi32, #tpu.memory_space<vmem>> -> memref<128xi32, #tpu.memory_space<vmem>>
    %dma_wait3A_178 = arith.constant 0 : i32
    %dma_wait3A_179 = arith.constant 0 : i32
    %dma_wait3A_180 = tpu.memref_slice %arg10[%dma_wait3A_178, %dma_wait3A_179] : memref<50176x16xf32, #tpu.memory_space<vmem_shared>> -> memref<50176x16xf32, #tpu.memory_space<vmem_shared>>
    %dma_wait3A_181 = tpu.memref_slice %arg12[%dma_wait3A_170] : memref<4x!tpu.dma_semaphore, #tpu.memory_space<semaphore_mem>> -> memref<1x!tpu.dma_semaphore, #tpu.memory_space<semaphore_mem>>
    %dma_wait3A_182 = tpu.memref_squeeze %dma_wait3A_181 : memref<1x!tpu.dma_semaphore, #tpu.memory_space<semaphore_mem>> -> memref<!tpu.dma_semaphore, #tpu.memory_space<semaphore_mem>>
    tpu.wait_indirect_dma semaphore(%dma_wait3A_182 : memref<!tpu.dma_semaphore, #tpu.memory_space<semaphore_mem>>) src(%dma_wait3A_174 : memref<128x16xf32, #tpu.memory_space<vmem>>) dst(%dma_wait3A_180 : memref<50176x16xf32, #tpu.memory_space<vmem_shared>>)
    %dma_wait3A_183 = arith.constant 1 : i32
    %dma_wait3A_184 = arith.constant 1 : i32
    %dma_wait3A_185 = arith.constant 195 : i32
    %dma_wait3A_186 = arith.constant 1 : i32
    %dma_wait3A_187 = arith.constant 0 : i32
    %dma_wait3A_188 = arith.constant 0 : i32
    %dma_wait3A_189 = tpu.memref_slice %arg8[%dma_wait3A_183, %dma_wait3A_184, %dma_wait3A_187, %dma_wait3A_188] : memref<4x2x128x16xf32, #tpu.memory_space<vmem>> -> memref<1x1x128x16xf32, #tpu.memory_space<vmem>>
    %dma_wait3A_190 = tpu.memref_squeeze %dma_wait3A_189 : memref<1x1x128x16xf32, #tpu.memory_space<vmem>> -> memref<128x16xf32, #tpu.memory_space<vmem>>
    %dma_wait3A_191 = arith.constant 0 : i32
    %dma_wait3A_192 = tpu.memref_slice %arg7[%dma_wait3A_185, %dma_wait3A_191] : memref<196x128xi32, #tpu.memory_space<vmem>> -> memref<1x128xi32, #tpu.memory_space<vmem>>
    %dma_wait3A_193 = tpu.memref_squeeze %dma_wait3A_192 : memref<1x128xi32, #tpu.memory_space<vmem>> -> memref<128xi32, #tpu.memory_space<vmem>>
    %dma_wait3A_194 = arith.constant 0 : i32
    %dma_wait3A_195 = arith.constant 0 : i32
    %dma_wait3A_196 = tpu.memref_slice %arg10[%dma_wait3A_194, %dma_wait3A_195] : memref<50176x16xf32, #tpu.memory_space<vmem_shared>> -> memref<50176x16xf32, #tpu.memory_space<vmem_shared>>
    %dma_wait3A_197 = tpu.memref_slice %arg12[%dma_wait3A_186] : memref<4x!tpu.dma_semaphore, #tpu.memory_space<semaphore_mem>> -> memref<1x!tpu.dma_semaphore, #tpu.memory_space<semaphore_mem>>
    %dma_wait3A_198 = tpu.memref_squeeze %dma_wait3A_197 : memref<1x!tpu.dma_semaphore, #tpu.memory_space<semaphore_mem>> -> memref<!tpu.dma_semaphore, #tpu.memory_space<semaphore_mem>>
    tpu.wait_indirect_dma semaphore(%dma_wait3A_198 : memref<!tpu.dma_semaphore, #tpu.memory_space<semaphore_mem>>) src(%dma_wait3A_190 : memref<128x16xf32, #tpu.memory_space<vmem>>) dst(%dma_wait3A_196 : memref<50176x16xf32, #tpu.memory_space<vmem_shared>>)
    %barrier3A_199 = arith.constant 0 : index
    tpu.barrier barrier_id(%barrier3A_199)
    "tpu.region"() ({
      %run_scoped3A = tpu.sem_alloc : memref<!tpu.dma_semaphore, #tpu.memory_space<semaphore_mem>>
      %dma_start3A_200 = arith.constant 0 : i32
      %dma_start3A_201 = tpu.memref_slice %arg5[%arg0, %mul3A_2, %dma_start3A_200] : memref<2x50176x16xf32, #tpu.memory_space<hbm>> -> memref<1x3136x16xf32, #tpu.memory_space<hbm>>
      %dma_start3A_202 = tpu.memref_squeeze %dma_start3A_201 : memref<1x3136x16xf32, #tpu.memory_space<hbm>> -> memref<3136x16xf32, #tpu.memory_space<hbm>>
      %dma_start3A_203 = arith.constant 0 : i32
      %dma_start3A_204 = tpu.memref_slice %arg10[%mul3A_2, %dma_start3A_203] : memref<50176x16xf32, #tpu.memory_space<vmem_shared>> -> memref<3136x16xf32, #tpu.memory_space<vmem_shared>>
      tpu.enqueue_dma source(%dma_start3A_204 : memref<3136x16xf32, #tpu.memory_space<vmem_shared>>) target(%dma_start3A_202 : memref<3136x16xf32, #tpu.memory_space<hbm>>) target_semaphore(%run_scoped3A : memref<!tpu.dma_semaphore, #tpu.memory_space<semaphore_mem>>)
      %dma_wait3A_205 = arith.constant 0 : i32
      %dma_wait3A_206 = tpu.memref_slice %arg5[%arg0, %mul3A_2, %dma_wait3A_205] : memref<2x50176x16xf32, #tpu.memory_space<hbm>> -> memref<1x3136x16xf32, #tpu.memory_space<hbm>>
      %dma_wait3A_207 = tpu.memref_squeeze %dma_wait3A_206 : memref<1x3136x16xf32, #tpu.memory_space<hbm>> -> memref<3136x16xf32, #tpu.memory_space<hbm>>
      %dma_wait3A_208 = arith.constant 0 : i32
      %dma_wait3A_209 = tpu.memref_slice %arg10[%mul3A_2, %dma_wait3A_208] : memref<50176x16xf32, #tpu.memory_space<vmem_shared>> -> memref<3136x16xf32, #tpu.memory_space<vmem_shared>>
      tpu.wait_dma2 semaphore(%run_scoped3A : memref<!tpu.dma_semaphore, #tpu.memory_space<semaphore_mem>>) src(%dma_wait3A_209 : memref<3136x16xf32, #tpu.memory_space<vmem_shared>>) dst(%dma_wait3A_207 : memref<3136x16xf32, #tpu.memory_space<hbm>>)
      tpu.yield
    }) : () -> ()
    return
  }
}

module attributes {stable_mosaic.version = 14 : i64} {
  func.func @_head_body(%arg0: i32, %arg1: memref<2000x64xf32, #tpu.memory_space<vmem>>, %arg2: memref<64x32xf32, #tpu.memory_space<vmem>>, %arg3: memref<2x2000x16xf32, #tpu.memory_space<vmem>>) attributes {dimension_semantics = [#tpu.dimension_semantics<arbitrary>], iteration_bounds = array<i64: 25>, scalar_prefetch = 0 : i64, scratch_operands = 0 : i64, tpu.core_type = #tpu.core_type<tc>, window_params = [{transform_indices = @transform_0, window_bounds = array<i64: 2000, 64>}, {pipeline_mode = #tpu.pipeline_mode<synchronous>, transform_indices = @transform_1, window_bounds = array<i64: 64, 32>}, {transform_indices = @transform_2, window_bounds = array<i64: 2, 2000, 16>}]} {
    %get3A = arith.constant 0 : index
    %get3A_0 = arith.constant 0 : index
    %get3A_1 = vector.load %arg1[%get3A, %get3A_0] : memref<2000x64xf32, #tpu.memory_space<vmem>>, vector<2000x64xf32>
    %get3A_2 = arith.constant 0 : index
    %get3A_3 = arith.constant 0 : index
    %get3A_4 = vector.load %arg2[%get3A_2, %get3A_3] : memref<64x32xf32, #tpu.memory_space<vmem>>, vector<64x32xf32>
    %dot_general3A = arith.constant dense<0.000000e+00> : vector<2000x32xf32>
    %dot_general3A_5 = tpu.matmul %get3A_1, %get3A_4, %dot_general3A {dimension_numbers = #tpu.dot_dimension_numbers<[1], [0], [0], [1], [0, 0, 1, 1], [], []>, transpose_lhs_hint = false} : vector<2000x64xf32>, vector<64x32xf32>, vector<2000x32xf32> -> vector<2000x32xf32>
    %slice3A = vector.extract_strided_slice %dot_general3A_5 {offsets = [0, 0], sizes = [2000, 16], strides = [1, 1]} : vector<2000x32xf32> to vector<2000x16xf32>
    %swap3A = arith.constant 0 : index
    %swap3A_6 = arith.constant 0 : index
    %swap3A_7 = arith.constant 0 : index
    %swap3A_8 = vector.load %arg3[%swap3A, %swap3A_6, %swap3A_7] : memref<2x2000x16xf32, #tpu.memory_space<vmem>>, vector<1x2000x16xf32>
    %swap3A_9 = vector.shape_cast %swap3A_8 : vector<1x2000x16xf32> to vector<2000x16xf32>
    %swap3A_10 = vector.shape_cast %slice3A : vector<2000x16xf32> to vector<1x2000x16xf32>
    tpu.vector_store %arg3[%swap3A, %swap3A_6, %swap3A_7], %swap3A_10 {strides = array<i32>} : memref<2x2000x16xf32, #tpu.memory_space<vmem>>, vector<1x2000x16xf32>,
    %slice3A_11 = vector.extract_strided_slice %dot_general3A_5 {offsets = [0, 16], sizes = [2000, 16], strides = [1, 1]} : vector<2000x32xf32> to vector<2000x16xf32>
    %swap3A_12 = arith.constant 1 : index
    %swap3A_13 = arith.constant 0 : index
    %swap3A_14 = arith.constant 0 : index
    %swap3A_15 = vector.load %arg3[%swap3A_12, %swap3A_13, %swap3A_14] : memref<2x2000x16xf32, #tpu.memory_space<vmem>>, vector<1x2000x16xf32>
    %swap3A_16 = vector.shape_cast %swap3A_15 : vector<1x2000x16xf32> to vector<2000x16xf32>
    %swap3A_17 = vector.shape_cast %slice3A_11 : vector<2000x16xf32> to vector<1x2000x16xf32>
    tpu.vector_store %arg3[%swap3A_12, %swap3A_13, %swap3A_14], %swap3A_17 {strides = array<i32>} : memref<2x2000x16xf32, #tpu.memory_space<vmem>>, vector<1x2000x16xf32>,
    return
  }
  func.func @transform_0(%arg0: i32) -> (i32, i32) {
    %c0_i32 = arith.constant 0 : i32
    %c0_i32_0 = arith.constant 0 : i32
    return %arg0, %c0_i32 : i32, i32
  }
  func.func @transform_1(%arg0: i32) -> (i32, i32) {
    %c0_i32 = arith.constant 0 : i32
    %c0_i32_0 = arith.constant 0 : i32
    %c0_i32_1 = arith.constant 0 : i32
    return %c0_i32, %c0_i32_0 : i32, i32
  }
  func.func @transform_2(%arg0: i32) -> (i32, i32, i32) {
    %c0_i32 = arith.constant 0 : i32
    %c0_i32_0 = arith.constant 0 : i32
    %c0_i32_1 = arith.constant 0 : i32
    return %c0_i32, %arg0, %c0_i32_0 : i32, i32, i32
  }
}

module attributes {stable_mosaic.version = 14 : i64} {
  func.func @_mid_body(%arg0: i32, %arg1: memref<1x2000x16xf32, #tpu.memory_space<vmem>>, %arg2: memref<1x2000x16xf32, #tpu.memory_space<vmem>>, %arg3: memref<1x2000x16xf32, #tpu.memory_space<vmem>>, %arg4: memref<1x2000x16xf32, #tpu.memory_space<vmem>>, %arg5: memref<1x2000x16xf32, #tpu.memory_space<vmem>>, %arg6: memref<1x2000x16xf32, #tpu.memory_space<vmem>>, %arg7: memref<1x16xf32, #tpu.memory_space<vmem>>, %arg8: memref<1x16xf32, #tpu.memory_space<vmem>>, %arg9: memref<16x32xf32, #tpu.memory_space<vmem>>, %arg10: memref<16x32xf32, #tpu.memory_space<vmem>>, %arg11: memref<1x32xf32, #tpu.memory_space<vmem>>, %arg12: memref<32x16xf32, #tpu.memory_space<vmem>>, %arg13: memref<2000x16xf32, #tpu.memory_space<vmem>>) attributes {dimension_semantics = [#tpu.dimension_semantics<arbitrary>], iteration_bounds = array<i64: 25>, scalar_prefetch = 0 : i64, scratch_operands = 0 : i64, tpu.core_type = #tpu.core_type<tc>, window_params = [{transform_indices = @transform_0, window_bounds = array<i64: 1, 2000, 16>}, {transform_indices = @transform_1, window_bounds = array<i64: 1, 2000, 16>}, {transform_indices = @transform_2, window_bounds = array<i64: 1, 2000, 16>}, {transform_indices = @transform_3, window_bounds = array<i64: 1, 2000, 16>}, {transform_indices = @transform_4, window_bounds = array<i64: 1, 2000, 16>}, {transform_indices = @transform_5, window_bounds = array<i64: 1, 2000, 16>}, {pipeline_mode = #tpu.pipeline_mode<synchronous>, transform_indices = @transform_6, window_bounds = array<i64: 1, 16>}, {pipeline_mode = #tpu.pipeline_mode<synchronous>, transform_indices = @transform_7, window_bounds = array<i64: 1, 16>}, {pipeline_mode = #tpu.pipeline_mode<synchronous>, transform_indices = @transform_8, window_bounds = array<i64: 16, 32>}, {pipeline_mode = #tpu.pipeline_mode<synchronous>, transform_indices = @transform_9, window_bounds = array<i64: 16, 32>}, {pipeline_mode = #tpu.pipeline_mode<synchronous>, transform_indices = @transform_10, window_bounds = array<i64: 1, 32>}, {pipeline_mode = #tpu.pipeline_mode<synchronous>, transform_indices = @transform_11, window_bounds = array<i64: 32, 16>}, {transform_indices = @transform_12, window_bounds = array<i64: 2000, 16>}]} {
    %get3A = arith.constant 0 : index
    %get3A_0 = arith.constant 0 : index
    %get3A_1 = arith.constant 0 : index
    %get3A_2 = vector.load %arg5[%get3A, %get3A_0, %get3A_1] : memref<1x2000x16xf32, #tpu.memory_space<vmem>>, vector<1x2000x16xf32>
    %get3A_3 = vector.shape_cast %get3A_2 : vector<1x2000x16xf32> to vector<2000x16xf32>
    %get3A_4 = arith.constant 0 : index
    %get3A_5 = arith.constant 0 : index
    %get3A_6 = arith.constant 0 : index
    %get3A_7 = vector.load %arg1[%get3A_4, %get3A_5, %get3A_6] : memref<1x2000x16xf32, #tpu.memory_space<vmem>>, vector<1x2000x16xf32>
    %get3A_8 = vector.shape_cast %get3A_7 : vector<1x2000x16xf32> to vector<2000x16xf32>
    %add3A = arith.addf %get3A_3, %get3A_8 : vector<2000x16xf32>
    %get3A_9 = arith.constant 0 : index
    %get3A_10 = arith.constant 0 : index
    %get3A_11 = arith.constant 0 : index
    %get3A_12 = vector.load %arg2[%get3A_9, %get3A_10, %get3A_11] : memref<1x2000x16xf32, #tpu.memory_space<vmem>>, vector<1x2000x16xf32>
    %get3A_13 = vector.shape_cast %get3A_12 : vector<1x2000x16xf32> to vector<2000x16xf32>
    %add3A_14 = arith.addf %add3A, %get3A_13 : vector<2000x16xf32>
    %get3A_15 = arith.constant 0 : index
    %get3A_16 = arith.constant 0 : index
    %get3A_17 = vector.load %arg7[%get3A_15, %get3A_16] : memref<1x16xf32, #tpu.memory_space<vmem>>, vector<1x16xf32>
    %add3A_18 = vector.broadcast %get3A_17 : vector<1x16xf32> to vector<2000x16xf32>
    %add3A_19 = arith.addf %add3A_14, %add3A_18 : vector<2000x16xf32>
    %max3A = arith.constant 0.000000e+00 : f32
    %max3A_20 = vector.broadcast %max3A : f32 to vector<2000x16xf32>
    %max3A_21 = arith.maximumf %add3A_19, %max3A_20 : vector<2000x16xf32>
    %get3A_22 = arith.constant 0 : index
    %get3A_23 = arith.constant 0 : index
    %get3A_24 = arith.constant 0 : index
    %get3A_25 = vector.load %arg6[%get3A_22, %get3A_23, %get3A_24] : memref<1x2000x16xf32, #tpu.memory_space<vmem>>, vector<1x2000x16xf32>
    %get3A_26 = vector.shape_cast %get3A_25 : vector<1x2000x16xf32> to vector<2000x16xf32>
    %get3A_27 = arith.constant 0 : index
    %get3A_28 = arith.constant 0 : index
    %get3A_29 = arith.constant 0 : index
    %get3A_30 = vector.load %arg3[%get3A_27, %get3A_28, %get3A_29] : memref<1x2000x16xf32, #tpu.memory_space<vmem>>, vector<1x2000x16xf32>
    %get3A_31 = vector.shape_cast %get3A_30 : vector<1x2000x16xf32> to vector<2000x16xf32>
    %add3A_32 = arith.addf %get3A_26, %get3A_31 : vector<2000x16xf32>
    %get3A_33 = arith.constant 0 : index
    %get3A_34 = arith.constant 0 : index
    %get3A_35 = arith.constant 0 : index
    %get3A_36 = vector.load %arg4[%get3A_33, %get3A_34, %get3A_35] : memref<1x2000x16xf32, #tpu.memory_space<vmem>>, vector<1x2000x16xf32>
    %get3A_37 = vector.shape_cast %get3A_36 : vector<1x2000x16xf32> to vector<2000x16xf32>
    %add3A_38 = arith.addf %add3A_32, %get3A_37 : vector<2000x16xf32>
    %get3A_39 = arith.constant 0 : index
    %get3A_40 = arith.constant 0 : index
    %get3A_41 = vector.load %arg8[%get3A_39, %get3A_40] : memref<1x16xf32, #tpu.memory_space<vmem>>, vector<1x16xf32>
    %add3A_42 = vector.broadcast %get3A_41 : vector<1x16xf32> to vector<2000x16xf32>
    %add3A_43 = arith.addf %add3A_38, %add3A_42 : vector<2000x16xf32>
    %max3A_44 = arith.constant 0.000000e+00 : f32
    %max3A_45 = vector.broadcast %max3A_44 : f32 to vector<2000x16xf32>
    %max3A_46 = arith.maximumf %add3A_43, %max3A_45 : vector<2000x16xf32>
    %get3A_47 = arith.constant 0 : index
    %get3A_48 = arith.constant 0 : index
    %get3A_49 = vector.load %arg9[%get3A_47, %get3A_48] : memref<16x32xf32, #tpu.memory_space<vmem>>, vector<16x32xf32>
    %dot_general3A = arith.constant dense<0.000000e+00> : vector<2000x32xf32>
    %dot_general3A_50 = tpu.matmul %max3A_21, %get3A_49, %dot_general3A {dimension_numbers = #tpu.dot_dimension_numbers<[1], [0], [0], [1], [0, 0, 1, 1], [], []>, transpose_lhs_hint = false} : vector<2000x16xf32>, vector<16x32xf32>, vector<2000x32xf32> -> vector<2000x32xf32>
    %get3A_51 = arith.constant 0 : index
    %get3A_52 = arith.constant 0 : index
    %get3A_53 = vector.load %arg10[%get3A_51, %get3A_52] : memref<16x32xf32, #tpu.memory_space<vmem>>, vector<16x32xf32>
    %dot_general3A_54 = arith.constant dense<0.000000e+00> : vector<2000x32xf32>
    %dot_general3A_55 = tpu.matmul %max3A_46, %get3A_53, %dot_general3A_54 {dimension_numbers = #tpu.dot_dimension_numbers<[1], [0], [0], [1], [0, 0, 1, 1], [], []>, transpose_lhs_hint = false} : vector<2000x16xf32>, vector<16x32xf32>, vector<2000x32xf32> -> vector<2000x32xf32>
    %add3A_56 = arith.addf %dot_general3A_50, %dot_general3A_55 : vector<2000x32xf32>
    %get3A_57 = arith.constant 0 : index
    %get3A_58 = arith.constant 0 : index
    %get3A_59 = vector.load %arg11[%get3A_57, %get3A_58] : memref<1x32xf32, #tpu.memory_space<vmem>>, vector<1x32xf32>
    %add3A_60 = vector.broadcast %get3A_59 : vector<1x32xf32> to vector<2000x32xf32>
    %add3A_61 = arith.addf %add3A_56, %add3A_60 : vector<2000x32xf32>
    %max3A_62 = arith.constant 0.000000e+00 : f32
    %max3A_63 = vector.broadcast %max3A_62 : f32 to vector<2000x32xf32>
    %max3A_64 = arith.maximumf %add3A_61, %max3A_63 : vector<2000x32xf32>
    %get3A_65 = arith.constant 0 : index
    %get3A_66 = arith.constant 0 : index
    %get3A_67 = vector.load %arg12[%get3A_65, %get3A_66] : memref<32x16xf32, #tpu.memory_space<vmem>>, vector<32x16xf32>
    %dot_general3A_68 = arith.constant dense<0.000000e+00> : vector<2000x16xf32>
    %dot_general3A_69 = tpu.matmul %max3A_64, %get3A_67, %dot_general3A_68 {dimension_numbers = #tpu.dot_dimension_numbers<[1], [0], [0], [1], [0, 0, 1, 1], [], []>, transpose_lhs_hint = false} : vector<2000x32xf32>, vector<32x16xf32>, vector<2000x16xf32> -> vector<2000x16xf32>
    %swap3A = arith.constant 0 : index
    %swap3A_70 = arith.constant 0 : index
    %swap3A_71 = vector.load %arg13[%swap3A, %swap3A_70] : memref<2000x16xf32, #tpu.memory_space<vmem>>, vector<2000x16xf32>
    tpu.vector_store %arg13[%swap3A, %swap3A_70], %dot_general3A_69 {strides = array<i32>} : memref<2000x16xf32, #tpu.memory_space<vmem>>, vector<2000x16xf32>,
    return
  }
  func.func @transform_0(%arg0: i32) -> (i32, i32, i32) {
    %c0_i32 = arith.constant 0 : i32
    %c0_i32_0 = arith.constant 0 : i32
    %c0_i32_1 = arith.constant 0 : i32
    return %c0_i32, %arg0, %c0_i32_0 : i32, i32, i32
  }
  func.func @transform_1(%arg0: i32) -> (i32, i32, i32) {
    %c1_i32 = arith.constant 1 : i32
    %c0_i32 = arith.constant 0 : i32
    %c0_i32_0 = arith.constant 0 : i32
    return %c1_i32, %arg0, %c0_i32 : i32, i32, i32
  }
  func.func @transform_2(%arg0: i32) -> (i32, i32, i32) {
    %c0_i32 = arith.constant 0 : i32
    %c0_i32_0 = arith.constant 0 : i32
    %c0_i32_1 = arith.constant 0 : i32
    return %c0_i32, %arg0, %c0_i32_0 : i32, i32, i32
  }
  func.func @transform_3(%arg0: i32) -> (i32, i32, i32) {
    %c1_i32 = arith.constant 1 : i32
    %c0_i32 = arith.constant 0 : i32
    %c0_i32_0 = arith.constant 0 : i32
    return %c1_i32, %arg0, %c0_i32 : i32, i32, i32
  }
  func.func @transform_4(%arg0: i32) -> (i32, i32, i32) {
    %c0_i32 = arith.constant 0 : i32
    %c0_i32_0 = arith.constant 0 : i32
    %c0_i32_1 = arith.constant 0 : i32
    return %c0_i32, %arg0, %c0_i32_0 : i32, i32, i32
  }
  func.func @transform_5(%arg0: i32) -> (i32, i32, i32) {
    %c1_i32 = arith.constant 1 : i32
    %c0_i32 = arith.constant 0 : i32
    %c0_i32_0 = arith.constant 0 : i32
    return %c1_i32, %arg0, %c0_i32 : i32, i32, i32
  }
  func.func @transform_6(%arg0: i32) -> (i32, i32) {
    %c0_i32 = arith.constant 0 : i32
    %c0_i32_0 = arith.constant 0 : i32
    %c0_i32_1 = arith.constant 0 : i32
    return %c0_i32, %c0_i32_0 : i32, i32
  }
  func.func @transform_7(%arg0: i32) -> (i32, i32) {
    %c0_i32 = arith.constant 0 : i32
    %c0_i32_0 = arith.constant 0 : i32
    %c0_i32_1 = arith.constant 0 : i32
    return %c0_i32, %c0_i32_0 : i32, i32
  }
  func.func @transform_8(%arg0: i32) -> (i32, i32) {
    %c0_i32 = arith.constant 0 : i32
    %c0_i32_0 = arith.constant 0 : i32
    %c0_i32_1 = arith.constant 0 : i32
    return %c0_i32, %c0_i32_0 : i32, i32
  }
  func.func @transform_9(%arg0: i32) -> (i32, i32) {
    %c0_i32 = arith.constant 0 : i32
    %c0_i32_0 = arith.constant 0 : i32
    %c0_i32_1 = arith.constant 0 : i32
    return %c0_i32, %c0_i32_0 : i32, i32
  }
  func.func @transform_10(%arg0: i32) -> (i32, i32) {
    %c0_i32 = arith.constant 0 : i32
    %c0_i32_0 = arith.constant 0 : i32
    %c0_i32_1 = arith.constant 0 : i32
    return %c0_i32, %c0_i32_0 : i32, i32
  }
  func.func @transform_11(%arg0: i32) -> (i32, i32) {
    %c0_i32 = arith.constant 0 : i32
    %c0_i32_0 = arith.constant 0 : i32
    %c0_i32_1 = arith.constant 0 : i32
    return %c0_i32, %c0_i32_0 : i32, i32
  }
  func.func @transform_12(%arg0: i32) -> (i32, i32) {
    %c0_i32 = arith.constant 0 : i32
    %c0_i32_0 = arith.constant 0 : i32
    return %arg0, %c0_i32 : i32, i32
  }
}

module attributes {stable_mosaic.version = 14 : i64} {
  func.func @_out_body(%arg0: i32, %arg1: memref<1x2000x16xf32, #tpu.memory_space<vmem>>, %arg2: memref<1x2000x16xf32, #tpu.memory_space<vmem>>, %arg3: memref<2000x16xf32, #tpu.memory_space<vmem>>, %arg4: memref<1x16xf32, #tpu.memory_space<vmem>>, %arg5: memref<16x16xf32, #tpu.memory_space<vmem>>, %arg6: memref<1x16xf32, #tpu.memory_space<vmem>>, %arg7: memref<2000x16xf32, #tpu.memory_space<vmem>>) attributes {dimension_semantics = [#tpu.dimension_semantics<arbitrary>], iteration_bounds = array<i64: 25>, scalar_prefetch = 0 : i64, scratch_operands = 0 : i64, tpu.core_type = #tpu.core_type<tc>, window_params = [{transform_indices = @transform_0, window_bounds = array<i64: 1, 2000, 16>}, {transform_indices = @transform_1, window_bounds = array<i64: 1, 2000, 16>}, {transform_indices = @transform_2, window_bounds = array<i64: 2000, 16>}, {pipeline_mode = #tpu.pipeline_mode<synchronous>, transform_indices = @transform_3, window_bounds = array<i64: 1, 16>}, {pipeline_mode = #tpu.pipeline_mode<synchronous>, transform_indices = @transform_4, window_bounds = array<i64: 16, 16>}, {pipeline_mode = #tpu.pipeline_mode<synchronous>, transform_indices = @transform_5, window_bounds = array<i64: 1, 16>}, {transform_indices = @transform_6, window_bounds = array<i64: 2000, 16>}]} {
    %get3A = arith.constant 0 : index
    %get3A_0 = arith.constant 0 : index
    %get3A_1 = vector.load %arg3[%get3A, %get3A_0] : memref<2000x16xf32, #tpu.memory_space<vmem>>, vector<2000x16xf32>
    %get3A_2 = arith.constant 0 : index
    %get3A_3 = arith.constant 0 : index
    %get3A_4 = arith.constant 0 : index
    %get3A_5 = vector.load %arg1[%get3A_2, %get3A_3, %get3A_4] : memref<1x2000x16xf32, #tpu.memory_space<vmem>>, vector<1x2000x16xf32>
    %get3A_6 = vector.shape_cast %get3A_5 : vector<1x2000x16xf32> to vector<2000x16xf32>
    %add3A = arith.addf %get3A_1, %get3A_6 : vector<2000x16xf32>
    %get3A_7 = arith.constant 0 : index
    %get3A_8 = arith.constant 0 : index
    %get3A_9 = arith.constant 0 : index
    %get3A_10 = vector.load %arg2[%get3A_7, %get3A_8, %get3A_9] : memref<1x2000x16xf32, #tpu.memory_space<vmem>>, vector<1x2000x16xf32>
    %get3A_11 = vector.shape_cast %get3A_10 : vector<1x2000x16xf32> to vector<2000x16xf32>
    %add3A_12 = arith.addf %add3A, %get3A_11 : vector<2000x16xf32>
    %get3A_13 = arith.constant 0 : index
    %get3A_14 = arith.constant 0 : index
    %get3A_15 = vector.load %arg4[%get3A_13, %get3A_14] : memref<1x16xf32, #tpu.memory_space<vmem>>, vector<1x16xf32>
    %add3A_16 = vector.broadcast %get3A_15 : vector<1x16xf32> to vector<2000x16xf32>
    %add3A_17 = arith.addf %add3A_12, %add3A_16 : vector<2000x16xf32>
    %max3A = arith.constant 0.000000e+00 : f32
    %max3A_18 = vector.broadcast %max3A : f32 to vector<2000x16xf32>
    %max3A_19 = arith.maximumf %add3A_17, %max3A_18 : vector<2000x16xf32>
    %get3A_20 = arith.constant 0 : index
    %get3A_21 = arith.constant 0 : index
    %get3A_22 = vector.load %arg5[%get3A_20, %get3A_21] : memref<16x16xf32, #tpu.memory_space<vmem>>, vector<16x16xf32>
    %dot_general3A = arith.constant dense<0.000000e+00> : vector<2000x16xf32>
    %dot_general3A_23 = tpu.matmul %max3A_19, %get3A_22, %dot_general3A {dimension_numbers = #tpu.dot_dimension_numbers<[1], [0], [0], [1], [0, 0, 1, 1], [], []>, transpose_lhs_hint = false} : vector<2000x16xf32>, vector<16x16xf32>, vector<2000x16xf32> -> vector<2000x16xf32>
    %get3A_24 = arith.constant 0 : index
    %get3A_25 = arith.constant 0 : index
    %get3A_26 = vector.load %arg6[%get3A_24, %get3A_25] : memref<1x16xf32, #tpu.memory_space<vmem>>, vector<1x16xf32>
    %add3A_27 = vector.broadcast %get3A_26 : vector<1x16xf32> to vector<2000x16xf32>
    %add3A_28 = arith.addf %dot_general3A_23, %add3A_27 : vector<2000x16xf32>
    %swap3A = arith.constant 0 : index
    %swap3A_29 = arith.constant 0 : index
    %swap3A_30 = vector.load %arg7[%swap3A, %swap3A_29] : memref<2000x16xf32, #tpu.memory_space<vmem>>, vector<2000x16xf32>
    tpu.vector_store %arg7[%swap3A, %swap3A_29], %add3A_28 {strides = array<i32>} : memref<2000x16xf32, #tpu.memory_space<vmem>>, vector<2000x16xf32>,
    return
  }
  func.func @transform_0(%arg0: i32) -> (i32, i32, i32) {
    %c0_i32 = arith.constant 0 : i32
    %c0_i32_0 = arith.constant 0 : i32
    %c0_i32_1 = arith.constant 0 : i32
    return %c0_i32, %arg0, %c0_i32_0 : i32, i32, i32
  }
  func.func @transform_1(%arg0: i32) -> (i32, i32, i32) {
    %c1_i32 = arith.constant 1 : i32
    %c0_i32 = arith.constant 0 : i32
    %c0_i32_0 = arith.constant 0 : i32
    return %c1_i32, %arg0, %c0_i32 : i32, i32, i32
  }
  func.func @transform_2(%arg0: i32) -> (i32, i32) {
    %c0_i32 = arith.constant 0 : i32
    %c0_i32_0 = arith.constant 0 : i32
    return %arg0, %c0_i32 : i32, i32
  }
  func.func @transform_3(%arg0: i32) -> (i32, i32) {
    %c0_i32 = arith.constant 0 : i32
    %c0_i32_0 = arith.constant 0 : i32
    %c0_i32_1 = arith.constant 0 : i32
    return %c0_i32, %c0_i32_0 : i32, i32
  }
  func.func @transform_4(%arg0: i32) -> (i32, i32) {
    %c0_i32 = arith.constant 0 : i32
    %c0_i32_0 = arith.constant 0 : i32
    %c0_i32_1 = arith.constant 0 : i32
    return %c0_i32, %c0_i32_0 : i32, i32
  }
  func.func @transform_5(%arg0: i32) -> (i32, i32) {
    %c0_i32 = arith.constant 0 : i32
    %c0_i32_0 = arith.constant 0 : i32
    %c0_i32_1 = arith.constant 0 : i32
    return %c0_i32, %c0_i32_0 : i32, i32
  }
  func.func @transform_6(%arg0: i32) -> (i32, i32) {
    %c0_i32 = arith.constant 0 : i32
    %c0_i32_0 = arith.constant 0 : i32
    return %arg0, %c0_i32 : i32, i32
  }
}

</mosaic_0001>

<sc_bundles>
// kernel: kernel.11.cloned.1.call-start
scs
__scs_entry_jumppad:
0x0: {  	(pc) =	sbr.rel $0x88, $3  }
0x1: {  	(tag) =	ssettag $0x0;
	lr =	simm.s32 $0x1  }
0x2: {  	[smem:$0x3F97] =	sst lr;
	_ =	strace $0xD0000000  }
0x3: {  	_ = 	snop  }
0x4: {  	_ = 	snop  }
0x5: {  	_ = 	snop  }
0x6: {  	_ = 	snop  }
0x7: {  	_ = 	snop  }
__scs_overlays_trampoline_lowered:
0x8: {  	[smem:$0x3FA6] =	sst s0  }
0x9: {  	[smem:$0x3FA7] =	sst s1  }
0xa: {  	[smem:$0x3FA8] =	sst s2  }
0xb: {  	[smem:$0x3FA9] =	sst s3  }
0xc: {  	[smem:$0x3FAA] =	sst s4  }
0xd: {  	[smem:$0x3FAB] =	sst s5  }
0xe: {  	[smem:$0x3FAC] =	sst s6  }
0xf: {  	[smem:$0x3FAD] =	sst s7  }
0x10: {  	[smem:$0x3FAE] =	sst s8  }
0x11: {  	[smem:$0x3FAF] =	sst s9;
	s0 =	simm.s32 @!p0 $0x0  }
0x12: {  	s1 =	sld [smem:$0x3F95];
	s0 =	simm.s32 @p0 $0x1  }
0x13: {  	[smem:$0x3FB0] =	sst s0;
	s0 =	simm.s32 @!p1 $0x0  }
0x14: {  	s2 =	sld [smem:$0x3F94];
	s0 =	simm.s32 @p1 $0x1  }
0x15: {  	[smem:$0x3FB1] =	sst s0;
	s0 =	simm.s32 @!p2 $0x0  }
0x16: {  	s3 =	sld [smem:$0x3FDB];
	s0 =	simm.s32 @p2 $0x1  }
0x17: {  	s4 =	simm.s32 $0x1BF5;
	[smem:$0x3FB3] =	sst s0  }
0x18: {  	s0 =	sld [smem:$0x3F96];
	_ =	swait.ge [sflag:s4], $0x0  }
0x19: {  	s7 =	sld [smem:$0x3F97]  }
0x1a: {  	s8 =	sadd.s32 $0xFFFFE003, lr  }
0x1b: {  	s9 =	sadd.s32 $0xFFFFFEF7, lr;
	s5 =	simm.s32 $0xFFFFFFFF;
	p2 =	slt.u32 s8, $0xFFFFF086  }
0x1c: {  	p1 =	slt.u32 s9, $0xF7A;
	s5 =	simm.s32 @!p2 $0x0  }
0x1d: {  	s5 =	simm.s32 @p1 $0x1;
	p0 =	seq.s32 s7, s2  }
0x1e: {  	s7 =	smul.u32 @!p0 $0xF7A, s2;
	p2 =	seq.s32 @!p0 s5, $0x0  }
0x1f: {  	s9 =	smul.u32 $0xF7A, s1;
	s8 =	simm.s32 @!p0 $0x1BF5;
	p2 =	por !p2, p0  }
0x20: {  	[sflag:s8] =	ssyncset.s32 @!p0 $0xFFFFF086;
	s6 =	sadd.s32 @!p0 s3, s7;
	s7 =	simm.s32 @!p0 $0x108  }
0x21: {  	s3 =	sadd.s32 s3, s9;
	s6 =	sadd.s32 @!p0 $0x88, s6;
	s7 =	simm.s32 @p2 $0x1082  }
0x22: {  	[simem:s7], [sflag:s8] =	dma.local @!p0 [hbm:s6], $0xF7A  }
0x23: {  	s9 =	sor.u32 $0xD0000000, s2;
	s6 =	simm.s32 $0x108;
	_ =	swait.ge @!p0 [sflag:s8], $0x0  }
0x24: {  	s3 =	sadd.s32 $0x88, s3;
	s6 =	simm.s32 @!p1 $0x1082;
	[sflag:s4] =	ssyncset.s32 $0xFFFFF086  }
0x25: {  	[simem:s6], [sflag:s4] =	dma.local [hbm:s3], $0xF7A  }
0x26: {  	[smem:$0x3F97] =	sst s1;
	(tag) =	ssettag s2;
	_ =	strace s9  }
0x27: {  	s1 =	sld [smem:$0x3FA7]  }
0x28: {  	s2 =	sld [smem:$0x3FA8]  }
0x29: {  	s4 =	sld [smem:$0x3FAA]  }
0x2a: {  	p0 =	seq.s32 s5, $0x0;
	s5 =	sld [smem:$0x3FAB]  }
0x2b: {  	s6 =	sld [smem:$0x3FAC]  }
0x2c: {  	s7 =	sld [smem:$0x3FAD]  }
0x2d: {  	s3 =	simm.s32 $0x108;
	s8 =	sld [smem:$0x3FAE]  }
0x2e: {  	s3 =	simm.s32 @!p0 $0x1082;
	s9 =	sld [smem:$0x3FAF]  }
0x2f: {  	lr =	sadd.s32 s0, s3;
	s0 =	sld [smem:$0x3FA6]  }
0x30: {  	s3 =	sld [smem:$0x3FA9]  }
0x31: {  	[smem:$0x3FB2] =	sst s10  }
0x32: {  	s10 =	sld [smem:$0x3FB0];
	_ =	sdelay $0x3  }
0x33: {  	p0 =	seq.s32 s10, $0x1;
	s10 =	sld [smem:$0x3FB2];
	_ =	sdelay $0x3  }
0x34: {  	[smem:$0x3FB2] =	sst s10  }
0x35: {  	s10 =	sld [smem:$0x3FB1];
	_ =	sdelay $0x3  }
0x36: {  	p1 =	seq.s32 s10, $0x1;
	s10 =	sld [smem:$0x3FB2];
	_ =	sdelay $0x3  }
0x37: {  	[smem:$0x3FB2] =	sst s10  }
0x38: {  	s10 =	sld [smem:$0x3FB3]  }
0x39: {  	_ = 	snop;
	(pc) =	sbr.ind lr, $3  }
0x3a: {  	_ = 	snop  }
0x3b: {  	_ = 	snop  }
0x3c: {  	p2 =	seq.s32 s10, $0x1;
	s10 =	sld [smem:$0x3FB2]  }
0x3d: {  	_ =	shalt  }
0x3e: {  	_ =	shalt  }
0x3f: {  	_ =	shalt  }
0x40: {  	_ =	shalt  }
0x41: {  	_ =	shalt  }
0x42: {  	_ =	shalt  }
0x43: {  	_ =	shalt  }
0x44: {  	_ =	shalt  }
0x45: {  	_ =	shalt  }
0x46: {  	_ =	shalt  }
0x47: {  	_ =	shalt  }
0x48: {  	_ =	shalt  }
0x49: {  	_ =	shalt  }
0x4a: {  	_ =	shalt  }
0x4b: {  	_ =	shalt  }
0x4c: {  	_ =	shalt  }
0x4d: {  	_ =	shalt  }
0x4e: {  	_ =	shalt  }
0x4f: {  	_ =	shalt  }
0x50: {  	_ =	shalt  }
0x51: {  	_ =	shalt  }
0x52: {  	_ =	shalt  }
0x53: {  	_ =	shalt  }
0x54: {  	_ =	shalt  }
0x55: {  	_ =	shalt  }
0x56: {  	_ =	shalt  }
0x57: {  	_ =	shalt  }
0x58: {  	_ =	shalt  }
0x59: {  	_ =	shalt  }
0x5a: {  	_ =	shalt  }
0x5b: {  	_ =	shalt  }
0x5c: {  	_ =	shalt  }
0x5d: {  	_ =	shalt  }
0x5e: {  	_ =	shalt  }
0x5f: {  	_ =	shalt  }
0x60: {  	_ =	shalt  }
0x61: {  	_ =	shalt  }
0x62: {  	_ =	shalt  }
0x63: {  	_ =	shalt  }
0x64: {  	_ =	shalt  }
0x65: {  	_ =	shalt  }
0x66: {  	_ =	shalt  }
0x67: {  	_ =	shalt  }
0x68: {  	_ =	shalt  }
0x69: {  	_ =	shalt  }
0x6a: {  	_ =	shalt  }
0x6b: {  	_ =	shalt  }
0x6c: {  	_ =	shalt  }
0x6d: {  	_ =	shalt  }
0x6e: {  	_ =	shalt  }
0x6f: {  	_ =	shalt  }
0x70: {  	_ =	shalt  }
0x71: {  	_ =	shalt  }
0x72: {  	_ =	shalt  }
0x73: {  	_ =	shalt  }
0x74: {  	_ =	shalt  }
0x75: {  	_ =	shalt  }
0x76: {  	_ =	shalt  }
0x77: {  	_ =	shalt  }
0x78: {  	_ =	shalt  }
0x79: {  	_ =	shalt  }
0x7a: {  	_ =	shalt  }
0x7b: {  	_ =	shalt  }
0x7c: {  	_ =	shalt  }
0x7d: {  	_ =	shalt  }
0x7e: {  	_ =	shalt  }
0x7f: {  	_ =	shalt  }
0x80: {  	_ =	shalt  }
0x81: {  	_ =	shalt  }
0x82: {  	_ =	shalt  }
0x83: {  	_ =	shalt  }
0x84: {  	_ =	shalt  }
0x85: {  	_ =	shalt  }
0x86: {  	_ =	shalt  }
0x87: {  	_ =	shalt  }
.Lfunc_end0:
.L_simem_size_0:
called_computation.1_lowered:
.L_overlay_start_0:
0x88: {  	s2 =	sld [smem:$0x3FD9]  }
0x89: {  	s3 =	sld [smem:$0x3FFE];
	_ =	sdelay $0x1  }
0x8a: {  	s1 =	srdreg.scid  }
0x8b: {  	s0 =	sand.u32 $0x1, s1  }
0x8c: {  	s16 =	sshll.u32 s0, $0xA;
	s2 =	sadd.s32 s3, s2  }
0x8d: {  	s2 =	sadd.s32 s2, s16  }
0x8e: {  	[smem:$0x3FBE] =	sst s2  }
0x8f: {  	_ = 	snop  }
0x90: {  	(tm) =	ssettm $0x1  }
0x91: {  	s17 =	sld [smem:$0x3FFB];
	_ =	sdelay $0x3  }
0x92: {  	_ =	strace s17  }
0x93: {  	s2 =	sld [smem:$0x3FFC];
	_ =	sdelay $0x3  }
0x94: {  	_ =	strace s2  }
0x95: {  	s2 =	sld [smem:$0x3FFD];
	_ =	sdelay $0x3  }
0x96: {  	_ =	strace s2  }
0x97: {  	_ =	strace $0x8FFFFFFF  }
0x98: {  	s18 =	sld [smem:$0x3FDB];
	_ =	sdelay $0x1  }
0x99: {  	s19 =	simm.s32 $_scs_section_size  }
0x9a: {  	s4 =	simm.s32 $_size__tile_overlayer_lowered;
	s5 =	simm.s32 $_tile_overlayer_lowered  }
0x9b: {  	s22 =	simm.s32 $0x1BFF;
	s21 =	sshll.u32 s5, $0x1;
	s2 =	sadd.s32 s19, s18  }
0x9c: {  	s6 =	simm.s32 $0x0;
	s20 =	sshll.u32 s4, $0x1;
	s4 =	sadd.s32 s21, s2  }
0x9d: {  	[timem:s6], [sflag:s22] =	dma.local [hbm:s4], s20  }
0x9e: {  	_ =	swait.ge [sflag:s22], s20  }
0x9f: {  	s3 =	ssub.s32 $0x0, s20;
	[sflag:s22] =	ssyncset.done $0x0  }
0xa0: {  	[sflag:s22] =	ssyncadd.s32 s3;
	_ =	sdelay $0x1  }
0xa1: {  	s23 =	simm.s32 $0x1B8B  }
0xa2: {  	_ =	swait.ge [sflag:s23], $0x1  }
0xa3: {  	[sflag:s23] =	ssyncset.done $0x0  }
0xa4: {  	s25 =	simm.s32 $0x1B8E;
	s24 =	sld [smem:$0x3FFE];
	[sflag:s23] =	ssyncadd.s32 $0xFFFFFFFF  }
0xa5: {  	s26 =	simm.s32 $execute0_lowered;
	[smem:$0x3FD2] =	sst s25  }
0xa6: {  	s4 =	sshll.u32 s26, $0x1;
	_ =	strace $0x80000046;
	[dreg:$0x1] =	wrdreg $0xFFFFFFFF  }
0xa7: {  	s28 =	simm.s32 $_size_execute0_lowered;
	s2 =	sadd.s32 s2, s4;
	[dreg:$0x0] =	wrdreg $0x0  }
0xa8: {  	s4 =	sshll.u32 s28, $0x1;
	[dreg:$0x2] =	wrdreg s2  }
0xa9: {  	[dreg:$0x3] =	wrdreg s4  }
0xaa: {  	[dreg:$0x4] =	wrdreg $0xC0  }
0xab: {  	_ =	task [dreg:s6], $0x5FFFF  }
0xac: {  	[dreg:$0x1] =	wrdreg $0xFFFFFFFF  }
0xad: {  	[dreg:$0x0] =	wrdreg $0x60  }
0xae: {  	[dreg:$0x2] =	wrdreg s24  }
0xaf: {  	[dreg:$0x3] =	wrdreg $0x120000  }
0xb0: {  	[dreg:$0x4] =	wrdreg $0xA  }
0xb1: {  	_ =	task.clear_ibuf [dreg:s6], $0x5FFFF;
	_ =	strace $0x90000046  }
0xb2: {  	s29 =	simm.s32 $0xA;
	_ =	strace $0x80000048  }
0xb3: {  	_ =	swait.ge [sflag:s29], $0x1  }
0xb4: {  	[sflag:s29] =	ssyncadd.s32 $0xFFFFFFFF  }
0xb5: {  	_ =	strace $0x90000048  }
0xb6: {  	_ =	sfence  }
0xb7: {  	s30 =	sld [smem:$0x0];
	_ =	sdelay $0x2  }
0xb8: {  	s31 =	sshll.u32 s1, $0xD;
	s1 =	sshrl.u32 s1, $0x2  }
0xb9: {  	s3 =	sand.u32 $0x4000, s31;
	s1 =	sadd.s32 s1, s30  }
0xba: {  	s0 =	sor.u32 s3, s0;
	s1 =	sshll.u32 s1, $0x11  }
0xbb: {  	s0 =	sor.u32 s1, s0  }
0xbc: {  	s0 =	sadd.s32 $0x8F2B, s0  }
0xbd: {  	[sflag:s0] =	ssyncadd.remote.s32 $0x1  }
0xbe: {  	_ =	sfence.sel $0xFFFF  }
0xbf: {  	[dreg:$0x0] =	wrdreg $0xFFFFFFFF;
	(pc) =	sbr.abs _section_cstart, $3  }
0xc0: {  	[dreg:$0x1] =	wrdreg $0xFFFFFFFF  }
0xc1: {  	_ =	task.clear_ibuf [dreg:s6], $0x2FFFF;
	_ =	strace $0x9FFFFFFF  }
0xc2: {  	(tm) =	ssettm $0x7FFFFFFF  }
0xc3: {  	_ =	shalt  }
tec
execute0_lowered:
.L_overlay_start_1:
0x0: {  	(tag) =	ssettag $0x1  }
0x1: {  	s0 =	rddreg [dreg:$0x0]  }
0x2: {  	s2 =	rddreg [dreg:$0x1];
	s4 =	simm.s32 $0x0;
	s1 =	srdreg.scid  }
0x3: {  	s7 =	stileid.u32;
	s17 =	simm.s32 $0x10400;
	s18 =	simm.s32 $0x9  }
0x4: {  	s19 =	simm.s32 $0x1;
	s20 =	simm.s32 $0x2;
	s21 =	simm.s32 $0x80  }
0x5: {  	s28 =	simm.s32 $0xDC00;
	s1 =	sand.u32 $0x1, s1;
	s5 =	smul.u32 $0xC400, s7  }
0x6: {  	s3 =	sshll.u32 s7, $0x1;
	[smem:$0x7FF] =	sst s4;
	s7 =	smul.u32 $0x31000, s7  }
0x7: {  	s4 =	sadd.s32 $0x24BA00, s0;
	s3 =	sor.u32 s1, s3;
	s6 =	smul.u32 $0xC4000, s1  }
0x8: {  	_ =	strace $0x80000047;
	s1 =	ssub.s32 $0x2, s1;
	s3 =	smul.u32 $0xC40, s3  }
0x9: {  	s22 =	sshrl.u32 s1, $0x1;
	s7 =	sshrl.u32 s7, $0x2;
	s6 =	sadd.s32 s5, s6  }
0xa: {  	s1 =	ssub.s32 s1, s22;
	s24 =	sadd.s32 s7, s2;
	s7 =	sadd.s32 s5, s2  }
0xb: {  	s5 =	simm.s32 $0x6200;
	s22 =	simm.s32 $0xC400;
	s3 =	sadd.s32 s3, s0  }
0xc: {  	s6 =	sshrl.u32 s6, $0x3;
	s25 =	sadd.s32 $0x1C00, s24;
	s26 =	sadd.s32 $0x3800, s24  }
0xd: {  	s29 =	sadd.s32 $0x5400, s24;
	s30 =	sadd.s32 $0x7000, s24;
	[dreg:$0x5] =	wrdreg s25  }
0xe: {  	s31 =	sadd.s32 $0x8C00, s24;
	s13 =	sadd.s32 $0xA800, s24;
	[dreg:$0x6] =	wrdreg s26  }
0xf: {  	s15 =	smax.u32 s1, $0x1;
	s1 =	simm.s32 $0x5;
	[dreg:$0x7] =	wrdreg s29  }
0x10: {  	s24 =	simm.s32 $0x6;
	s0 =	sadd.s32 s6, s0;
	[dreg:$0x8] =	wrdreg s30  }
0x11: {  	s23 =	sadd.s32 $0x1A200, s3;
	s3 =	sadd.s32 $0x1A00, s3;
	[dreg:$0x9] =	wrdreg s31  }
0x12: {  	s25 =	simm.s32 $0xD400;
	s26 =	simm.s32 $0x0;
	[dreg:$0x3] =	wrdreg s23  }
0x13: {  	v0 =	vimm.f32 $0.0e+00;
	[dreg:$0x4] =	wrdreg s3;
	s14 =	sadd.s32 $0x32A00, s0;
	s23 =	simm.s32 $0xCC00  }
.LBB2_1:
0x14: {  	s0 =	simm.s32 $0x0;
	s3 =	rddreg [dreg:$0x3]  }
0x15: {  	[tilespmem:s0], [sflag:$0x1] =	stream.linear.gather [hbm4b:s3+s0], $0x6200, $0x38;
	[tilespmem:$0x1E400] =	vst v63  }
0x16: {  	s31 =	rddreg [dreg:$0x4]  }
0x17: {  	[tilespmem:s5], [sflag:$0x2] =	stream.linear.gather [hbm4b:s31+s0], $0x6200, $0x38;
	[tilespmem:$0x1E400] =	vst v63  }
0x18: {  	s3 =	simm.s32 $0x0;
	s0 =	simm.s32 $0x40  }
.LBB2_2:
0x19: {  	p0 =	sne.s32 s0, $0x6FC0;
	[tilespmem:s3+$0x10400] =	vst v0;
	s3 =	smov.u32 s0;
	s0 =	sadd.s32 $0x40, s0  }
.Ltmp0:
0x1a: {  	(pc) =	sbr.rel @p0 .LBB2_2-.Ltmp0, $2  }
0x1b: {  	_ =	sdelay $0x2  }
0x1c: {  	s3 =	sshra.s32 s3, $0x2  }
0x1d: {  	[tilespmem:s3+$0x10400] =	vst v0  }
0x1e: {  	[spmem:s7] =	stream.linear.scatter [tilespmem:s17], [sflag:$0x9], $0x1C00, $0x38;
	[tilespmem:$0x1E400] =	vst v63  }
0x1f: {  	_ =	swait.ge [sflag:s18], $0x1C00  }
0x20: {  	[sflag:s18] =	ssyncset.done $0x0  }
0x21: {  	s0 =	rddreg [dreg:$0x5];
	[sflag:s18] =	ssyncadd.s32 $0xFFFFE400  }
0x22: {  	[spmem:s0] =	stream.linear.scatter [tilespmem:s17], [sflag:$0x9], $0x1C00, $0x38;
	[tilespmem:$0x1E400] =	vst v63  }
0x23: {  	_ =	swait.ge [sflag:s18], $0x1C00  }
0x24: {  	[sflag:s18] =	ssyncset.done $0x0  }
0x25: {  	s8 =	rddreg [dreg:$0x6];
	[sflag:s18] =	ssyncadd.s32 $0xFFFFE400  }
0x26: {  	[spmem:s8] =	stream.linear.scatter [tilespmem:s17], [sflag:$0x9], $0x1C00, $0x38;
	[tilespmem:$0x1E400] =	vst v63  }
0x27: {  	_ =	swait.ge [sflag:s18], $0x1C00  }
0x28: {  	[sflag:s18] =	ssyncset.done $0x0  }
0x29: {  	s9 =	rddreg [dreg:$0x7];
	[sflag:s18] =	ssyncadd.s32 $0xFFFFE400  }
0x2a: {  	[spmem:s9] =	stream.linear.scatter [tilespmem:s17], [sflag:$0x9], $0x1C00, $0x38;
	[tilespmem:$0x1E400] =	vst v63  }
0x2b: {  	_ =	swait.ge [sflag:s18], $0x1C00  }
0x2c: {  	[sflag:s18] =	ssyncset.done $0x0  }
0x2d: {  	s10 =	rddreg [dreg:$0x8];
	[sflag:s18] =	ssyncadd.s32 $0xFFFFE400  }
0x2e: {  	[spmem:s10] =	stream.linear.scatter [tilespmem:s17], [sflag:$0x9], $0x1C00, $0x38;
	[tilespmem:$0x1E400] =	vst v63  }
0x2f: {  	_ =	swait.ge [sflag:s18], $0x1C00  }
0x30: {  	[sflag:s18] =	ssyncset.done $0x0  }
0x31: {  	s11 =	rddreg [dreg:$0x9];
	[sflag:s18] =	ssyncadd.s32 $0xFFFFE400  }
0x32: {  	[spmem:s11] =	stream.linear.scatter [tilespmem:s17], [sflag:$0x9], $0x1C00, $0x38;
	[tilespmem:$0x1E400] =	vst v63  }
0x33: {  	_ =	swait.ge [sflag:s18], $0x1C00  }
0x34: {  	[sflag:s18] =	ssyncset.done $0x0  }
0x35: {  	[sflag:s18] =	ssyncadd.s32 $0xFFFFE400  }
0x36: {  	[spmem:s13] =	stream.linear.scatter [tilespmem:s17], [sflag:$0x9], $0x1C00, $0x38;
	[tilespmem:$0x1E400] =	vst v63  }
0x37: {  	_ =	swait.ge [sflag:s18], $0x1C00  }
0x38: {  	[sflag:s18] =	ssyncset.done $0x0  }
0x39: {  	[sflag:s18] =	ssyncadd.s32 $0xFFFFE400  }
0x3a: {  	_ =	swait.ge [sflag:s19], $0x6200  }
0x3b: {  	[sflag:s19] =	ssyncset.done $0x0  }
0x3c: {  	[sflag:s19] =	ssyncadd.s32 $0xFFFF9E00  }
0x3d: {  	_ =	swait.ge [sflag:s20], $0x6200  }
0x3e: {  	[sflag:s20] =	ssyncset.done $0x0  }
0x3f: {  	[sflag:s20] =	ssyncadd.s32 $0xFFFF9E00  }
0x40: {  	s12 =	simm.s32 $0x0;
	[bflag:$0x0] =	sbarrier.arrive $0xFFFF  }
0x41: {  	[tilespmem:s22], [sflag:$0x1] =	stream.indirect.gather [hbm4b:s4+s21], $0x10, s12, s21, $0xb8;
	[tilespmem:$0x1E400] =	vst v63  }
0x42: {  	_ = 	snop  }
0x43: {  	[tilespmem:s23], [sflag:$0x1] =	stream.indirect.gather [hbm4b:s4+s21], $0x10, s21, s21, $0xb8;
	[tilespmem:$0x1E400] =	vst v63  }
0x44: {  	s16 =	simm.s32 $0x100  }
0x45: {  	[tilespmem:s25], [sflag:$0x2] =	stream.indirect.gather [hbm4b:s4+s21], $0x10, s16, s21, $0xb8;
	[tilespmem:$0x1E400] =	vst v63  }
0x46: {  	s3 =	simm.s32 $0x180  }
0x47: {  	[tilespmem:s28], [sflag:$0x2] =	stream.indirect.gather [hbm4b:s4+s21], $0x10, s3, s21, $0xb8;
	[tilespmem:$0x1E400] =	vst v63  }
0x48: {  	_ =	swait.ge [sflag:s19], $0x800  }
0x49: {  	[sflag:s19] =	ssyncset.done $0x0  }
0x4a: {  	[sflag:s19] =	ssyncadd.s32 $0xFFFFF800  }
0x4b: {  	_ =	swait.ge [sflag:s19], $0x800  }
0x4c: {  	[sflag:s19] =	ssyncset.done $0x0  }
0x4d: {  	[sflag:s19] =	ssyncadd.s32 $0xFFFFF800  }
0x4e: {  	[spmem:s2] =	stream.indirect.scatter.add.f32 [tilespmem:s22], [sflag:$0x5], $0x10, s5, s21, $0xb8;
	[tilespmem:$0x1E400] =	vst v63  }
0x4f: {  	s6 =	simm.s32 $0x6280  }
0x50: {  	[spmem:s2] =	stream.indirect.scatter.add.f32 [tilespmem:s23], [sflag:$0x5], $0x10, s6, s21, $0xb8;
	[tilespmem:$0x1E400] =	vst v63  }
0x51: {  	s8 =	simm.s32 $0x200;
	s9 =	simm.s32 $0xE400  }
0x52: {  	[tilespmem:s9], [sflag:$0x3] =	stream.indirect.gather [hbm4b:s4+s21], $0x10, s8, s21, $0xb8;
	[tilespmem:$0x1E400] =	vst v63  }
0x53: {  	s10 =	simm.s32 $0x280;
	s11 =	simm.s32 $0xEC00  }
0x54: {  	[tilespmem:s11], [sflag:$0x3] =	stream.indirect.gather [hbm4b:s4+s21], $0x10, s10, s21, $0xb8;
	[tilespmem:$0x1E400] =	vst v63  }
0x55: {  	_ =	swait.ge [sflag:s20], $0x800  }
0x56: {  	[sflag:s20] =	ssyncset.done $0x0  }
0x57: {  	[sflag:s20] =	ssyncadd.s32 $0xFFFFF800  }
0x58: {  	_ =	swait.ge [sflag:s20], $0x800  }
0x59: {  	[sflag:s20] =	ssyncset.done $0x0  }
0x5a: {  	s12 =	simm.s32 $0x6300;
	[sflag:s20] =	ssyncadd.s32 $0xFFFFF800  }
0x5b: {  	[spmem:s2] =	stream.indirect.scatter.add.f32 [tilespmem:s25], [sflag:$0x6], $0x10, s12, s21, $0xb8;
	[tilespmem:$0x1E400] =	vst v63  }
0x5c: {  	s16 =	simm.s32 $0x6380;
	s9 =	simm.s32 $0x2  }
0x5d: {  	[spmem:s2] =	stream.indirect.scatter.add.f32 [tilespmem:s28], [sflag:$0x6], $0x10, s16, s21, $0xb8;
	[tilespmem:$0x1E400] =	vst v63  }
0x5e: {  	s3 =	simm.s32 $0x300;
	s5 =	simm.s32 $0xF400;
	s0 =	sand.u32 $0x3, s9  }
0x5f: {  	[tilespmem:s5], [sflag:$0x4] =	stream.indirect.gather [hbm4b:s4+s21], $0x10, s3, s21, $0xb8;
	[tilespmem:$0x1E400] =	vst v63  }
0x60: {  	s6 =	simm.s32 $0x380;
	s8 =	simm.s32 $0xFC00;
	s10 =	sadd.s32 $0x1, s0  }
0x61: {  	[tilespmem:s8], [sflag:$0x4] =	stream.indirect.gather [hbm4b:s4+s21], $0x10, s6, s21, $0xb8;
	[tilespmem:$0x1E400] =	vst v63  }
0x62: {  	_ =	swait.ge [sflag:s10], $0x800  }
0x63: {  	[sflag:s10] =	ssyncset.done $0x0  }
0x64: {  	[sflag:s10] =	ssyncadd.s32 $0xFFFFF800  }
0x65: {  	s9 =	simm.s32 $0x6400;
	_ =	swait.ge [sflag:s10], $0x800  }
0x66: {  	s11 =	simm.s32 $0x4;
	s6 =	sshll.u32 s0, $0xC;
	[sflag:s10] =	ssyncset.done $0x0  }
0x67: {  	s0 =	sadd.s32 $0x5, s0;
	s8 =	sor.u32 $0xC400, s6;
	[sflag:s10] =	ssyncadd.s32 $0xFFFFF800  }
0x68: {  	[spmem:s2] =	stream.indirect.scatter.add.f32 [tilespmem:s8], [sflag:s0], $0x10, s9, s21, $0xb8;
	[tilespmem:$0x1E400] =	vst v63  }
0x69: {  	s29 =	simm.s32 $0x400;
	p0 =	por $0x0, $0x0;
	s9 =	sand.u32 $0x3, s11  }
0x6a: {  	s16 =	simm.s32 $0x6480;
	s12 =	sor.u32 $0xCC00, s6;
	s5 =	sadd.s32 $0x5, s9  }
0x6b: {  	[spmem:s2] =	stream.indirect.scatter.add.f32 [tilespmem:s12], [sflag:s0], $0x10, s16, s21, $0xb8;
	[tilespmem:$0x1E400] =	vst v63  }
0x6c: {  	s30 =	simm.s32 $0x5;
	s31 =	simm.s32 $0x3;
	_ =	swait.ge [sflag:s5], $0x800  }
0x6d: {  	s3 =	sand.u32 $0x3, s31;
	s10 =	simm.s32 @!p0 $0x400;
	[sflag:s5] =	ssyncset.done $0x0  }
0x6e: {  	s8 =	sshll.u32 @!p0 s9, $0xC;
	s6 =	sadd.s32 @!p0 $0x1, s9;
	[sflag:s5] =	ssyncadd.s32 $0xFFFFF800  }
0x6f: {  	s9 =	simm.s32 @!p0 $0x0;
	s0 =	simm.s32 $0x800;
	_ =	swait.ge [sflag:s5], $0x800  }
.LBB2_4:
0x70: {  	[sflag:s5] =	ssyncset.done $0x0;
	s11 =	sor.u32 @!p0 $0xC400, s8  }
0x71: {  	s16 =	simm.s32 @!p0 $0x80;
	s12 =	smov.u32 s29;
	s29 =	smov.u32 s0  }
0x72: {  	[sflag:s5] =	ssyncadd.s32 $0xFFFFF800;
	s5 =	sor.u32 @!p0 $0xCC00, s8;
	s8 =	sadd.s32 @!p0 $0x480, s9  }
0x73: {  	[tilespmem:s11], [sflag:s6] =	stream.indirect.gather @!p0 [hbm4b:s4+s16], $0x10, s10, s16, $0xb8;
	[tilespmem:$0x1E400] =	vst v63  }
0x74: {  	s0 =	sadd.s32 $0x400, s0;
	s9 =	sadd.s32 $0x1, s3  }
0x75: {  	[tilespmem:s5], [sflag:s6] =	stream.indirect.gather @!p0 [hbm4b:s4+s16], $0x10, s8, s16, $0xb8;
	[tilespmem:$0x1E400] =	vst v63  }
0x76: {  	p1 =	sne.s32 s0, $0x18000;
	_ =	swait.ge [sflag:s9], $0x800  }
0x77: {  	s5 =	sshll.u32 s3, $0xC;
	[sflag:s9] =	ssyncset.done $0x0  }
0x78: {  	s6 =	sshra.s32 s12, $0x2;
	s3 =	sadd.s32 $0x5, s3;
	[sflag:s9] =	ssyncadd.s32 $0xFFFFF800  }
0x79: {  	s8 =	sor.u32 $0xC400, s5;
	s10 =	sadd.s32 $0x6400, s6;
	_ =	swait.ge [sflag:s9], $0x800  }
0x7a: {  	[sflag:s9] =	ssyncset.done $0x0  }
0x7b: {  	s5 =	sor.u32 $0xCC00, s5;
	s6 =	sadd.s32 $0x6480, s6;
	[sflag:s9] =	ssyncadd.s32 $0xFFFFF800  }
0x7c: {  	[spmem:s2] =	stream.indirect.scatter.add.f32 [tilespmem:s8], [sflag:s3], $0x10, s10, s21, $0xb8;
	[tilespmem:$0x1E400] =	vst v63  }
0x7d: {  	s9 =	sand.u32 $0x3, s30  }
0x7e: {  	[spmem:s2] =	stream.indirect.scatter.add.f32 [tilespmem:s5], [sflag:s3], $0x10, s6, s21, $0xb8;
	[tilespmem:$0x1E400] =	vst v63  }
.Ltmp1:
0x7f: {  	s5 =	sadd.s32 $0x5, s9;
	(pc) =	sbr.rel @p1 .LBB2_4-.Ltmp1, $4  }
0x80: {  	p0 =	sgt.u32 s31, $0x5F;
	s30 =	sadd.s32 $0x1, s30;
	_ =	swait.ge [sflag:s5], $0x800  }
0x81: {  	s8 =	sshll.u32 @!p0 s9, $0xC;
	s6 =	sadd.s32 @!p0 $0x1, s9;
	[sflag:s5] =	ssyncset.done $0x0  }
0x82: {  	s31 =	sadd.s32 $0xFFFFFFFE, s30;
	s9 =	sshra.s32 @!p0 s12, $0x2;
	[sflag:s5] =	ssyncadd.s32 $0xFFFFF800  }
0x83: {  	s3 =	sand.u32 $0x3, s31;
	s10 =	sadd.s32 @!p0 $0x400, s9;
	_ =	swait.ge [sflag:s5], $0x800  }
0x84: {  	[sflag:s5] =	ssyncset.done $0x0  }
0x85: {  	s0 =	sor.u32 @!p0 $0xC400, s8;
	s11 =	simm.s32 @!p0 $0x80;
	[sflag:s5] =	ssyncadd.s32 $0xFFFFF800  }
0x86: {  	[tilespmem:s0], [sflag:s6] =	stream.indirect.gather @!p0 [hbm4b:s4+s11], $0x10, s10, s11, $0xb8;
	[tilespmem:$0x1E400] =	vst v63  }
0x87: {  	s5 =	sadd.s32 @!p0 $0x480, s9;
	s9 =	sadd.s32 $0x1, s3;
	s0 =	sor.u32 @!p0 $0xCC00, s8  }
0x88: {  	[tilespmem:s0], [sflag:s6] =	stream.indirect.gather @!p0 [hbm4b:s4+s11], $0x10, s5, s11, $0xb8;
	[tilespmem:$0x1E400] =	vst v63  }
0x89: {  	_ =	swait.ge [sflag:s9], $0x800  }
0x8a: {  	[sflag:s9] =	ssyncset.done $0x0  }
0x8b: {  	s16 =	sshra.s32 s29, $0x2;
	[sflag:s9] =	ssyncadd.s32 $0xFFFFF800  }
0x8c: {  	s12 =	sadd.s32 $0x6400, s16;
	_ =	swait.ge [sflag:s9], $0x800  }
0x8d: {  	s10 =	sadd.s32 $0x5, s3;
	s5 =	sshll.u32 s3, $0xC;
	[sflag:s9] =	ssyncset.done $0x0  }
0x8e: {  	s6 =	sand.u32 $0x3, s30;
	s11 =	sor.u32 $0xC400, s5;
	[sflag:s9] =	ssyncadd.s32 $0xFFFFF800  }
0x8f: {  	[spmem:s2] =	stream.indirect.scatter.add.f32 [tilespmem:s11], [sflag:s10], $0x10, s12, s21, $0xb8;
	[tilespmem:$0x1E400] =	vst v63  }
0x90: {  	s0 =	sor.u32 $0xCC00, s5;
	s5 =	sadd.s32 $0x6480, s16;
	s16 =	sadd.s32 $0x5, s6  }
0x91: {  	[spmem:s2] =	stream.indirect.scatter.add.f32 [tilespmem:s0], [sflag:s10], $0x10, s5, s21, $0xb8;
	[tilespmem:$0x1E400] =	vst v63  }
0x92: {  	_ =	swait.ge [sflag:s16], $0x800  }
0x93: {  	[sflag:s16] =	ssyncset.done $0x0  }
0x94: {  	p0 =	sgt.u32 s31, $0x5F;
	[sflag:s16] =	ssyncadd.s32 $0xFFFFF800  }
0x95: {  	s3 =	sshll.u32 @!p0 s6, $0xC;
	s6 =	sadd.s32 @!p0 $0x1, s6;
	_ =	swait.ge [sflag:s16], $0x800  }
0x96: {  	s9 =	sor.u32 @!p0 $0xC400, s3;
	s5 =	sshra.s32 @!p0 s29, $0x2;
	[sflag:s16] =	ssyncset.done $0x0  }
0x97: {  	s10 =	simm.s32 @!p0 $0x80;
	s8 =	sadd.s32 @!p0 $0x400, s5;
	[sflag:s16] =	ssyncadd.s32 $0xFFFFF800  }
0x98: {  	[tilespmem:s9], [sflag:s6] =	stream.indirect.gather @!p0 [hbm4b:s4+s10], $0x10, s8, s10, $0xb8;
	[tilespmem:$0x1E400] =	vst v63  }
0x99: {  	s0 =	sor.u32 @!p0 $0xCC00, s3;
	s3 =	sadd.s32 @!p0 $0x480, s5  }
0x9a: {  	[tilespmem:s0], [sflag:s6] =	stream.indirect.gather @!p0 [hbm4b:s4+s10], $0x10, s3, s10, $0xb8;
	[tilespmem:$0x1E400] =	vst v63  }
0x9b: {  	_ =	swait.ge [sflag:s1], $0x800  }
0x9c: {  	[sflag:s1] =	ssyncset.done $0x0  }
0x9d: {  	[sflag:s1] =	ssyncadd.s32 $0xFFFFF800  }
0x9e: {  	_ =	swait.ge [sflag:s1], $0x800  }
0x9f: {  	[sflag:s1] =	ssyncset.done $0x0  }
0xa0: {  	[sflag:s1] =	ssyncadd.s32 $0xFFFFF800  }
0xa1: {  	_ =	swait.ge [sflag:s24], $0x800  }
0xa2: {  	[sflag:s24] =	ssyncset.done $0x0  }
0xa3: {  	[sflag:s24] =	ssyncadd.s32 $0xFFFFF800  }
0xa4: {  	s26 =	sadd.s32 $0x1, s26;
	_ =	swait.ge [sflag:s24], $0x800  }
0xa5: {  	s30 =	stileid.u32;
	s31 =	sshrl.u32 s7, $0x3;
	[sflag:s24] =	ssyncset.done $0x0  }
0xa6: {  	s0 =	sshll.u32 s30, $0x6;
	p0 =	sne.s32 s26, s15;
	[sflag:s24] =	ssyncadd.s32 $0xFFFFF800  }
.Ltmp2:
0xa7: {  	s0 =	sor.u32 $0x1C09, s0;
	[bflag:$0x0] =	sbarrier.arrive $0xFFFF;
	(pc) =	sbr.rel @p0 .LBB2_1-.Ltmp2, $4  }
0xa8: {  	[hbm:s14], [sflag:s0] =	dma.local [spmem:s31], $0x1880  }
0xa9: {  	_ =	swait.ge [sflag:s18], $0x1880  }
0xaa: {  	[sflag:s18] =	ssyncset.done $0x0  }
0xab: {  	s5 =	simm.s32 $0x6200;
	[sflag:s18] =	ssyncadd.s32 $0xFFFFE780  }
0xac: {  	_ =	sfence.sel $0x180000  }
0xad: {  	[bflag:$0x0] =	sbarrier.arrive $0xFFFF  }
0xae: {  	_ =	strace $0x90000047  }
0xaf: {  	s0 =	stileid.u32;
	[bflag:$0x2] =	sbarrier.arrive $0xFFFF  }
0xb0: {  	p0 =	sne.s32 s0, $0x0;
	s0 =	rddreg [dreg:$0x2]  }
0xb1: {  	s0 =	sadd.s32 @!p0 $0x100000, s0  }
0xb2: {  	[sflag:s0] =	ssyncadd.tile.s32 @!p0 $0x1;
	_ =	shalt  }
.Lfunc_end2:
_tile_overlayer_lowered:
.L_overlay_start_2:
0xb3: {  	(tag) =	ssettag $0x2  }
0xb4: {  	s0 =	rddreg [dreg:$0x0];
	s2 =	stileid.u32  }
0xb5: {  	s1 =	rddreg [dreg:$0x1];
	p0 =	sne.s32 s2, $0x0  }
0xb6: {  	s3 =	rddreg [dreg:$0x2];
	[bflag:$0x3] =	sbarrier.arrive $0xFFFF;
	s2 =	simm.s32 @!p0 $0x1C09  }
0xb7: {  	[timem:s3], [sflag:s2] =	dma.local @!p0 [hbm:s0], s1  }
0xb8: {  	s0 =	simm.s32 @!p0 $0x9  }
0xb9: {  	_ =	swait.ge @!p0 [sflag:s0], s1  }
0xba: {  	s1 =	ssub.s32 @!p0 $0x0, s1;
	[sflag:s0] =	ssyncset.done @!p0 $0x0  }
0xbb: {  	[sflag:s0] =	ssyncadd.s32 @!p0 s1  }
0xbc: {  	[bflag:$0x3] =	sbarrier.arrive $0xFFFF  }
0xbd: {  	_ =	shalt  }

// kernel: kernel.14.cloned.1.call-start
scs
__scs_entry_jumppad:
0x0: {  	(pc) =	sbr.rel $0x88, $3  }
0x1: {  	(tag) =	ssettag $0x0;
	lr =	simm.s32 $0x1  }
0x2: {  	[smem:$0x3F97] =	sst lr;
	_ =	strace $0xD0000000  }
0x3: {  	_ = 	snop  }
0x4: {  	_ = 	snop  }
0x5: {  	_ = 	snop  }
0x6: {  	_ = 	snop  }
0x7: {  	_ = 	snop  }
__scs_overlays_trampoline_lowered:
0x8: {  	[smem:$0x3FA6] =	sst s0  }
0x9: {  	[smem:$0x3FA7] =	sst s1  }
0xa: {  	[smem:$0x3FA8] =	sst s2  }
0xb: {  	[smem:$0x3FA9] =	sst s3  }
0xc: {  	[smem:$0x3FAA] =	sst s4  }
0xd: {  	[smem:$0x3FAB] =	sst s5  }
0xe: {  	[smem:$0x3FAC] =	sst s6  }
0xf: {  	[smem:$0x3FAD] =	sst s7  }
0x10: {  	[smem:$0x3FAE] =	sst s8  }
0x11: {  	[smem:$0x3FAF] =	sst s9;
	s0 =	simm.s32 @!p0 $0x0  }
0x12: {  	s1 =	sld [smem:$0x3F95];
	s0 =	simm.s32 @p0 $0x1  }
0x13: {  	[smem:$0x3FB0] =	sst s0;
	s0 =	simm.s32 @!p1 $0x0  }
0x14: {  	s2 =	sld [smem:$0x3F94];
	s0 =	simm.s32 @p1 $0x1  }
0x15: {  	[smem:$0x3FB1] =	sst s0;
	s0 =	simm.s32 @!p2 $0x0  }
0x16: {  	s3 =	sld [smem:$0x3FDB];
	s0 =	simm.s32 @p2 $0x1  }
0x17: {  	s4 =	simm.s32 $0x1BF5;
	[smem:$0x3FB3] =	sst s0  }
0x18: {  	s0 =	sld [smem:$0x3F96];
	_ =	swait.ge [sflag:s4], $0x0  }
0x19: {  	s7 =	sld [smem:$0x3F97]  }
0x1a: {  	s8 =	sadd.s32 $0xFFFFE003, lr  }
0x1b: {  	s9 =	sadd.s32 $0xFFFFFEF7, lr;
	s5 =	simm.s32 $0xFFFFFFFF;
	p2 =	slt.u32 s8, $0xFFFFF086  }
0x1c: {  	p1 =	slt.u32 s9, $0xF7A;
	s5 =	simm.s32 @!p2 $0x0  }
0x1d: {  	s5 =	simm.s32 @p1 $0x1;
	p0 =	seq.s32 s7, s2  }
0x1e: {  	s7 =	smul.u32 @!p0 $0xF7A, s2;
	p2 =	seq.s32 @!p0 s5, $0x0  }
0x1f: {  	s9 =	smul.u32 $0xF7A, s1;
	s8 =	simm.s32 @!p0 $0x1BF5;
	p2 =	por !p2, p0  }
0x20: {  	[sflag:s8] =	ssyncset.s32 @!p0 $0xFFFFF086;
	s6 =	sadd.s32 @!p0 s3, s7;
	s7 =	simm.s32 @!p0 $0x108  }
0x21: {  	s3 =	sadd.s32 s3, s9;
	s6 =	sadd.s32 @!p0 $0x88, s6;
	s7 =	simm.s32 @p2 $0x1082  }
0x22: {  	[simem:s7], [sflag:s8] =	dma.local @!p0 [hbm:s6], $0xF7A  }
0x23: {  	s9 =	sor.u32 $0xD0000000, s2;
	s6 =	simm.s32 $0x108;
	_ =	swait.ge @!p0 [sflag:s8], $0x0  }
0x24: {  	s3 =	sadd.s32 $0x88, s3;
	s6 =	simm.s32 @!p1 $0x1082;
	[sflag:s4] =	ssyncset.s32 $0xFFFFF086  }
0x25: {  	[simem:s6], [sflag:s4] =	dma.local [hbm:s3], $0xF7A  }
0x26: {  	[smem:$0x3F97] =	sst s1;
	(tag) =	ssettag s2;
	_ =	strace s9  }
0x27: {  	s1 =	sld [smem:$0x3FA7]  }
0x28: {  	s2 =	sld [smem:$0x3FA8]  }
0x29: {  	s4 =	sld [smem:$0x3FAA]  }
0x2a: {  	p0 =	seq.s32 s5, $0x0;
	s5 =	sld [smem:$0x3FAB]  }
0x2b: {  	s6 =	sld [smem:$0x3FAC]  }
0x2c: {  	s7 =	sld [smem:$0x3FAD]  }
0x2d: {  	s3 =	simm.s32 $0x108;
	s8 =	sld [smem:$0x3FAE]  }
0x2e: {  	s3 =	simm.s32 @!p0 $0x1082;
	s9 =	sld [smem:$0x3FAF]  }
0x2f: {  	lr =	sadd.s32 s0, s3;
	s0 =	sld [smem:$0x3FA6]  }
0x30: {  	s3 =	sld [smem:$0x3FA9]  }
0x31: {  	[smem:$0x3FB2] =	sst s10  }
0x32: {  	s10 =	sld [smem:$0x3FB0];
	_ =	sdelay $0x3  }
0x33: {  	p0 =	seq.s32 s10, $0x1;
	s10 =	sld [smem:$0x3FB2];
	_ =	sdelay $0x3  }
0x34: {  	[smem:$0x3FB2] =	sst s10  }
0x35: {  	s10 =	sld [smem:$0x3FB1];
	_ =	sdelay $0x3  }
0x36: {  	p1 =	seq.s32 s10, $0x1;
	s10 =	sld [smem:$0x3FB2];
	_ =	sdelay $0x3  }
0x37: {  	[smem:$0x3FB2] =	sst s10  }
0x38: {  	s10 =	sld [smem:$0x3FB3]  }
0x39: {  	_ = 	snop;
	(pc) =	sbr.ind lr, $3  }
0x3a: {  	_ = 	snop  }
0x3b: {  	_ = 	snop  }
0x3c: {  	p2 =	seq.s32 s10, $0x1;
	s10 =	sld [smem:$0x3FB2]  }
0x3d: {  	_ =	shalt  }
0x3e: {  	_ =	shalt  }
0x3f: {  	_ =	shalt  }
0x40: {  	_ =	shalt  }
0x41: {  	_ =	shalt  }
0x42: {  	_ =	shalt  }
0x43: {  	_ =	shalt  }
0x44: {  	_ =	shalt  }
0x45: {  	_ =	shalt  }
0x46: {  	_ =	shalt  }
0x47: {  	_ =	shalt  }
0x48: {  	_ =	shalt  }
0x49: {  	_ =	shalt  }
0x4a: {  	_ =	shalt  }
0x4b: {  	_ =	shalt  }
0x4c: {  	_ =	shalt  }
0x4d: {  	_ =	shalt  }
0x4e: {  	_ =	shalt  }
0x4f: {  	_ =	shalt  }
0x50: {  	_ =	shalt  }
0x51: {  	_ =	shalt  }
0x52: {  	_ =	shalt  }
0x53: {  	_ =	shalt  }
0x54: {  	_ =	shalt  }
0x55: {  	_ =	shalt  }
0x56: {  	_ =	shalt  }
0x57: {  	_ =	shalt  }
0x58: {  	_ =	shalt  }
0x59: {  	_ =	shalt  }
0x5a: {  	_ =	shalt  }
0x5b: {  	_ =	shalt  }
0x5c: {  	_ =	shalt  }
0x5d: {  	_ =	shalt  }
0x5e: {  	_ =	shalt  }
0x5f: {  	_ =	shalt  }
0x60: {  	_ =	shalt  }
0x61: {  	_ =	shalt  }
0x62: {  	_ =	shalt  }
0x63: {  	_ =	shalt  }
0x64: {  	_ =	shalt  }
0x65: {  	_ =	shalt  }
0x66: {  	_ =	shalt  }
0x67: {  	_ =	shalt  }
0x68: {  	_ =	shalt  }
0x69: {  	_ =	shalt  }
0x6a: {  	_ =	shalt  }
0x6b: {  	_ =	shalt  }
0x6c: {  	_ =	shalt  }
0x6d: {  	_ =	shalt  }
0x6e: {  	_ =	shalt  }
0x6f: {  	_ =	shalt  }
0x70: {  	_ =	shalt  }
0x71: {  	_ =	shalt  }
0x72: {  	_ =	shalt  }
0x73: {  	_ =	shalt  }
0x74: {  	_ =	shalt  }
0x75: {  	_ =	shalt  }
0x76: {  	_ =	shalt  }
0x77: {  	_ =	shalt  }
0x78: {  	_ =	shalt  }
0x79: {  	_ =	shalt  }
0x7a: {  	_ =	shalt  }
0x7b: {  	_ =	shalt  }
0x7c: {  	_ =	shalt  }
0x7d: {  	_ =	shalt  }
0x7e: {  	_ =	shalt  }
0x7f: {  	_ =	shalt  }
0x80: {  	_ =	shalt  }
0x81: {  	_ =	shalt  }
0x82: {  	_ =	shalt  }
0x83: {  	_ =	shalt  }
0x84: {  	_ =	shalt  }
0x85: {  	_ =	shalt  }
0x86: {  	_ =	shalt  }
0x87: {  	_ =	shalt  }
.Lfunc_end0:
.L_simem_size_0:
called_computation.2_lowered:
.L_overlay_start_0:
0x88: {  	s2 =	sld [smem:$0x3FD9]  }
0x89: {  	s3 =	sld [smem:$0x3FFE];
	_ =	sdelay $0x1  }
0x8a: {  	s1 =	srdreg.scid  }
0x8b: {  	s0 =	sand.u32 $0x1, s1  }
0x8c: {  	s17 =	sshll.u32 s0, $0xA;
	s2 =	sadd.s32 s3, s2  }
0x8d: {  	s2 =	sadd.s32 s2, s17  }
0x8e: {  	[smem:$0x3FBE] =	sst s2  }
0x8f: {  	_ = 	snop  }
0x90: {  	s2 =	sld [smem:$0x3FD0];
	(tm) =	ssettm $0x1  }
0x91: {  	s18 =	sld [smem:$0x3FFB];
	_ =	sdelay $0x3  }
0x92: {  	_ =	strace s18  }
0x93: {  	s3 =	sld [smem:$0x3FFC];
	_ =	sdelay $0x3  }
0x94: {  	_ =	strace s3  }
0x95: {  	s3 =	sld [smem:$0x3FFD];
	_ =	sdelay $0x3  }
0x96: {  	_ =	strace s3  }
0x97: {  	_ =	strace $0x8FFFFFFF  }
0x98: {  	s19 =	sld [smem:$0x3FDB];
	_ =	sdelay $0x1  }
0x99: {  	s4 =	simm.s32 $_scs_section_size  }
0x9a: {  	s5 =	simm.s32 $_size__tile_overlayer_lowered;
	s6 =	simm.s32 $_tile_overlayer_lowered  }
0x9b: {  	s22 =	simm.s32 $0x1BFF;
	s21 =	sshll.u32 s6, $0x1;
	s3 =	sadd.s32 s4, s19  }
0x9c: {  	s7 =	simm.s32 $0x0;
	s20 =	sshll.u32 s5, $0x1;
	s5 =	sadd.s32 s21, s3  }
0x9d: {  	[timem:s7], [sflag:s22] =	dma.local [hbm:s5], s20  }
0x9e: {  	_ =	swait.ge [sflag:s22], s20  }
0x9f: {  	s4 =	ssub.s32 $0x0, s20;
	[sflag:s22] =	ssyncset.done $0x0  }
0xa0: {  	[sflag:s22] =	ssyncadd.s32 s4;
	_ =	sdelay $0x1  }
0xa1: {  	s23 =	simm.s32 $0x1B8B  }
0xa2: {  	_ =	swait.ge [sflag:s23], $0x1  }
0xa3: {  	[sflag:s23] =	ssyncset.done $0x0  }
0xa4: {  	s25 =	simm.s32 $0x1B8E;
	s24 =	sld [smem:$0x3FFE];
	[sflag:s23] =	ssyncadd.s32 $0xFFFFFFFF  }
0xa5: {  	s26 =	simm.s32 $execute0_lowered;
	[smem:$0x3FD2] =	sst s25  }
0xa6: {  	s5 =	sshll.u32 s26, $0x1;
	_ =	strace $0x8000004C;
	[dreg:$0x1] =	wrdreg $0xFFFFFFFF  }
0xa7: {  	s28 =	simm.s32 $_size_execute0_lowered;
	s3 =	sadd.s32 s3, s5;
	[dreg:$0x0] =	wrdreg $0x0  }
0xa8: {  	s5 =	sshll.u32 s28, $0x1;
	[dreg:$0x2] =	wrdreg s3  }
0xa9: {  	[dreg:$0x3] =	wrdreg s5  }
0xaa: {  	[dreg:$0x4] =	wrdreg $0xC0  }
0xab: {  	_ =	task [dreg:s7], $0x5FFFF  }
0xac: {  	[dreg:$0x1] =	wrdreg $0xFFFFFFFF  }
0xad: {  	[dreg:$0x0] =	wrdreg $0x60  }
0xae: {  	[dreg:$0x2] =	wrdreg s2  }
0xaf: {  	[dreg:$0x3] =	wrdreg s24  }
0xb0: {  	[dreg:$0x4] =	wrdreg $0x120000  }
0xb1: {  	[dreg:$0x5] =	wrdreg $0x9  }
0xb2: {  	_ =	task.clear_ibuf [dreg:s7], $0x6FFFF;
	_ =	strace $0x9000004C  }
0xb3: {  	s29 =	simm.s32 $0x9;
	_ =	strace $0x8000004E  }
0xb4: {  	_ =	swait.ge [sflag:s29], $0x1  }
0xb5: {  	[sflag:s29] =	ssyncadd.s32 $0xFFFFFFFF  }
0xb6: {  	_ =	strace $0x9000004E  }
0xb7: {  	_ =	sfence  }
0xb8: {  	s30 =	sld [smem:$0x0];
	_ =	sdelay $0x2  }
0xb9: {  	s31 =	sshll.u32 s1, $0xD;
	s1 =	sshrl.u32 s1, $0x2  }
0xba: {  	s3 =	sand.u32 $0x4000, s31;
	s1 =	sadd.s32 s1, s30  }
0xbb: {  	s0 =	sor.u32 s3, s0;
	s1 =	sshll.u32 s1, $0x11  }
0xbc: {  	s0 =	sor.u32 s1, s0  }
0xbd: {  	s0 =	sadd.s32 $0x8F2B, s0  }
0xbe: {  	[sflag:s0] =	ssyncadd.remote.s32 $0x1  }
0xbf: {  	_ =	sfence.sel $0xFFFF  }
0xc0: {  	[dreg:$0x0] =	wrdreg $0xFFFFFFFF;
	(pc) =	sbr.abs _section_cstart, $3  }
0xc1: {  	[dreg:$0x1] =	wrdreg $0xFFFFFFFF  }
0xc2: {  	_ =	task.clear_ibuf [dreg:s7], $0x2FFFF;
	_ =	strace $0x9FFFFFFF  }
0xc3: {  	(tm) =	ssettm $0x7FFFFFFF  }
tec
execute0_lowered:
.L_overlay_start_1:
0x0: {  	(tag) =	ssettag $0x1  }
0x1: {  	s1 =	rddreg [dreg:$0x0]  }
0x2: {  	s0 =	rddreg [dreg:$0x1]  }
0x3: {  	s3 =	rddreg [dreg:$0x2];
	s2 =	srdreg.scid  }
0x4: {  	s7 =	stileid.u32;
	s8 =	simm.s32 $0x0;
	s17 =	simm.s32 $0x10400  }
0x5: {  	s18 =	simm.s32 $0x9;
	s19 =	simm.s32 $0x1;
	s20 =	simm.s32 $0x2  }
0x6: {  	s21 =	simm.s32 $0x80;
	s28 =	simm.s32 $0xDC00;
	s5 =	smul.u32 $0xC400, s7  }
0x7: {  	s2 =	sand.u32 $0x1, s2;
	s4 =	sshll.u32 s7, $0x1;
	s7 =	smul.u32 $0x31000, s7  }
0x8: {  	[smem:$0x7FF] =	sst s8;
	s4 =	sor.u32 s2, s4;
	s6 =	smul.u32 $0xC4000, s2  }
0x9: {  	_ =	strace $0x8000004D;
	s2 =	ssub.s32 $0x2, s2;
	s4 =	smul.u32 $0xC40, s4  }
0xa: {  	s22 =	sshrl.u32 s2, $0x1;
	s7 =	sshrl.u32 s7, $0x2;
	s6 =	sadd.s32 s5, s6  }
0xb: {  	s2 =	ssub.s32 s2, s22;
	s24 =	sadd.s32 s7, s3;
	s7 =	sadd.s32 s5, s3  }
0xc: {  	s5 =	simm.s32 $0x6200;
	s22 =	simm.s32 $0xC400;
	s4 =	sadd.s32 s4, s0  }
0xd: {  	s6 =	sshrl.u32 s6, $0x3;
	s25 =	sadd.s32 $0x1C00, s24;
	s26 =	sadd.s32 $0x3800, s24  }
0xe: {  	s29 =	sadd.s32 $0x5400, s24;
	s30 =	sadd.s32 $0x7000, s24;
	[dreg:$0x6] =	wrdreg s25  }
0xf: {  	s31 =	sadd.s32 $0x8C00, s24;
	s13 =	sadd.s32 $0xA800, s24;
	[dreg:$0x7] =	wrdreg s26  }
0x10: {  	s15 =	smax.u32 s2, $0x1;
	s2 =	simm.s32 $0x5;
	[dreg:$0x8] =	wrdreg s29  }
0x11: {  	s24 =	simm.s32 $0x6;
	s0 =	sadd.s32 s6, s0;
	[dreg:$0x9] =	wrdreg s30  }
0x12: {  	s23 =	sadd.s32 $0x1A200, s4;
	s4 =	sadd.s32 $0x1A00, s4;
	[dreg:$0xa] =	wrdreg s31  }
0x13: {  	s25 =	simm.s32 $0xD400;
	s26 =	simm.s32 $0x0;
	[dreg:$0x4] =	wrdreg s23  }
0x14: {  	v0 =	vimm.f32 $0.0e+00;
	[dreg:$0x5] =	wrdreg s4;
	s14 =	sadd.s32 $0x32A00, s0;
	s23 =	simm.s32 $0xCC00  }
.LBB2_1:
0x15: {  	s0 =	simm.s32 $0x0;
	s4 =	rddreg [dreg:$0x4]  }
0x16: {  	[tilespmem:s0], [sflag:$0x1] =	stream.linear.gather [hbm4b:s4+s0], $0x6200, $0x38;
	[tilespmem:$0x1E400] =	vst v63  }
0x17: {  	s31 =	rddreg [dreg:$0x5]  }
0x18: {  	[tilespmem:s5], [sflag:$0x2] =	stream.linear.gather [hbm4b:s31+s0], $0x6200, $0x38;
	[tilespmem:$0x1E400] =	vst v63  }
0x19: {  	s4 =	simm.s32 $0x0;
	s0 =	simm.s32 $0x40  }
.LBB2_2:
0x1a: {  	p0 =	sne.s32 s0, $0x6FC0;
	[tilespmem:s4+$0x10400] =	vst v0;
	s4 =	smov.u32 s0;
	s0 =	sadd.s32 $0x40, s0  }
.Ltmp0:
0x1b: {  	(pc) =	sbr.rel @p0 .LBB2_2-.Ltmp0, $2  }
0x1c: {  	_ =	sdelay $0x2  }
0x1d: {  	s4 =	sshra.s32 s4, $0x2  }
0x1e: {  	[tilespmem:s4+$0x10400] =	vst v0  }
0x1f: {  	[spmem:s7] =	stream.linear.scatter [tilespmem:s17], [sflag:$0x9], $0x1C00, $0x38;
	[tilespmem:$0x1E400] =	vst v63  }
0x20: {  	_ =	swait.ge [sflag:s18], $0x1C00  }
0x21: {  	[sflag:s18] =	ssyncset.done $0x0  }
0x22: {  	s0 =	rddreg [dreg:$0x6];
	[sflag:s18] =	ssyncadd.s32 $0xFFFFE400  }
0x23: {  	[spmem:s0] =	stream.linear.scatter [tilespmem:s17], [sflag:$0x9], $0x1C00, $0x38;
	[tilespmem:$0x1E400] =	vst v63  }
0x24: {  	_ =	swait.ge [sflag:s18], $0x1C00  }
0x25: {  	[sflag:s18] =	ssyncset.done $0x0  }
0x26: {  	s8 =	rddreg [dreg:$0x7];
	[sflag:s18] =	ssyncadd.s32 $0xFFFFE400  }
0x27: {  	[spmem:s8] =	stream.linear.scatter [tilespmem:s17], [sflag:$0x9], $0x1C00, $0x38;
	[tilespmem:$0x1E400] =	vst v63  }
0x28: {  	_ =	swait.ge [sflag:s18], $0x1C00  }
0x29: {  	[sflag:s18] =	ssyncset.done $0x0  }
0x2a: {  	s9 =	rddreg [dreg:$0x8];
	[sflag:s18] =	ssyncadd.s32 $0xFFFFE400  }
0x2b: {  	[spmem:s9] =	stream.linear.scatter [tilespmem:s17], [sflag:$0x9], $0x1C00, $0x38;
	[tilespmem:$0x1E400] =	vst v63  }
0x2c: {  	_ =	swait.ge [sflag:s18], $0x1C00  }
0x2d: {  	[sflag:s18] =	ssyncset.done $0x0  }
0x2e: {  	s10 =	rddreg [dreg:$0x9];
	[sflag:s18] =	ssyncadd.s32 $0xFFFFE400  }
0x2f: {  	[spmem:s10] =	stream.linear.scatter [tilespmem:s17], [sflag:$0x9], $0x1C00, $0x38;
	[tilespmem:$0x1E400] =	vst v63  }
0x30: {  	_ =	swait.ge [sflag:s18], $0x1C00  }
0x31: {  	[sflag:s18] =	ssyncset.done $0x0  }
0x32: {  	s11 =	rddreg [dreg:$0xa];
	[sflag:s18] =	ssyncadd.s32 $0xFFFFE400  }
0x33: {  	[spmem:s11] =	stream.linear.scatter [tilespmem:s17], [sflag:$0x9], $0x1C00, $0x38;
	[tilespmem:$0x1E400] =	vst v63  }
0x34: {  	_ =	swait.ge [sflag:s18], $0x1C00  }
0x35: {  	[sflag:s18] =	ssyncset.done $0x0  }
0x36: {  	[sflag:s18] =	ssyncadd.s32 $0xFFFFE400  }
0x37: {  	[spmem:s13] =	stream.linear.scatter [tilespmem:s17], [sflag:$0x9], $0x1C00, $0x38;
	[tilespmem:$0x1E400] =	vst v63  }
0x38: {  	_ =	swait.ge [sflag:s18], $0x1C00  }
0x39: {  	[sflag:s18] =	ssyncset.done $0x0  }
0x3a: {  	[sflag:s18] =	ssyncadd.s32 $0xFFFFE400  }
0x3b: {  	_ =	swait.ge [sflag:s19], $0x6200  }
0x3c: {  	[sflag:s19] =	ssyncset.done $0x0  }
0x3d: {  	[sflag:s19] =	ssyncadd.s32 $0xFFFF9E00  }
0x3e: {  	_ =	swait.ge [sflag:s20], $0x6200  }
0x3f: {  	[sflag:s20] =	ssyncset.done $0x0  }
0x40: {  	[sflag:s20] =	ssyncadd.s32 $0xFFFF9E00  }
0x41: {  	s12 =	simm.s32 $0x0;
	[bflag:$0x0] =	sbarrier.arrive $0xFFFF  }
0x42: {  	[tilespmem:s22], [sflag:$0x1] =	stream.indirect.gather [hbm4b:s1+s21], $0x10, s12, s21, $0xb8;
	[tilespmem:$0x1E400] =	vst v63  }
0x43: {  	_ = 	snop  }
0x44: {  	[tilespmem:s23], [sflag:$0x1] =	stream.indirect.gather [hbm4b:s1+s21], $0x10, s21, s21, $0xb8;
	[tilespmem:$0x1E400] =	vst v63  }
0x45: {  	s16 =	simm.s32 $0x100  }
0x46: {  	[tilespmem:s25], [sflag:$0x2] =	stream.indirect.gather [hbm4b:s1+s21], $0x10, s16, s21, $0xb8;
	[tilespmem:$0x1E400] =	vst v63  }
0x47: {  	s4 =	simm.s32 $0x180  }
0x48: {  	[tilespmem:s28], [sflag:$0x2] =	stream.indirect.gather [hbm4b:s1+s21], $0x10, s4, s21, $0xb8;
	[tilespmem:$0x1E400] =	vst v63  }
0x49: {  	_ =	swait.ge [sflag:s19], $0x800  }
0x4a: {  	[sflag:s19] =	ssyncset.done $0x0  }
0x4b: {  	[sflag:s19] =	ssyncadd.s32 $0xFFFFF800  }
0x4c: {  	_ =	swait.ge [sflag:s19], $0x800  }
0x4d: {  	[sflag:s19] =	ssyncset.done $0x0  }
0x4e: {  	[sflag:s19] =	ssyncadd.s32 $0xFFFFF800  }
0x4f: {  	[spmem:s3] =	stream.indirect.scatter.add.f32 [tilespmem:s22], [sflag:$0x5], $0x10, s5, s21, $0xb8;
	[tilespmem:$0x1E400] =	vst v63  }
0x50: {  	s6 =	simm.s32 $0x6280  }
0x51: {  	[spmem:s3] =	stream.indirect.scatter.add.f32 [tilespmem:s23], [sflag:$0x5], $0x10, s6, s21, $0xb8;
	[tilespmem:$0x1E400] =	vst v63  }
0x52: {  	s8 =	simm.s32 $0x200;
	s9 =	simm.s32 $0xE400  }
0x53: {  	[tilespmem:s9], [sflag:$0x3] =	stream.indirect.gather [hbm4b:s1+s21], $0x10, s8, s21, $0xb8;
	[tilespmem:$0x1E400] =	vst v63  }
0x54: {  	s10 =	simm.s32 $0x280;
	s11 =	simm.s32 $0xEC00  }
0x55: {  	[tilespmem:s11], [sflag:$0x3] =	stream.indirect.gather [hbm4b:s1+s21], $0x10, s10, s21, $0xb8;
	[tilespmem:$0x1E400] =	vst v63  }
0x56: {  	_ =	swait.ge [sflag:s20], $0x800  }
0x57: {  	[sflag:s20] =	ssyncset.done $0x0  }
0x58: {  	[sflag:s20] =	ssyncadd.s32 $0xFFFFF800  }
0x59: {  	_ =	swait.ge [sflag:s20], $0x800  }
0x5a: {  	[sflag:s20] =	ssyncset.done $0x0  }
0x5b: {  	s12 =	simm.s32 $0x6300;
	[sflag:s20] =	ssyncadd.s32 $0xFFFFF800  }
0x5c: {  	[spmem:s3] =	stream.indirect.scatter.add.f32 [tilespmem:s25], [sflag:$0x6], $0x10, s12, s21, $0xb8;
	[tilespmem:$0x1E400] =	vst v63  }
0x5d: {  	s16 =	simm.s32 $0x6380;
	s9 =	simm.s32 $0x2  }
0x5e: {  	[spmem:s3] =	stream.indirect.scatter.add.f32 [tilespmem:s28], [sflag:$0x6], $0x10, s16, s21, $0xb8;
	[tilespmem:$0x1E400] =	vst v63  }
0x5f: {  	s4 =	simm.s32 $0x300;
	s5 =	simm.s32 $0xF400;
	s0 =	sand.u32 $0x3, s9  }
0x60: {  	[tilespmem:s5], [sflag:$0x4] =	stream.indirect.gather [hbm4b:s1+s21], $0x10, s4, s21, $0xb8;
	[tilespmem:$0x1E400] =	vst v63  }
0x61: {  	s6 =	simm.s32 $0x380;
	s8 =	simm.s32 $0xFC00;
	s10 =	sadd.s32 $0x1, s0  }
0x62: {  	[tilespmem:s8], [sflag:$0x4] =	stream.indirect.gather [hbm4b:s1+s21], $0x10, s6, s21, $0xb8;
	[tilespmem:$0x1E400] =	vst v63  }
0x63: {  	_ =	swait.ge [sflag:s10], $0x800  }
0x64: {  	[sflag:s10] =	ssyncset.done $0x0  }
0x65: {  	[sflag:s10] =	ssyncadd.s32 $0xFFFFF800  }
0x66: {  	s9 =	simm.s32 $0x6400;
	_ =	swait.ge [sflag:s10], $0x800  }
0x67: {  	s11 =	simm.s32 $0x4;
	s6 =	sshll.u32 s0, $0xC;
	[sflag:s10] =	ssyncset.done $0x0  }
0x68: {  	s0 =	sadd.s32 $0x5, s0;
	s8 =	sor.u32 $0xC400, s6;
	[sflag:s10] =	ssyncadd.s32 $0xFFFFF800  }
0x69: {  	[spmem:s3] =	stream.indirect.scatter.add.f32 [tilespmem:s8], [sflag:s0], $0x10, s9, s21, $0xb8;
	[tilespmem:$0x1E400] =	vst v63  }
0x6a: {  	s29 =	simm.s32 $0x400;
	p0 =	por $0x0, $0x0;
	s9 =	sand.u32 $0x3, s11  }
0x6b: {  	s16 =	simm.s32 $0x6480;
	s12 =	sor.u32 $0xCC00, s6;
	s5 =	sadd.s32 $0x5, s9  }
0x6c: {  	[spmem:s3] =	stream.indirect.scatter.add.f32 [tilespmem:s12], [sflag:s0], $0x10, s16, s21, $0xb8;
	[tilespmem:$0x1E400] =	vst v63  }
0x6d: {  	s30 =	simm.s32 $0x5;
	s31 =	simm.s32 $0x3;
	_ =	swait.ge [sflag:s5], $0x800  }
0x6e: {  	s4 =	sand.u32 $0x3, s31;
	s10 =	simm.s32 @!p0 $0x400;
	[sflag:s5] =	ssyncset.done $0x0  }
0x6f: {  	s8 =	sshll.u32 @!p0 s9, $0xC;
	s6 =	sadd.s32 @!p0 $0x1, s9;
	[sflag:s5] =	ssyncadd.s32 $0xFFFFF800  }
0x70: {  	s9 =	simm.s32 @!p0 $0x0;
	s0 =	simm.s32 $0x800;
	_ =	swait.ge [sflag:s5], $0x800  }
.LBB2_4:
0x71: {  	[sflag:s5] =	ssyncset.done $0x0;
	s11 =	sor.u32 @!p0 $0xC400, s8  }
0x72: {  	s16 =	simm.s32 @!p0 $0x80;
	s12 =	smov.u32 s29;
	s29 =	smov.u32 s0  }
0x73: {  	[sflag:s5] =	ssyncadd.s32 $0xFFFFF800;
	s5 =	sor.u32 @!p0 $0xCC00, s8;
	s8 =	sadd.s32 @!p0 $0x480, s9  }
0x74: {  	[tilespmem:s11], [sflag:s6] =	stream.indirect.gather @!p0 [hbm4b:s1+s16], $0x10, s10, s16, $0xb8;
	[tilespmem:$0x1E400] =	vst v63  }
0x75: {  	s0 =	sadd.s32 $0x400, s0;
	s9 =	sadd.s32 $0x1, s4  }
0x76: {  	[tilespmem:s5], [sflag:s6] =	stream.indirect.gather @!p0 [hbm4b:s1+s16], $0x10, s8, s16, $0xb8;
	[tilespmem:$0x1E400] =	vst v63  }
0x77: {  	p1 =	sne.s32 s0, $0x18000;
	_ =	swait.ge [sflag:s9], $0x800  }
0x78: {  	s5 =	sshll.u32 s4, $0xC;
	[sflag:s9] =	ssyncset.done $0x0  }
0x79: {  	s6 =	sshra.s32 s12, $0x2;
	s4 =	sadd.s32 $0x5, s4;
	[sflag:s9] =	ssyncadd.s32 $0xFFFFF800  }
0x7a: {  	s8 =	sor.u32 $0xC400, s5;
	s10 =	sadd.s32 $0x6400, s6;
	_ =	swait.ge [sflag:s9], $0x800  }
0x7b: {  	[sflag:s9] =	ssyncset.done $0x0  }
0x7c: {  	s5 =	sor.u32 $0xCC00, s5;
	s6 =	sadd.s32 $0x6480, s6;
	[sflag:s9] =	ssyncadd.s32 $0xFFFFF800  }
0x7d: {  	[spmem:s3] =	stream.indirect.scatter.add.f32 [tilespmem:s8], [sflag:s4], $0x10, s10, s21, $0xb8;
	[tilespmem:$0x1E400] =	vst v63  }
0x7e: {  	s9 =	sand.u32 $0x3, s30  }
0x7f: {  	[spmem:s3] =	stream.indirect.scatter.add.f32 [tilespmem:s5], [sflag:s4], $0x10, s6, s21, $0xb8;
	[tilespmem:$0x1E400] =	vst v63  }
.Ltmp1:
0x80: {  	s5 =	sadd.s32 $0x5, s9;
	(pc) =	sbr.rel @p1 .LBB2_4-.Ltmp1, $4  }
0x81: {  	p0 =	sgt.u32 s31, $0x5F;
	s30 =	sadd.s32 $0x1, s30;
	_ =	swait.ge [sflag:s5], $0x800  }
0x82: {  	s8 =	sshll.u32 @!p0 s9, $0xC;
	s6 =	sadd.s32 @!p0 $0x1, s9;
	[sflag:s5] =	ssyncset.done $0x0  }
0x83: {  	s31 =	sadd.s32 $0xFFFFFFFE, s30;
	s9 =	sshra.s32 @!p0 s12, $0x2;
	[sflag:s5] =	ssyncadd.s32 $0xFFFFF800  }
0x84: {  	s4 =	sand.u32 $0x3, s31;
	s10 =	sadd.s32 @!p0 $0x400, s9;
	_ =	swait.ge [sflag:s5], $0x800  }
0x85: {  	[sflag:s5] =	ssyncset.done $0x0  }
0x86: {  	s0 =	sor.u32 @!p0 $0xC400, s8;
	s11 =	simm.s32 @!p0 $0x80;
	[sflag:s5] =	ssyncadd.s32 $0xFFFFF800  }
0x87: {  	[tilespmem:s0], [sflag:s6] =	stream.indirect.gather @!p0 [hbm4b:s1+s11], $0x10, s10, s11, $0xb8;
	[tilespmem:$0x1E400] =	vst v63  }
0x88: {  	s5 =	sadd.s32 @!p0 $0x480, s9;
	s9 =	sadd.s32 $0x1, s4;
	s0 =	sor.u32 @!p0 $0xCC00, s8  }
0x89: {  	[tilespmem:s0], [sflag:s6] =	stream.indirect.gather @!p0 [hbm4b:s1+s11], $0x10, s5, s11, $0xb8;
	[tilespmem:$0x1E400] =	vst v63  }
0x8a: {  	_ =	swait.ge [sflag:s9], $0x800  }
0x8b: {  	[sflag:s9] =	ssyncset.done $0x0  }
0x8c: {  	s16 =	sshra.s32 s29, $0x2;
	[sflag:s9] =	ssyncadd.s32 $0xFFFFF800  }
0x8d: {  	s12 =	sadd.s32 $0x6400, s16;
	_ =	swait.ge [sflag:s9], $0x800  }
0x8e: {  	s10 =	sadd.s32 $0x5, s4;
	s5 =	sshll.u32 s4, $0xC;
	[sflag:s9] =	ssyncset.done $0x0  }
0x8f: {  	s6 =	sand.u32 $0x3, s30;
	s11 =	sor.u32 $0xC400, s5;
	[sflag:s9] =	ssyncadd.s32 $0xFFFFF800  }
0x90: {  	[spmem:s3] =	stream.indirect.scatter.add.f32 [tilespmem:s11], [sflag:s10], $0x10, s12, s21, $0xb8;
	[tilespmem:$0x1E400] =	vst v63  }
0x91: {  	s0 =	sor.u32 $0xCC00, s5;
	s5 =	sadd.s32 $0x6480, s16;
	s16 =	sadd.s32 $0x5, s6  }
0x92: {  	[spmem:s3] =	stream.indirect.scatter.add.f32 [tilespmem:s0], [sflag:s10], $0x10, s5, s21, $0xb8;
	[tilespmem:$0x1E400] =	vst v63  }
0x93: {  	_ =	swait.ge [sflag:s16], $0x800  }
0x94: {  	[sflag:s16] =	ssyncset.done $0x0  }
0x95: {  	p0 =	sgt.u32 s31, $0x5F;
	[sflag:s16] =	ssyncadd.s32 $0xFFFFF800  }
0x96: {  	s4 =	sshll.u32 @!p0 s6, $0xC;
	s6 =	sadd.s32 @!p0 $0x1, s6;
	_ =	swait.ge [sflag:s16], $0x800  }
0x97: {  	s9 =	sor.u32 @!p0 $0xC400, s4;
	s5 =	sshra.s32 @!p0 s29, $0x2;
	[sflag:s16] =	ssyncset.done $0x0  }
0x98: {  	s10 =	simm.s32 @!p0 $0x80;
	s8 =	sadd.s32 @!p0 $0x400, s5;
	[sflag:s16] =	ssyncadd.s32 $0xFFFFF800  }
0x99: {  	[tilespmem:s9], [sflag:s6] =	stream.indirect.gather @!p0 [hbm4b:s1+s10], $0x10, s8, s10, $0xb8;
	[tilespmem:$0x1E400] =	vst v63  }
0x9a: {  	s0 =	sor.u32 @!p0 $0xCC00, s4;
	s4 =	sadd.s32 @!p0 $0x480, s5  }
0x9b: {  	[tilespmem:s0], [sflag:s6] =	stream.indirect.gather @!p0 [hbm4b:s1+s10], $0x10, s4, s10, $0xb8;
	[tilespmem:$0x1E400] =	vst v63  }
0x9c: {  	_ =	swait.ge [sflag:s2], $0x800  }
0x9d: {  	[sflag:s2] =	ssyncset.done $0x0  }
0x9e: {  	[sflag:s2] =	ssyncadd.s32 $0xFFFFF800  }
0x9f: {  	_ =	swait.ge [sflag:s2], $0x800  }
0xa0: {  	[sflag:s2] =	ssyncset.done $0x0  }
0xa1: {  	[sflag:s2] =	ssyncadd.s32 $0xFFFFF800  }
0xa2: {  	_ =	swait.ge [sflag:s24], $0x800  }
0xa3: {  	[sflag:s24] =	ssyncset.done $0x0  }
0xa4: {  	[sflag:s24] =	ssyncadd.s32 $0xFFFFF800  }
0xa5: {  	s26 =	sadd.s32 $0x1, s26;
	_ =	swait.ge [sflag:s24], $0x800  }
0xa6: {  	s30 =	stileid.u32;
	s31 =	sshrl.u32 s7, $0x3;
	[sflag:s24] =	ssyncset.done $0x0  }
0xa7: {  	s0 =	sshll.u32 s30, $0x6;
	p0 =	sne.s32 s26, s15;
	[sflag:s24] =	ssyncadd.s32 $0xFFFFF800  }
.Ltmp2:
0xa8: {  	s0 =	sor.u32 $0x1C09, s0;
	[bflag:$0x0] =	sbarrier.arrive $0xFFFF;
	(pc) =	sbr.rel @p0 .LBB2_1-.Ltmp2, $4  }
0xa9: {  	[hbm:s14], [sflag:s0] =	dma.local [spmem:s31], $0x1880  }
0xaa: {  	_ =	swait.ge [sflag:s18], $0x1880  }
0xab: {  	[sflag:s18] =	ssyncset.done $0x0  }
0xac: {  	s5 =	simm.s32 $0x6200;
	[sflag:s18] =	ssyncadd.s32 $0xFFFFE780  }
0xad: {  	_ =	sfence.sel $0x180000  }
0xae: {  	[bflag:$0x0] =	sbarrier.arrive $0xFFFF  }
0xaf: {  	_ =	strace $0x9000004D  }
0xb0: {  	s0 =	stileid.u32;
	[bflag:$0x2] =	sbarrier.arrive $0xFFFF  }
0xb1: {  	p0 =	sne.s32 s0, $0x0;
	s0 =	rddreg [dreg:$0x3]  }
0xb2: {  	s0 =	sadd.s32 @!p0 $0x100000, s0  }
0xb3: {  	[sflag:s0] =	ssyncadd.tile.s32 @!p0 $0x1;
	_ =	shalt  }
.Lfunc_end2:
_tile_overlayer_lowered:
.L_overlay_start_2:
0xb4: {  	(tag) =	ssettag $0x2  }
0xb5: {  	s0 =	rddreg [dreg:$0x0];
	s2 =	stileid.u32  }
0xb6: {  	s1 =	rddreg [dreg:$0x1];
	p0 =	sne.s32 s2, $0x0  }
0xb7: {  	s3 =	rddreg [dreg:$0x2];
	[bflag:$0x3] =	sbarrier.arrive $0xFFFF;
	s2 =	simm.s32 @!p0 $0x1C09  }
0xb8: {  	[timem:s3], [sflag:s2] =	dma.local @!p0 [hbm:s0], s1  }
0xb9: {  	s0 =	simm.s32 @!p0 $0x9  }
0xba: {  	_ =	swait.ge @!p0 [sflag:s0], s1  }
0xbb: {  	s1 =	ssub.s32 @!p0 $0x0, s1;
	[sflag:s0] =	ssyncset.done @!p0 $0x0  }
0xbc: {  	[sflag:s0] =	ssyncadd.s32 @!p0 s1  }
0xbd: {  	[bflag:$0x3] =	sbarrier.arrive $0xFFFF  }
0xbe: {  	_ =	shalt  }

// kernel: kernel.8.cloned.1.call-start
scs
__scs_entry_jumppad:
0x0: {  	(pc) =	sbr.rel $0x88, $3  }
0x1: {  	(tag) =	ssettag $0x0;
	lr =	simm.s32 $0x1  }
0x2: {  	[smem:$0x3F97] =	sst lr;
	_ =	strace $0xD0000000  }
0x3: {  	_ = 	snop  }
0x4: {  	_ = 	snop  }
0x5: {  	_ = 	snop  }
0x6: {  	_ = 	snop  }
0x7: {  	_ = 	snop  }
__scs_overlays_trampoline_lowered:
0x8: {  	[smem:$0x3FA6] =	sst s0  }
0x9: {  	[smem:$0x3FA7] =	sst s1  }
0xa: {  	[smem:$0x3FA8] =	sst s2  }
0xb: {  	[smem:$0x3FA9] =	sst s3  }
0xc: {  	[smem:$0x3FAA] =	sst s4  }
0xd: {  	[smem:$0x3FAB] =	sst s5  }
0xe: {  	[smem:$0x3FAC] =	sst s6  }
0xf: {  	[smem:$0x3FAD] =	sst s7  }
0x10: {  	[smem:$0x3FAE] =	sst s8  }
0x11: {  	[smem:$0x3FAF] =	sst s9;
	s0 =	simm.s32 @!p0 $0x0  }
0x12: {  	s1 =	sld [smem:$0x3F95];
	s0 =	simm.s32 @p0 $0x1  }
0x13: {  	[smem:$0x3FB0] =	sst s0;
	s0 =	simm.s32 @!p1 $0x0  }
0x14: {  	s2 =	sld [smem:$0x3F94];
	s0 =	simm.s32 @p1 $0x1  }
0x15: {  	[smem:$0x3FB1] =	sst s0;
	s0 =	simm.s32 @!p2 $0x0  }
0x16: {  	s3 =	sld [smem:$0x3FDB];
	s0 =	simm.s32 @p2 $0x1  }
0x17: {  	s4 =	simm.s32 $0x1BF5;
	[smem:$0x3FB3] =	sst s0  }
0x18: {  	s0 =	sld [smem:$0x3F96];
	_ =	swait.ge [sflag:s4], $0x0  }
0x19: {  	s7 =	sld [smem:$0x3F97]  }
0x1a: {  	s8 =	sadd.s32 $0xFFFFE003, lr  }
0x1b: {  	s9 =	sadd.s32 $0xFFFFFEF7, lr;
	s5 =	simm.s32 $0xFFFFFFFF;
	p2 =	slt.u32 s8, $0xFFFFF086  }
0x1c: {  	p1 =	slt.u32 s9, $0xF7A;
	s5 =	simm.s32 @!p2 $0x0  }
0x1d: {  	s5 =	simm.s32 @p1 $0x1;
	p0 =	seq.s32 s7, s2  }
0x1e: {  	s7 =	smul.u32 @!p0 $0xF7A, s2;
	p2 =	seq.s32 @!p0 s5, $0x0  }
0x1f: {  	s9 =	smul.u32 $0xF7A, s1;
	s8 =	simm.s32 @!p0 $0x1BF5;
	p2 =	por !p2, p0  }
0x20: {  	[sflag:s8] =	ssyncset.s32 @!p0 $0xFFFFF086;
	s6 =	sadd.s32 @!p0 s3, s7;
	s7 =	simm.s32 @!p0 $0x108  }
0x21: {  	s3 =	sadd.s32 s3, s9;
	s6 =	sadd.s32 @!p0 $0x88, s6;
	s7 =	simm.s32 @p2 $0x1082  }
0x22: {  	[simem:s7], [sflag:s8] =	dma.local @!p0 [hbm:s6], $0xF7A  }
0x23: {  	s9 =	sor.u32 $0xD0000000, s2;
	s6 =	simm.s32 $0x108;
	_ =	swait.ge @!p0 [sflag:s8], $0x0  }
0x24: {  	s3 =	sadd.s32 $0x88, s3;
	s6 =	simm.s32 @!p1 $0x1082;
	[sflag:s4] =	ssyncset.s32 $0xFFFFF086  }
0x25: {  	[simem:s6], [sflag:s4] =	dma.local [hbm:s3], $0xF7A  }
0x26: {  	[smem:$0x3F97] =	sst s1;
	(tag) =	ssettag s2;
	_ =	strace s9  }
0x27: {  	s1 =	sld [smem:$0x3FA7]  }
0x28: {  	s2 =	sld [smem:$0x3FA8]  }
0x29: {  	s4 =	sld [smem:$0x3FAA]  }
0x2a: {  	p0 =	seq.s32 s5, $0x0;
	s5 =	sld [smem:$0x3FAB]  }
0x2b: {  	s6 =	sld [smem:$0x3FAC]  }
0x2c: {  	s7 =	sld [smem:$0x3FAD]  }
0x2d: {  	s3 =	simm.s32 $0x108;
	s8 =	sld [smem:$0x3FAE]  }
0x2e: {  	s3 =	simm.s32 @!p0 $0x1082;
	s9 =	sld [smem:$0x3FAF]  }
0x2f: {  	lr =	sadd.s32 s0, s3;
	s0 =	sld [smem:$0x3FA6]  }
0x30: {  	s3 =	sld [smem:$0x3FA9]  }
0x31: {  	[smem:$0x3FB2] =	sst s10  }
0x32: {  	s10 =	sld [smem:$0x3FB0];
	_ =	sdelay $0x3  }
0x33: {  	p0 =	seq.s32 s10, $0x1;
	s10 =	sld [smem:$0x3FB2];
	_ =	sdelay $0x3  }
0x34: {  	[smem:$0x3FB2] =	sst s10  }
0x35: {  	s10 =	sld [smem:$0x3FB1];
	_ =	sdelay $0x3  }
0x36: {  	p1 =	seq.s32 s10, $0x1;
	s10 =	sld [smem:$0x3FB2];
	_ =	sdelay $0x3  }
0x37: {  	[smem:$0x3FB2] =	sst s10  }
0x38: {  	s10 =	sld [smem:$0x3FB3]  }
0x39: {  	_ = 	snop;
	(pc) =	sbr.ind lr, $3  }
0x3a: {  	_ = 	snop  }
0x3b: {  	_ = 	snop  }
0x3c: {  	p2 =	seq.s32 s10, $0x1;
	s10 =	sld [smem:$0x3FB2]  }
0x3d: {  	_ =	shalt  }
0x3e: {  	_ =	shalt  }
0x3f: {  	_ =	shalt  }
0x40: {  	_ =	shalt  }
0x41: {  	_ =	shalt  }
0x42: {  	_ =	shalt  }
0x43: {  	_ =	shalt  }
0x44: {  	_ =	shalt  }
0x45: {  	_ =	shalt  }
0x46: {  	_ =	shalt  }
0x47: {  	_ =	shalt  }
0x48: {  	_ =	shalt  }
0x49: {  	_ =	shalt  }
0x4a: {  	_ =	shalt  }
0x4b: {  	_ =	shalt  }
0x4c: {  	_ =	shalt  }
0x4d: {  	_ =	shalt  }
0x4e: {  	_ =	shalt  }
0x4f: {  	_ =	shalt  }
0x50: {  	_ =	shalt  }
0x51: {  	_ =	shalt  }
0x52: {  	_ =	shalt  }
0x53: {  	_ =	shalt  }
0x54: {  	_ =	shalt  }
0x55: {  	_ =	shalt  }
0x56: {  	_ =	shalt  }
0x57: {  	_ =	shalt  }
0x58: {  	_ =	shalt  }
0x59: {  	_ =	shalt  }
0x5a: {  	_ =	shalt  }
0x5b: {  	_ =	shalt  }
0x5c: {  	_ =	shalt  }
0x5d: {  	_ =	shalt  }
0x5e: {  	_ =	shalt  }
0x5f: {  	_ =	shalt  }
0x60: {  	_ =	shalt  }
0x61: {  	_ =	shalt  }
0x62: {  	_ =	shalt  }
0x63: {  	_ =	shalt  }
0x64: {  	_ =	shalt  }
0x65: {  	_ =	shalt  }
0x66: {  	_ =	shalt  }
0x67: {  	_ =	shalt  }
0x68: {  	_ =	shalt  }
0x69: {  	_ =	shalt  }
0x6a: {  	_ =	shalt  }
0x6b: {  	_ =	shalt  }
0x6c: {  	_ =	shalt  }
0x6d: {  	_ =	shalt  }
0x6e: {  	_ =	shalt  }
0x6f: {  	_ =	shalt  }
0x70: {  	_ =	shalt  }
0x71: {  	_ =	shalt  }
0x72: {  	_ =	shalt  }
0x73: {  	_ =	shalt  }
0x74: {  	_ =	shalt  }
0x75: {  	_ =	shalt  }
0x76: {  	_ =	shalt  }
0x77: {  	_ =	shalt  }
0x78: {  	_ =	shalt  }
0x79: {  	_ =	shalt  }
0x7a: {  	_ =	shalt  }
0x7b: {  	_ =	shalt  }
0x7c: {  	_ =	shalt  }
0x7d: {  	_ =	shalt  }
0x7e: {  	_ =	shalt  }
0x7f: {  	_ =	shalt  }
0x80: {  	_ =	shalt  }
0x81: {  	_ =	shalt  }
0x82: {  	_ =	shalt  }
0x83: {  	_ =	shalt  }
0x84: {  	_ =	shalt  }
0x85: {  	_ =	shalt  }
0x86: {  	_ =	shalt  }
0x87: {  	_ =	shalt  }
.Lfunc_end0:
.L_simem_size_0:
called_computation_lowered:
.L_overlay_start_0:
0x88: {  	s2 =	sld [smem:$0x3FD9]  }
0x89: {  	s3 =	sld [smem:$0x3FFE];
	_ =	sdelay $0x1  }
0x8a: {  	s1 =	srdreg.scid  }
0x8b: {  	s0 =	sand.u32 $0x1, s1  }
0x8c: {  	s17 =	sshll.u32 s0, $0xA;
	s2 =	sadd.s32 s3, s2  }
0x8d: {  	s2 =	sadd.s32 s2, s17  }
0x8e: {  	[smem:$0x3FBE] =	sst s2  }
0x8f: {  	_ = 	snop  }
0x90: {  	s18 =	sld [smem:$0x3FD0];
	(tm) =	ssettm $0x1  }
0x91: {  	s19 =	sld [smem:$0x3FFB];
	_ =	sdelay $0x3  }
0x92: {  	_ =	strace s19  }
0x93: {  	s2 =	sld [smem:$0x3FFC];
	_ =	sdelay $0x3  }
0x94: {  	_ =	strace s2  }
0x95: {  	s2 =	sld [smem:$0x3FFD];
	_ =	sdelay $0x3  }
0x96: {  	_ =	strace s2  }
0x97: {  	_ =	strace $0x8FFFFFFF  }
0x98: {  	s20 =	sld [smem:$0x3FDB];
	_ =	sdelay $0x1  }
0x99: {  	s4 =	simm.s32 $_scs_section_size  }
0x9a: {  	s5 =	simm.s32 $_size__tile_overlayer_lowered;
	s6 =	simm.s32 $_tile_overlayer_lowered  }
0x9b: {  	s7 =	simm.s32 $0x1BFF;
	s21 =	sshll.u32 s6, $0x1;
	s4 =	sadd.s32 s4, s20  }
0x9c: {  	s22 =	simm.s32 $0x0;
	s5 =	sshll.u32 s5, $0x1;
	s6 =	sadd.s32 s21, s4  }
0x9d: {  	[timem:s22], [sflag:s7] =	dma.local [hbm:s6], s5  }
0x9e: {  	_ =	swait.ge [sflag:s7], s5  }
0x9f: {  	s5 =	ssub.s32 $0x0, s5;
	[sflag:s7] =	ssyncset.done $0x0  }
0xa0: {  	[sflag:s7] =	ssyncadd.s32 s5;
	_ =	sdelay $0x1  }
0xa1: {  	s23 =	simm.s32 $0x1B8B  }
0xa2: {  	_ =	swait.ge [sflag:s23], $0x1  }
0xa3: {  	[sflag:s23] =	ssyncset.done $0x0  }
0xa4: {  	[sflag:s23] =	ssyncadd.s32 $0xFFFFFFFF  }
0xa5: {  	s5 =	sld [smem:$0x0]  }
0xa6: {  	s6 =	sand.u32 $0xFFFFFFFE, s1  }
0xa7: {  	p0 =	sne.s32 s1, s6  }
0xa8: {  	s6 =	sshll.u32 @p0 s6, $0xE  }
0xa9: {  	s6 =	sadd.s32 @p0 $0x11B8D, s6;
	s7 =	sshll.u32 @p0 s5, $0x11  }
0xaa: {  	s6 =	sor.u32 @p0 s7, s6  }
0xab: {  	[sflag:s6] =	ssyncadd.remote.s32 @p0 $0x1;
	_ =	sdelay $0x1  }
0xac: {  	s6 =	simm.s32 @p0 $0x1B8D  }
0xad: {  	_ =	swait.eq @p0 [sflag:s6], $0x1  }
0xae: {  	[sflag:s6] =	ssyncadd.s32 @p0 $0xFFFFFFFF  }
0xaf: {  	s7 =	sshll.u32 @!p0 s1, $0xE  }
0xb0: {  	s7 =	sor.u32 @!p0 $0x4000, s7;
	s6 =	simm.s32 @!p0 $0x1B8D  }
0xb1: {  	s5 =	sshll.u32 @!p0 s5, $0x11;
	s7 =	sadd.s32 @!p0 $0x11B8D, s7;
	_ =	swait.eq @!p0 [sflag:s6], $0x1  }
0xb2: {  	s5 =	sor.u32 @!p0 s5, s7;
	[sflag:s6] =	ssyncadd.s32 @!p0 $0xFFFFFFFF  }
0xb3: {  	s25 =	simm.s32 $0x1B8E;
	s24 =	sld [smem:$0x3FFE];
	[sflag:s5] =	ssyncadd.remote.s32 @!p0 $0x1  }
0xb4: {  	s26 =	simm.s32 $execute0_lowered;
	[smem:$0x3FD2] =	sst s25  }
0xb5: {  	s6 =	sshll.u32 s26, $0x1;
	_ =	strace $0x80000049;
	[dreg:$0x1] =	wrdreg $0xFFFFFFFF  }
0xb6: {  	s28 =	simm.s32 $_size_execute0_lowered;
	s4 =	sadd.s32 s4, s6;
	[dreg:$0x0] =	wrdreg $0x0  }
0xb7: {  	s6 =	sshll.u32 s28, $0x1;
	[dreg:$0x2] =	wrdreg s4  }
0xb8: {  	[dreg:$0x3] =	wrdreg s6  }
0xb9: {  	[dreg:$0x4] =	wrdreg $0xC0  }
0xba: {  	_ =	task [dreg:s22], $0x5FFFF  }
0xbb: {  	[dreg:$0x1] =	wrdreg $0xFFFFFFFF  }
0xbc: {  	[dreg:$0x0] =	wrdreg $0x60  }
0xbd: {  	[dreg:$0x2] =	wrdreg s18  }
0xbe: {  	[dreg:$0x3] =	wrdreg s24  }
0xbf: {  	[dreg:$0x4] =	wrdreg $0x120000  }
0xc0: {  	[dreg:$0x5] =	wrdreg $0x9  }
0xc1: {  	_ =	task.clear_ibuf [dreg:s22], $0x6FFFF;
	_ =	strace $0x90000049  }
0xc2: {  	s29 =	simm.s32 $0x9;
	_ =	strace $0x8000004B  }
0xc3: {  	_ =	swait.ge [sflag:s29], $0x1  }
0xc4: {  	[sflag:s29] =	ssyncadd.s32 $0xFFFFFFFF  }
0xc5: {  	_ =	strace $0x9000004B  }
0xc6: {  	_ =	sfence  }
0xc7: {  	s30 =	sld [smem:$0x0];
	_ =	sdelay $0x2  }
0xc8: {  	s31 =	sshll.u32 s1, $0xD;
	s1 =	sshrl.u32 s1, $0x2  }
0xc9: {  	s4 =	sand.u32 $0x4000, s31;
	s1 =	sadd.s32 s1, s30  }
0xca: {  	s0 =	sor.u32 s4, s0;
	s1 =	sshll.u32 s1, $0x11  }
0xcb: {  	s0 =	sor.u32 s1, s0  }
0xcc: {  	s0 =	sadd.s32 $0x8F2B, s0  }
0xcd: {  	[sflag:s0] =	ssyncadd.remote.s32 $0x1  }
0xce: {  	_ =	sfence.sel $0xFFFF  }
0xcf: {  	[dreg:$0x0] =	wrdreg $0xFFFFFFFF;
	(pc) =	sbr.abs _section_cstart, $3  }
0xd0: {  	[dreg:$0x1] =	wrdreg $0xFFFFFFFF  }
0xd1: {  	_ =	task.clear_ibuf [dreg:s22], $0x2FFFF;
	_ =	strace $0x9FFFFFFF  }
0xd2: {  	(tm) =	ssettm $0x7FFFFFFF  }
0xd3: {  	_ =	shalt  }
tec
execute0_lowered:
.L_overlay_start_1:
0x0: {  	(tag) =	ssettag $0x1  }
0x1: {  	s1 =	rddreg [dreg:$0x0]  }
0x2: {  	s0 =	rddreg [dreg:$0x1]  }
0x3: {  	s3 =	rddreg [dreg:$0x2];
	s2 =	srdreg.scid  }
0x4: {  	s7 =	stileid.u32;
	s8 =	simm.s32 $0x0;
	s17 =	simm.s32 $0x10400  }
0x5: {  	s18 =	simm.s32 $0x9;
	s19 =	simm.s32 $0x1;
	s20 =	simm.s32 $0x2  }
0x6: {  	s21 =	simm.s32 $0x80;
	s28 =	simm.s32 $0xDC00;
	s5 =	smul.u32 $0xC400, s7  }
0x7: {  	s2 =	sand.u32 $0x1, s2;
	s4 =	sshll.u32 s7, $0x1;
	s7 =	smul.u32 $0x31000, s7  }
0x8: {  	[smem:$0x7FF] =	sst s8;
	s4 =	sor.u32 s2, s4;
	s6 =	smul.u32 $0xC4000, s2  }
0x9: {  	_ =	strace $0x8000004A;
	s2 =	ssub.s32 $0x2, s2;
	s4 =	smul.u32 $0xC40, s4  }
0xa: {  	s22 =	sshrl.u32 s2, $0x1;
	s7 =	sshrl.u32 s7, $0x2;
	s6 =	sadd.s32 s5, s6  }
0xb: {  	s2 =	ssub.s32 s2, s22;
	s24 =	sadd.s32 s7, s3;
	s7 =	sadd.s32 s5, s3  }
0xc: {  	s5 =	simm.s32 $0x6200;
	s22 =	simm.s32 $0xC400;
	s4 =	sadd.s32 s4, s0  }
0xd: {  	s6 =	sshrl.u32 s6, $0x3;
	s25 =	sadd.s32 $0x1C00, s24;
	s26 =	sadd.s32 $0x3800, s24  }
0xe: {  	s29 =	sadd.s32 $0x5400, s24;
	s30 =	sadd.s32 $0x7000, s24;
	[dreg:$0x6] =	wrdreg s25  }
0xf: {  	s31 =	sadd.s32 $0x8C00, s24;
	s13 =	sadd.s32 $0xA800, s24;
	[dreg:$0x7] =	wrdreg s26  }
0x10: {  	s15 =	smax.u32 s2, $0x1;
	s2 =	simm.s32 $0x5;
	[dreg:$0x8] =	wrdreg s29  }
0x11: {  	s24 =	simm.s32 $0x6;
	s0 =	sadd.s32 s6, s0;
	[dreg:$0x9] =	wrdreg s30  }
0x12: {  	s23 =	sadd.s32 $0x1A200, s4;
	s4 =	sadd.s32 $0x1A00, s4;
	[dreg:$0xa] =	wrdreg s31  }
0x13: {  	s25 =	simm.s32 $0xD400;
	s26 =	simm.s32 $0x0;
	[dreg:$0x4] =	wrdreg s23  }
0x14: {  	v0 =	vimm.f32 $0.0e+00;
	[dreg:$0x5] =	wrdreg s4;
	s14 =	sadd.s32 $0x63A00, s0;
	s23 =	simm.s32 $0xCC00  }
.LBB2_1:
0x15: {  	s0 =	simm.s32 $0x0;
	s4 =	rddreg [dreg:$0x4]  }
0x16: {  	[tilespmem:s0], [sflag:$0x1] =	stream.linear.gather [hbm4b:s4+s0], $0x6200, $0x38;
	[tilespmem:$0x1E400] =	vst v63  }
0x17: {  	s31 =	rddreg [dreg:$0x5]  }
0x18: {  	[tilespmem:s5], [sflag:$0x2] =	stream.linear.gather [hbm4b:s31+s0], $0x6200, $0x38;
	[tilespmem:$0x1E400] =	vst v63  }
0x19: {  	s4 =	simm.s32 $0x0;
	s0 =	simm.s32 $0x40  }
.LBB2_2:
0x1a: {  	p0 =	sne.s32 s0, $0x6FC0;
	[tilespmem:s4+$0x10400] =	vst v0;
	s4 =	smov.u32 s0;
	s0 =	sadd.s32 $0x40, s0  }
.Ltmp0:
0x1b: {  	(pc) =	sbr.rel @p0 .LBB2_2-.Ltmp0, $2  }
0x1c: {  	_ =	sdelay $0x2  }
0x1d: {  	s4 =	sshra.s32 s4, $0x2  }
0x1e: {  	[tilespmem:s4+$0x10400] =	vst v0  }
0x1f: {  	[spmem:s7] =	stream.linear.scatter [tilespmem:s17], [sflag:$0x9], $0x1C00, $0x38;
	[tilespmem:$0x1E400] =	vst v63  }
0x20: {  	_ =	swait.ge [sflag:s18], $0x1C00  }
0x21: {  	[sflag:s18] =	ssyncset.done $0x0  }
0x22: {  	s0 =	rddreg [dreg:$0x6];
	[sflag:s18] =	ssyncadd.s32 $0xFFFFE400  }
0x23: {  	[spmem:s0] =	stream.linear.scatter [tilespmem:s17], [sflag:$0x9], $0x1C00, $0x38;
	[tilespmem:$0x1E400] =	vst v63  }
0x24: {  	_ =	swait.ge [sflag:s18], $0x1C00  }
0x25: {  	[sflag:s18] =	ssyncset.done $0x0  }
0x26: {  	s8 =	rddreg [dreg:$0x7];
	[sflag:s18] =	ssyncadd.s32 $0xFFFFE400  }
0x27: {  	[spmem:s8] =	stream.linear.scatter [tilespmem:s17], [sflag:$0x9], $0x1C00, $0x38;
	[tilespmem:$0x1E400] =	vst v63  }
0x28: {  	_ =	swait.ge [sflag:s18], $0x1C00  }
0x29: {  	[sflag:s18] =	ssyncset.done $0x0  }
0x2a: {  	s9 =	rddreg [dreg:$0x8];
	[sflag:s18] =	ssyncadd.s32 $0xFFFFE400  }
0x2b: {  	[spmem:s9] =	stream.linear.scatter [tilespmem:s17], [sflag:$0x9], $0x1C00, $0x38;
	[tilespmem:$0x1E400] =	vst v63  }
0x2c: {  	_ =	swait.ge [sflag:s18], $0x1C00  }
0x2d: {  	[sflag:s18] =	ssyncset.done $0x0  }
0x2e: {  	s10 =	rddreg [dreg:$0x9];
	[sflag:s18] =	ssyncadd.s32 $0xFFFFE400  }
0x2f: {  	[spmem:s10] =	stream.linear.scatter [tilespmem:s17], [sflag:$0x9], $0x1C00, $0x38;
	[tilespmem:$0x1E400] =	vst v63  }
0x30: {  	_ =	swait.ge [sflag:s18], $0x1C00  }
0x31: {  	[sflag:s18] =	ssyncset.done $0x0  }
0x32: {  	s11 =	rddreg [dreg:$0xa];
	[sflag:s18] =	ssyncadd.s32 $0xFFFFE400  }
0x33: {  	[spmem:s11] =	stream.linear.scatter [tilespmem:s17], [sflag:$0x9], $0x1C00, $0x38;
	[tilespmem:$0x1E400] =	vst v63  }
0x34: {  	_ =	swait.ge [sflag:s18], $0x1C00  }
0x35: {  	[sflag:s18] =	ssyncset.done $0x0  }
0x36: {  	[sflag:s18] =	ssyncadd.s32 $0xFFFFE400  }
0x37: {  	[spmem:s13] =	stream.linear.scatter [tilespmem:s17], [sflag:$0x9], $0x1C00, $0x38;
	[tilespmem:$0x1E400] =	vst v63  }
0x38: {  	_ =	swait.ge [sflag:s18], $0x1C00  }
0x39: {  	[sflag:s18] =	ssyncset.done $0x0  }
0x3a: {  	[sflag:s18] =	ssyncadd.s32 $0xFFFFE400  }
0x3b: {  	_ =	swait.ge [sflag:s19], $0x6200  }
0x3c: {  	[sflag:s19] =	ssyncset.done $0x0  }
0x3d: {  	[sflag:s19] =	ssyncadd.s32 $0xFFFF9E00  }
0x3e: {  	_ =	swait.ge [sflag:s20], $0x6200  }
0x3f: {  	[sflag:s20] =	ssyncset.done $0x0  }
0x40: {  	[sflag:s20] =	ssyncadd.s32 $0xFFFF9E00  }
0x41: {  	s12 =	simm.s32 $0x0;
	[bflag:$0x0] =	sbarrier.arrive $0xFFFF  }
0x42: {  	[tilespmem:s22], [sflag:$0x1] =	stream.indirect.gather [hbm4b:s1+s21], $0x10, s12, s21, $0xb8;
	[tilespmem:$0x1E400] =	vst v63  }
0x43: {  	_ = 	snop  }
0x44: {  	[tilespmem:s23], [sflag:$0x1] =	stream.indirect.gather [hbm4b:s1+s21], $0x10, s21, s21, $0xb8;
	[tilespmem:$0x1E400] =	vst v63  }
0x45: {  	s16 =	simm.s32 $0x100  }
0x46: {  	[tilespmem:s25], [sflag:$0x2] =	stream.indirect.gather [hbm4b:s1+s21], $0x10, s16, s21, $0xb8;
	[tilespmem:$0x1E400] =	vst v63  }
0x47: {  	s4 =	simm.s32 $0x180  }
0x48: {  	[tilespmem:s28], [sflag:$0x2] =	stream.indirect.gather [hbm4b:s1+s21], $0x10, s4, s21, $0xb8;
	[tilespmem:$0x1E400] =	vst v63  }
0x49: {  	_ =	swait.ge [sflag:s19], $0x800  }
0x4a: {  	[sflag:s19] =	ssyncset.done $0x0  }
0x4b: {  	[sflag:s19] =	ssyncadd.s32 $0xFFFFF800  }
0x4c: {  	_ =	swait.ge [sflag:s19], $0x800  }
0x4d: {  	[sflag:s19] =	ssyncset.done $0x0  }
0x4e: {  	[sflag:s19] =	ssyncadd.s32 $0xFFFFF800  }
0x4f: {  	[spmem:s3] =	stream.indirect.scatter.add.f32 [tilespmem:s22], [sflag:$0x5], $0x10, s5, s21, $0xb8;
	[tilespmem:$0x1E400] =	vst v63  }
0x50: {  	s6 =	simm.s32 $0x6280  }
0x51: {  	[spmem:s3] =	stream.indirect.scatter.add.f32 [tilespmem:s23], [sflag:$0x5], $0x10, s6, s21, $0xb8;
	[tilespmem:$0x1E400] =	vst v63  }
0x52: {  	s8 =	simm.s32 $0x200;
	s9 =	simm.s32 $0xE400  }
0x53: {  	[tilespmem:s9], [sflag:$0x3] =	stream.indirect.gather [hbm4b:s1+s21], $0x10, s8, s21, $0xb8;
	[tilespmem:$0x1E400] =	vst v63  }
0x54: {  	s10 =	simm.s32 $0x280;
	s11 =	simm.s32 $0xEC00  }
0x55: {  	[tilespmem:s11], [sflag:$0x3] =	stream.indirect.gather [hbm4b:s1+s21], $0x10, s10, s21, $0xb8;
	[tilespmem:$0x1E400] =	vst v63  }
0x56: {  	_ =	swait.ge [sflag:s20], $0x800  }
0x57: {  	[sflag:s20] =	ssyncset.done $0x0  }
0x58: {  	[sflag:s20] =	ssyncadd.s32 $0xFFFFF800  }
0x59: {  	_ =	swait.ge [sflag:s20], $0x800  }
0x5a: {  	[sflag:s20] =	ssyncset.done $0x0  }
0x5b: {  	s12 =	simm.s32 $0x6300;
	[sflag:s20] =	ssyncadd.s32 $0xFFFFF800  }
0x5c: {  	[spmem:s3] =	stream.indirect.scatter.add.f32 [tilespmem:s25], [sflag:$0x6], $0x10, s12, s21, $0xb8;
	[tilespmem:$0x1E400] =	vst v63  }
0x5d: {  	s16 =	simm.s32 $0x6380;
	s9 =	simm.s32 $0x2  }
0x5e: {  	[spmem:s3] =	stream.indirect.scatter.add.f32 [tilespmem:s28], [sflag:$0x6], $0x10, s16, s21, $0xb8;
	[tilespmem:$0x1E400] =	vst v63  }
0x5f: {  	s4 =	simm.s32 $0x300;
	s5 =	simm.s32 $0xF400;
	s0 =	sand.u32 $0x3, s9  }
0x60: {  	[tilespmem:s5], [sflag:$0x4] =	stream.indirect.gather [hbm4b:s1+s21], $0x10, s4, s21, $0xb8;
	[tilespmem:$0x1E400] =	vst v63  }
0x61: {  	s6 =	simm.s32 $0x380;
	s8 =	simm.s32 $0xFC00;
	s10 =	sadd.s32 $0x1, s0  }
0x62: {  	[tilespmem:s8], [sflag:$0x4] =	stream.indirect.gather [hbm4b:s1+s21], $0x10, s6, s21, $0xb8;
	[tilespmem:$0x1E400] =	vst v63  }
0x63: {  	_ =	swait.ge [sflag:s10], $0x800  }
0x64: {  	[sflag:s10] =	ssyncset.done $0x0  }
0x65: {  	[sflag:s10] =	ssyncadd.s32 $0xFFFFF800  }
0x66: {  	s9 =	simm.s32 $0x6400;
	_ =	swait.ge [sflag:s10], $0x800  }
0x67: {  	s11 =	simm.s32 $0x4;
	s6 =	sshll.u32 s0, $0xC;
	[sflag:s10] =	ssyncset.done $0x0  }
0x68: {  	s0 =	sadd.s32 $0x5, s0;
	s8 =	sor.u32 $0xC400, s6;
	[sflag:s10] =	ssyncadd.s32 $0xFFFFF800  }
0x69: {  	[spmem:s3] =	stream.indirect.scatter.add.f32 [tilespmem:s8], [sflag:s0], $0x10, s9, s21, $0xb8;
	[tilespmem:$0x1E400] =	vst v63  }
0x6a: {  	s29 =	simm.s32 $0x400;
	p0 =	por $0x0, $0x0;
	s9 =	sand.u32 $0x3, s11  }
0x6b: {  	s16 =	simm.s32 $0x6480;
	s12 =	sor.u32 $0xCC00, s6;
	s5 =	sadd.s32 $0x5, s9  }
0x6c: {  	[spmem:s3] =	stream.indirect.scatter.add.f32 [tilespmem:s12], [sflag:s0], $0x10, s16, s21, $0xb8;
	[tilespmem:$0x1E400] =	vst v63  }
0x6d: {  	s30 =	simm.s32 $0x5;
	s31 =	simm.s32 $0x3;
	_ =	swait.ge [sflag:s5], $0x800  }
0x6e: {  	s4 =	sand.u32 $0x3, s31;
	s10 =	simm.s32 @!p0 $0x400;
	[sflag:s5] =	ssyncset.done $0x0  }
0x6f: {  	s8 =	sshll.u32 @!p0 s9, $0xC;
	s6 =	sadd.s32 @!p0 $0x1, s9;
	[sflag:s5] =	ssyncadd.s32 $0xFFFFF800  }
0x70: {  	s9 =	simm.s32 @!p0 $0x0;
	s0 =	simm.s32 $0x800;
	_ =	swait.ge [sflag:s5], $0x800  }
.LBB2_4:
0x71: {  	[sflag:s5] =	ssyncset.done $0x0;
	s11 =	sor.u32 @!p0 $0xC400, s8  }
0x72: {  	s16 =	simm.s32 @!p0 $0x80;
	s12 =	smov.u32 s29;
	s29 =	smov.u32 s0  }
0x73: {  	[sflag:s5] =	ssyncadd.s32 $0xFFFFF800;
	s5 =	sor.u32 @!p0 $0xCC00, s8;
	s8 =	sadd.s32 @!p0 $0x480, s9  }
0x74: {  	[tilespmem:s11], [sflag:s6] =	stream.indirect.gather @!p0 [hbm4b:s1+s16], $0x10, s10, s16, $0xb8;
	[tilespmem:$0x1E400] =	vst v63  }
0x75: {  	s0 =	sadd.s32 $0x400, s0;
	s9 =	sadd.s32 $0x1, s4  }
0x76: {  	[tilespmem:s5], [sflag:s6] =	stream.indirect.gather @!p0 [hbm4b:s1+s16], $0x10, s8, s16, $0xb8;
	[tilespmem:$0x1E400] =	vst v63  }
0x77: {  	p1 =	sne.s32 s0, $0x18000;
	_ =	swait.ge [sflag:s9], $0x800  }
0x78: {  	s5 =	sshll.u32 s4, $0xC;
	[sflag:s9] =	ssyncset.done $0x0  }
0x79: {  	s6 =	sshra.s32 s12, $0x2;
	s4 =	sadd.s32 $0x5, s4;
	[sflag:s9] =	ssyncadd.s32 $0xFFFFF800  }
0x7a: {  	s8 =	sor.u32 $0xC400, s5;
	s10 =	sadd.s32 $0x6400, s6;
	_ =	swait.ge [sflag:s9], $0x800  }
0x7b: {  	[sflag:s9] =	ssyncset.done $0x0  }
0x7c: {  	s5 =	sor.u32 $0xCC00, s5;
	s6 =	sadd.s32 $0x6480, s6;
	[sflag:s9] =	ssyncadd.s32 $0xFFFFF800  }
0x7d: {  	[spmem:s3] =	stream.indirect.scatter.add.f32 [tilespmem:s8], [sflag:s4], $0x10, s10, s21, $0xb8;
	[tilespmem:$0x1E400] =	vst v63  }
0x7e: {  	s9 =	sand.u32 $0x3, s30  }
0x7f: {  	[spmem:s3] =	stream.indirect.scatter.add.f32 [tilespmem:s5], [sflag:s4], $0x10, s6, s21, $0xb8;
	[tilespmem:$0x1E400] =	vst v63  }
.Ltmp1:
0x80: {  	s5 =	sadd.s32 $0x5, s9;
	(pc) =	sbr.rel @p1 .LBB2_4-.Ltmp1, $4  }
0x81: {  	p0 =	sgt.u32 s31, $0x5F;
	s30 =	sadd.s32 $0x1, s30;
	_ =	swait.ge [sflag:s5], $0x800  }
0x82: {  	s8 =	sshll.u32 @!p0 s9, $0xC;
	s6 =	sadd.s32 @!p0 $0x1, s9;
	[sflag:s5] =	ssyncset.done $0x0  }
0x83: {  	s31 =	sadd.s32 $0xFFFFFFFE, s30;
	s9 =	sshra.s32 @!p0 s12, $0x2;
	[sflag:s5] =	ssyncadd.s32 $0xFFFFF800  }
0x84: {  	s4 =	sand.u32 $0x3, s31;
	s10 =	sadd.s32 @!p0 $0x400, s9;
	_ =	swait.ge [sflag:s5], $0x800  }
0x85: {  	[sflag:s5] =	ssyncset.done $0x0  }
0x86: {  	s0 =	sor.u32 @!p0 $0xC400, s8;
	s11 =	simm.s32 @!p0 $0x80;
	[sflag:s5] =	ssyncadd.s32 $0xFFFFF800  }
0x87: {  	[tilespmem:s0], [sflag:s6] =	stream.indirect.gather @!p0 [hbm4b:s1+s11], $0x10, s10, s11, $0xb8;
	[tilespmem:$0x1E400] =	vst v63  }
0x88: {  	s5 =	sadd.s32 @!p0 $0x480, s9;
	s9 =	sadd.s32 $0x1, s4;
	s0 =	sor.u32 @!p0 $0xCC00, s8  }
0x89: {  	[tilespmem:s0], [sflag:s6] =	stream.indirect.gather @!p0 [hbm4b:s1+s11], $0x10, s5, s11, $0xb8;
	[tilespmem:$0x1E400] =	vst v63  }
0x8a: {  	_ =	swait.ge [sflag:s9], $0x800  }
0x8b: {  	[sflag:s9] =	ssyncset.done $0x0  }
0x8c: {  	s16 =	sshra.s32 s29, $0x2;
	[sflag:s9] =	ssyncadd.s32 $0xFFFFF800  }
0x8d: {  	s12 =	sadd.s32 $0x6400, s16;
	_ =	swait.ge [sflag:s9], $0x800  }
0x8e: {  	s10 =	sadd.s32 $0x5, s4;
	s5 =	sshll.u32 s4, $0xC;
	[sflag:s9] =	ssyncset.done $0x0  }
0x8f: {  	s6 =	sand.u32 $0x3, s30;
	s11 =	sor.u32 $0xC400, s5;
	[sflag:s9] =	ssyncadd.s32 $0xFFFFF800  }
0x90: {  	[spmem:s3] =	stream.indirect.scatter.add.f32 [tilespmem:s11], [sflag:s10], $0x10, s12, s21, $0xb8;
	[tilespmem:$0x1E400] =	vst v63  }
0x91: {  	s0 =	sor.u32 $0xCC00, s5;
	s5 =	sadd.s32 $0x6480, s16;
	s16 =	sadd.s32 $0x5, s6  }
0x92: {  	[spmem:s3] =	stream.indirect.scatter.add.f32 [tilespmem:s0], [sflag:s10], $0x10, s5, s21, $0xb8;
	[tilespmem:$0x1E400] =	vst v63  }
0x93: {  	_ =	swait.ge [sflag:s16], $0x800  }
0x94: {  	[sflag:s16] =	ssyncset.done $0x0  }
0x95: {  	p0 =	sgt.u32 s31, $0x5F;
	[sflag:s16] =	ssyncadd.s32 $0xFFFFF800  }
0x96: {  	s4 =	sshll.u32 @!p0 s6, $0xC;
	s6 =	sadd.s32 @!p0 $0x1, s6;
	_ =	swait.ge [sflag:s16], $0x800  }
0x97: {  	s9 =	sor.u32 @!p0 $0xC400, s4;
	s5 =	sshra.s32 @!p0 s29, $0x2;
	[sflag:s16] =	ssyncset.done $0x0  }
0x98: {  	s10 =	simm.s32 @!p0 $0x80;
	s8 =	sadd.s32 @!p0 $0x400, s5;
	[sflag:s16] =	ssyncadd.s32 $0xFFFFF800  }
0x99: {  	[tilespmem:s9], [sflag:s6] =	stream.indirect.gather @!p0 [hbm4b:s1+s10], $0x10, s8, s10, $0xb8;
	[tilespmem:$0x1E400] =	vst v63  }
0x9a: {  	s0 =	sor.u32 @!p0 $0xCC00, s4;
	s4 =	sadd.s32 @!p0 $0x480, s5  }
0x9b: {  	[tilespmem:s0], [sflag:s6] =	stream.indirect.gather @!p0 [hbm4b:s1+s10], $0x10, s4, s10, $0xb8;
	[tilespmem:$0x1E400] =	vst v63  }
0x9c: {  	_ =	swait.ge [sflag:s2], $0x800  }
0x9d: {  	[sflag:s2] =	ssyncset.done $0x0  }
0x9e: {  	[sflag:s2] =	ssyncadd.s32 $0xFFFFF800  }
0x9f: {  	_ =	swait.ge [sflag:s2], $0x800  }
0xa0: {  	[sflag:s2] =	ssyncset.done $0x0  }
0xa1: {  	[sflag:s2] =	ssyncadd.s32 $0xFFFFF800  }
0xa2: {  	_ =	swait.ge [sflag:s24], $0x800  }
0xa3: {  	[sflag:s24] =	ssyncset.done $0x0  }
0xa4: {  	[sflag:s24] =	ssyncadd.s32 $0xFFFFF800  }
0xa5: {  	s26 =	sadd.s32 $0x1, s26;
	_ =	swait.ge [sflag:s24], $0x800  }
0xa6: {  	s30 =	stileid.u32;
	s31 =	sshrl.u32 s7, $0x3;
	[sflag:s24] =	ssyncset.done $0x0  }
0xa7: {  	s0 =	sshll.u32 s30, $0x6;
	p0 =	sne.s32 s26, s15;
	[sflag:s24] =	ssyncadd.s32 $0xFFFFF800  }
.Ltmp2:
0xa8: {  	s0 =	sor.u32 $0x1C09, s0;
	[bflag:$0x0] =	sbarrier.arrive $0xFFFF;
	(pc) =	sbr.rel @p0 .LBB2_1-.Ltmp2, $4  }
0xa9: {  	[hbm:s14], [sflag:s0] =	dma.local [spmem:s31], $0x1880  }
0xaa: {  	_ =	swait.ge [sflag:s18], $0x1880  }
0xab: {  	[sflag:s18] =	ssyncset.done $0x0  }
0xac: {  	s5 =	simm.s32 $0x6200;
	[sflag:s18] =	ssyncadd.s32 $0xFFFFE780  }
0xad: {  	_ =	sfence.sel $0x180000  }
0xae: {  	[bflag:$0x0] =	sbarrier.arrive $0xFFFF  }
0xaf: {  	_ =	strace $0x9000004A  }
0xb0: {  	s0 =	stileid.u32;
	[bflag:$0x2] =	sbarrier.arrive $0xFFFF  }
0xb1: {  	p0 =	sne.s32 s0, $0x0;
	s0 =	rddreg [dreg:$0x3]  }
0xb2: {  	s0 =	sadd.s32 @!p0 $0x100000, s0  }
0xb3: {  	[sflag:s0] =	ssyncadd.tile.s32 @!p0 $0x1;
	_ =	shalt  }
.Lfunc_end2:
_tile_overlayer_lowered:
.L_overlay_start_2:
0xb4: {  	(tag) =	ssettag $0x2  }
0xb5: {  	s0 =	rddreg [dreg:$0x0];
	s2 =	stileid.u32  }
0xb6: {  	s1 =	rddreg [dreg:$0x1];
	p0 =	sne.s32 s2, $0x0  }
0xb7: {  	s3 =	rddreg [dreg:$0x2];
	[bflag:$0x3] =	sbarrier.arrive $0xFFFF;
	s2 =	simm.s32 @!p0 $0x1C09  }
0xb8: {  	[timem:s3], [sflag:s2] =	dma.local @!p0 [hbm:s0], s1  }
0xb9: {  	s0 =	simm.s32 @!p0 $0x9  }
0xba: {  	_ =	swait.ge @!p0 [sflag:s0], s1  }
0xbb: {  	s1 =	ssub.s32 @!p0 $0x0, s1;
	[sflag:s0] =	ssyncset.done @!p0 $0x0  }
0xbc: {  	[sflag:s0] =	ssyncadd.s32 @!p0 s1  }
0xbd: {  	[bflag:$0x3] =	sbarrier.arrive $0xFFFF  }
0xbe: {  	_ =	shalt  }

</sc_bundles>
